<compile_context>
chip_gen: v7x
topology: tpu7x:2x2x1
jax: 0.10.2.dev20260603
libtpu: 0.0.44.dev20260713+nightly
codegen_flags: <defaults>
</compile_context>

<pallas_src>
import functools

import jax
import jax.numpy as jnp
from jax import lax
from jax.experimental import pallas as pl
from jax.experimental.pallas import tpu as pltpu
from jax.experimental.pallas import tpu_sc as plsc

NC = 2
NS = 16
L = 16
RW = 128
NW = NC * NS


def _geometry(n, m):
    rows = -(-n // (NW * RW))
    m_pad = (m // (NS * L) + 1) * NS * L
    return rows, m_pad


def _make_k1(n, m, rows, m_pad):
    msl = m_pad // NS
    ch = rows * RW
    v_last = n - (NW - 1) * ch
    tail = ch - v_last
    pr = ((m_pad - m) // L) * L

    def body(idx_hbm, chg_hbm, psum_hbm, pcnt_hbm,
             ssum, scnt, idx_v, val_v, zf, zi, cpos_v,
             sysr, cntr, sumr, sem_st):
        c = lax.axis_index("c")
        s = lax.axis_index("s")
        wid = s * NC + c
        base = wid * ch

        @pl.when(wid < NW - 1)
        def _():
            pltpu.async_copy(idx_hbm.at[pl.ds(base, ch)],
                             idx_v.at[pl.ds(0, ch)], sem_st)
            pltpu.async_copy(chg_hbm.at[pl.ds(base, ch)], val_v, sem_st)

        @pl.when(wid == NW - 1)
        def _():
            pltpu.async_copy(idx_hbm.at[pl.ds(base, v_last)],
                             idx_v.at[pl.ds(0, v_last)], sem_st)
            pltpu.async_copy(chg_hbm.at[pl.ds(base, v_last)],
                             val_v.at[pl.ds(0, v_last)], sem_st)

        def zbody(i, carry):
            zf[pl.ds(i * L, L)] = jnp.zeros((L,), jnp.float32)
            zi[pl.ds(i * L, L)] = jnp.zeros((L,), jnp.int32)
            return carry

        lax.fori_loop(0, msl // L, zbody, 0)
        pltpu.sync_copy(zf, ssum.at[pl.ds(s * msl, msl)])
        pltpu.sync_copy(zi, scnt.at[pl.ds(s * msl, msl)])
        plsc.subcore_barrier()

        @pl.when(wid < NW - 1)
        def _():
            pltpu.make_async_copy(idx_hbm.at[pl.ds(base, ch)],
                                  idx_v.at[pl.ds(0, ch)], sem_st).wait()
            pltpu.make_async_copy(chg_hbm.at[pl.ds(base, ch)],
                                  val_v, sem_st).wait()

        @pl.when(wid == NW - 1)
        def _():
            pltpu.make_async_copy(idx_hbm.at[pl.ds(base, v_last)],
                                  idx_v.at[pl.ds(0, v_last)], sem_st).wait()
            pltpu.make_async_copy(chg_hbm.at[pl.ds(base, v_last)],
                                  val_v.at[pl.ds(0, v_last)], sem_st).wait()

            def tbody(i, carry):
                lanes = pl.ds(v_last + i * L, L)
                idx_v[lanes] = jnp.full((L,), m, jnp.int32) + lax.rem(
                    i, jnp.int32(pr))
                val_v[lanes] = jnp.zeros((L,), jnp.float32)
                return carry

            lax.fori_loop(0, tail // L, tbody, 0)

        ve = jnp.where(wid == NW - 1, v_last, ch)
        idx_v[pl.ds(ve, L)] = jnp.full((L,), m, jnp.int32)
        cpos_v[pl.ds(0, L)] = jnp.zeros((L,), jnp.int32)
        ptr0 = jnp.int32(1)
        iota_l = lax.iota(jnp.int32, L)

        def kbody(i, carry):
            ptr, cy = carry
            sl = pl.ds(i * L, L)
            pos = jnp.full((L,), i * L, jnp.int32) + iota_l
            idxv = idx_v[sl]
            sh = plsc.load_gather(idx_v, [jnp.maximum(pos - 1, 0)])
            mask = idxv != sh
            cum = plsc.cumsum(val_v[sl]) + cy
            val_v[sl] = cum
            cy2 = plsc.load_gather(
                val_v, [jnp.full((L,), i * L + L - 1, jnp.int32)])
            plsc.store_compressed(cpos_v.at[pl.ds(ptr, L)], pos, mask=mask)
            pc = plsc.all_reduce_population_count(mask)
            return ptr + jnp.max(pc), cy2

        nb, _ = lax.fori_loop(0, rows * (RW // L), kbody,
                              (ptr0, jnp.zeros((L,), jnp.float32)))

        def pbody(k, carry):
            cpos_v[pl.ds(nb + k * L, L)] = jnp.full((L,), ve, jnp.int32)
            return carry

        lax.fori_loop(0, (RW + L) // L + 1, pbody, 0)

        def rbody(r, carry):
            for q in range(RW // L):
                qpos = jnp.full((L,), 0, jnp.int32) + r * RW + q * L + iota_l
                cp = plsc.load_gather(cpos_v, [qpos])
                cpn = plsc.load_gather(cpos_v, [qpos + 1])
                sysr[pl.ds(q * L, L)] = plsc.load_gather(idx_v, [cp])
                cntr[pl.ds(q * L, L)] = cpn - cp
                cprev = plsc.load_gather(val_v, [jnp.maximum(cp - 1, 0)])
                cprev = jnp.where(cp == 0, jnp.zeros((L,), jnp.float32),
                                  cprev)
                cend = plsc.load_gather(val_v, [jnp.maximum(cpn - 1, 0)])
                sumr[pl.ds(q * L, L)] = cend - cprev
            pltpu.sync_copy(sumr, ssum.at[sysr], add=True)
            pltpu.sync_copy(cntr, scnt.at[sysr], add=True)
            return carry

        lax.fori_loop(0, (nb + RW - 1) // RW, rbody, 0)
        plsc.subcore_barrier()
        pltpu.sync_copy(ssum.at[pl.ds(s * msl, msl)], zf)
        pltpu.sync_copy(zf, psum_hbm.at[pl.ds(c * m_pad + s * msl, msl)])
        pltpu.sync_copy(scnt.at[pl.ds(s * msl, msl)], zi)
        pltpu.sync_copy(zi, pcnt_hbm.at[pl.ds(c * m_pad + s * msl, msl)])

    return pl.kernel(
        body,
        out_type=[jax.ShapeDtypeStruct((NC * m_pad,), jnp.float32),
                  jax.ShapeDtypeStruct((NC * m_pad,), jnp.int32)],
        mesh=plsc.VectorSubcoreMesh(core_axis_name="c", subcore_axis_name="s",
                                    num_cores=NC, num_subcores=NS),
        compiler_params=pltpu.CompilerParams(needs_layout_passes=False),
        scratch_types=[
            pltpu.VMEM_SHARED((m_pad,), jnp.float32),
            pltpu.VMEM_SHARED((m_pad,), jnp.int32),
            pltpu.VMEM((ch + L,), jnp.int32),
            pltpu.VMEM((ch,), jnp.float32),
            pltpu.VMEM((msl,), jnp.float32),
            pltpu.VMEM((msl,), jnp.int32),
            pltpu.VMEM((ch + 2 * RW,), jnp.int32),
            pltpu.VMEM((RW,), jnp.int32),
            pltpu.VMEM((RW,), jnp.int32),
            pltpu.VMEM((RW,), jnp.float32),
            pltpu.SemaphoreType.DMA,
        ],
    )


def _make_k2(n, m, rows, m_pad):
    msl = m_pad // NS
    ch = rows * RW
    v_last = n - (NW - 1) * ch
    tail = ch - v_last
    pr = ((m_pad - m) // L) * L
    m_tail = m - (NS - 1) * msl
    CW = 1024

    def body(idx_hbm, chg_hbm, psum_hbm, pcnt_hbm, tot_hbm, out_hbm,
             scorr, idx_v, val_v, win_v, s0v, s1v, n0v, n1v, totv, cbuf,
             sem_st):
        c = lax.axis_index("c")
        s = lax.axis_index("s")
        wid = s * NC + c
        base = wid * ch
        bm = s * msl

        @pl.when(wid < NW - 1)
        def _():
            pltpu.async_copy(idx_hbm.at[pl.ds(base, ch)], idx_v, sem_st)
            pltpu.async_copy(chg_hbm.at[pl.ds(base, ch)], val_v, sem_st)

        @pl.when(wid == NW - 1)
        def _():
            pltpu.async_copy(idx_hbm.at[pl.ds(base, v_last)],
                             idx_v.at[pl.ds(0, v_last)], sem_st)
            pltpu.async_copy(chg_hbm.at[pl.ds(base, v_last)],
                             val_v.at[pl.ds(0, v_last)], sem_st)

        pltpu.sync_copy(psum_hbm.at[pl.ds(bm, msl)], s0v)
        pltpu.sync_copy(psum_hbm.at[pl.ds(m_pad + bm, msl)], s1v)
        pltpu.sync_copy(pcnt_hbm.at[pl.ds(bm, msl)], n0v)
        pltpu.sync_copy(pcnt_hbm.at[pl.ds(m_pad + bm, msl)], n1v)

        @pl.when(s < NS - 1)
        def _():
            pltpu.sync_copy(tot_hbm.at[pl.ds(bm, msl)], totv)

        @pl.when(s == NS - 1)
        def _():
            pltpu.sync_copy(tot_hbm.at[pl.ds(bm, m_tail)],
                            totv.at[pl.ds(0, m_tail)])

        def cbody(i, carry):
            sl = pl.ds(i * L, L)
            seg_sum = s0v[sl] + s1v[sl]
            cnt = (n0v[sl] + n1v[sl]).astype(jnp.float32)
            cbuf[sl] = (totv[sl] - seg_sum) / cnt
            return carry

        lax.fori_loop(0, msl // L, cbody, 0)
        pltpu.sync_copy(cbuf, scorr.at[pl.ds(bm, msl)])
        plsc.subcore_barrier()

        @pl.when(wid < NW - 1)
        def _():
            pltpu.make_async_copy(idx_hbm.at[pl.ds(base, ch)],
                                  idx_v, sem_st).wait()
            pltpu.make_async_copy(chg_hbm.at[pl.ds(base, ch)],
                                  val_v, sem_st).wait()

        @pl.when(wid == NW - 1)
        def _():
            pltpu.make_async_copy(idx_hbm.at[pl.ds(base, v_last)],
                                  idx_v.at[pl.ds(0, v_last)], sem_st).wait()
            pltpu.make_async_copy(chg_hbm.at[pl.ds(base, v_last)],
                                  val_v.at[pl.ds(0, v_last)], sem_st).wait()

            def tbody(i, carry):
                lanes = pl.ds(v_last + i * L, L)
                idx_v[lanes] = jnp.full((L,), m, jnp.int32) + lax.rem(
                    i, jnp.int32(pr))
                val_v[lanes] = jnp.zeros((L,), jnp.float32)
                return carry

            lax.fori_loop(0, tail // L, tbody, 0)

        ve = jnp.where(wid == NW - 1, v_last, ch)
        lo8 = (idx_v[pl.ds(0, L)][0] // 8) * 8
        hi = idx_v[pl.ds(ve - L, L)][L - 1]
        width = hi - lo8 + 1
        ncw = (width + CW - 1) // CW
        start_cap = ((m_pad - CW) // 8) * 8

        def wbody(k, carry):
            st = jnp.minimum(lo8 + k * CW, start_cap)
            pltpu.sync_copy(scorr.at[pl.ds(st, CW)],
                            win_v.at[pl.ds(st - lo8, CW)])
            return carry

        lax.fori_loop(0, ncw, wbody, 0)

        lo_v = jnp.full((L,), lo8, jnp.int32)

        def gbody(j, carry):
            for l in range(RW // L):
                sl = pl.ds(j * RW + l * L, L)
                off = idx_v[sl] - lo_v
                g = plsc.load_gather(win_v, [off])
                val_v[sl] = val_v[sl] + g
            return carry

        lax.fori_loop(0, rows, gbody, 0)

        @pl.when(wid < NW - 1)
        def _():
            pltpu.sync_copy(val_v, out_hbm.at[pl.ds(base, ch)])

        @pl.when(wid == NW - 1)
        def _():
            pltpu.sync_copy(val_v.at[pl.ds(0, v_last)],
                            out_hbm.at[pl.ds(base, v_last)])

    return pl.kernel(
        body,
        out_type=jax.ShapeDtypeStruct((n,), jnp.float32),
        mesh=plsc.VectorSubcoreMesh(core_axis_name="c", subcore_axis_name="s",
                                    num_cores=NC, num_subcores=NS),
        compiler_params=pltpu.CompilerParams(needs_layout_passes=False),
        scratch_types=[
            pltpu.VMEM_SHARED((m_pad,), jnp.float32),
            pltpu.VMEM((ch,), jnp.int32),
            pltpu.VMEM((ch,), jnp.float32),
            pltpu.VMEM((m_pad,), jnp.float32),
            pltpu.VMEM((msl,), jnp.float32),
            pltpu.VMEM((msl,), jnp.float32),
            pltpu.VMEM((msl,), jnp.int32),
            pltpu.VMEM((msl,), jnp.int32),
            pltpu.VMEM((msl,), jnp.float32),
            pltpu.VMEM((msl,), jnp.float32),
            pltpu.SemaphoreType.DMA,
        ],
    )


def kernel(per_atom_charge, per_system_total_charge, atomic_subsystem_indices):
    n = per_atom_charge.shape[0]
    m = per_system_total_charge.shape[0]
    rows, m_pad = _geometry(n, m)

    chg = per_atom_charge.reshape(-1).astype(jnp.float32)
    idx = atomic_subsystem_indices.astype(jnp.int32)
    tot = per_system_total_charge.reshape(-1).astype(jnp.float32)

    psum, pcnt = _make_k1(n, m, rows, m_pad)(idx, chg)
    out = _make_k2(n, m, rows, m_pad)(idx, chg, psum, pcnt, tot)
    return out[:, None]

# --- scband reference (transcript-rebuilt; emitter-appended) ---
"""Pipeline reference for scband-charge-conservation-38062000177191 (READ-ONLY COPY).

The authoritative reference and input builder live on the scoring server;
editing this copy changes nothing except your own understanding.
"""

import jax, jax.numpy as jnp
import numpy as np

N = 1_000_000
M = 20_000

def setup_inputs(seed: int = 0) -> dict:
    key = jax.random.key(seed)
    k1, k2, k3 = jax.random.split(key, 3)
    per_atom_charge = jax.random.normal(k1, (N, 1), dtype=jnp.float32)
    per_system_total_charge = jax.random.normal(k2, (M, 1), dtype=jnp.float32)
    atomic_subsystem_indices = jnp.sort(jax.random.randint(k3, (N,), 0, M)).astype(jnp.int64)
    return {
        "per_atom_charge": per_atom_charge,
        "per_system_total_charge": per_system_total_charge,
        "atomic_subsystem_indices": atomic_subsystem_indices,
    }

def reference(per_atom_charge, per_system_total_charge, atomic_subsystem_indices):
    num_systems = per_system_total_charge.shape[0]
    idx = atomic_subsystem_indices.astype(jnp.int32)
    # scatter-add: predicted total charge per system
    predicted_per_system_total_charge = jax.ops.segment_sum(
        per_atom_charge, idx, num_segments=num_systems
    )  # [M, 1]
    # bincount: number of atoms per system
    num_atoms_per_system = jnp.bincount(idx, length=num_systems)  # [M]
    correction_factors = (
        per_system_total_charge - predicted_per_system_total_charge
    ) / num_atoms_per_system[:, None].astype(per_atom_charge.dtype)
    per_atom_charge_corrected = per_atom_charge + correction_factors[idx]
    return per_atom_charge_corrected

if __name__ == "__main__":
    import jax
    _d = setup_inputs()
    print(jax.jit(kernel)(*tuple(_d.values())))

</pallas_src>

<mosaic_0001>
#map = affine_map<(d0, d1) -> (0)>
module attributes {stable_mosaic.version = 14 : i64} {
  func.func @body(%arg0: i32, %arg1: i32, %arg2: memref<1000000xi32, #tpu.memory_space<hbm>>, %arg3: memref<1000000xf32, #tpu.memory_space<hbm>>, %arg4: memref<40448xf32, #tpu.memory_space<hbm>>, %arg5: memref<40448xi32, #tpu.memory_space<hbm>>, %arg6: memref<20000xf32, #tpu.memory_space<hbm>>, %arg7: memref<1000000xf32, #tpu.memory_space<hbm>>, %arg8: memref<20224xf32, #tpu.memory_space<vmem_shared>>, %arg9: memref<31360xi32, #tpu.memory_space<vmem>>, %arg10: memref<31360xf32, #tpu.memory_space<vmem>>, %arg11: memref<20224xf32, #tpu.memory_space<vmem>>, %arg12: memref<1264xf32, #tpu.memory_space<vmem>>, %arg13: memref<1264xf32, #tpu.memory_space<vmem>>, %arg14: memref<1264xi32, #tpu.memory_space<vmem>>, %arg15: memref<1264xi32, #tpu.memory_space<vmem>>, %arg16: memref<1264xf32, #tpu.memory_space<vmem>>, %arg17: memref<1264xf32, #tpu.memory_space<vmem>>, %arg18: memref<!tpu.dma_semaphore, #tpu.memory_space<semaphore_mem>>) attributes {dimension_semantics = [#tpu.dimension_semantics<core_parallel>, #tpu.dimension_semantics<subcore_parallel>], iteration_bounds = array<i64: 2, 16>, scalar_prefetch = 0 : i64, scratch_operands = 11 : i64, tpu.core_type = #tpu.core_type<sc_vector_subcore>, window_params = [{transform_indices = #map}, {transform_indices = #map}, {transform_indices = #map}, {transform_indices = #map}, {transform_indices = #map}, {transform_indices = #map}]} {
    %mul3A = arith.constant 2 : i32
    %mul3A_0 = arith.muli %arg1, %mul3A : i32
    %add3A = arith.addi %mul3A_0, %arg0 : i32
    %mul3A_1 = arith.constant 31360 : i32
    %mul3A_2 = arith.muli %add3A, %mul3A_1 : i32
    %mul3A_3 = arith.constant 1264 : i32
    %mul3A_4 = arith.muli %arg1, %mul3A_3 : i32
    %lt3A = arith.constant 31 : i32
    %lt3A_5 = arith.cmpi slt, %add3A, %lt3A : i32
    %convert_element_type3A = arith.extui %lt3A_5 : i1 to i32
    %cond3A = arith.constant 0 : i32
    %cond3A_6 = arith.cmpi ne, %convert_element_type3A, %cond3A : i32
    scf.if %cond3A_6 {
      %dma_start3A = tpu.memref_slice %arg2[%mul3A_2] : memref<1000000xi32, #tpu.memory_space<hbm>> -> memref<31360xi32, #tpu.memory_space<hbm>>
      %dma_start3A_126 = tpu.memref_slice %arg2[%mul3A_2] : memref<1000000xi32, #tpu.memory_space<hbm>> -> memref<31360xi32, #tpu.memory_space<hbm>>
      tpu.enqueue_dma source(%dma_start3A_126 : memref<31360xi32, #tpu.memory_space<hbm>>) target(%arg9 : memref<31360xi32, #tpu.memory_space<vmem>>) target_semaphore(%arg18 : memref<!tpu.dma_semaphore, #tpu.memory_space<semaphore_mem>>)
      %dma_start3A_127 = tpu.memref_slice %arg3[%mul3A_2] : memref<1000000xf32, #tpu.memory_space<hbm>> -> memref<31360xf32, #tpu.memory_space<hbm>>
      %dma_start3A_128 = tpu.memref_slice %arg3[%mul3A_2] : memref<1000000xf32, #tpu.memory_space<hbm>> -> memref<31360xf32, #tpu.memory_space<hbm>>
      tpu.enqueue_dma source(%dma_start3A_128 : memref<31360xf32, #tpu.memory_space<hbm>>) target(%arg10 : memref<31360xf32, #tpu.memory_space<vmem>>) target_semaphore(%arg18 : memref<!tpu.dma_semaphore, #tpu.memory_space<semaphore_mem>>)
    } else {
    }
    %eq3A = arith.constant 31 : i32
    %eq3A_7 = arith.cmpi eq, %add3A, %eq3A : i32
    %convert_element_type3A_8 = arith.extui %eq3A_7 : i1 to i32
    %cond3A_9 = arith.constant 0 : i32
    %cond3A_10 = arith.cmpi ne, %convert_element_type3A_8, %cond3A_9 : i32
    scf.if %cond3A_10 {
      %dma_start3A = arith.constant 0 : i32
      %dma_start3A_126 = tpu.memref_slice %arg9[%dma_start3A] : memref<31360xi32, #tpu.memory_space<vmem>> -> memref<27840xi32, #tpu.memory_space<vmem>>
      %dma_start3A_127 = tpu.memref_slice %arg2[%mul3A_2] : memref<1000000xi32, #tpu.memory_space<hbm>> -> memref<27840xi32, #tpu.memory_space<hbm>>
      %dma_start3A_128 = arith.constant 0 : i32
      %dma_start3A_129 = tpu.memref_slice %arg9[%dma_start3A_128] : memref<31360xi32, #tpu.memory_space<vmem>> -> memref<27840xi32, #tpu.memory_space<vmem>>
      %dma_start3A_130 = tpu.memref_slice %arg2[%mul3A_2] : memref<1000000xi32, #tpu.memory_space<hbm>> -> memref<27840xi32, #tpu.memory_space<hbm>>
      tpu.enqueue_dma source(%dma_start3A_130 : memref<27840xi32, #tpu.memory_space<hbm>>) target(%dma_start3A_129 : memref<27840xi32, #tpu.memory_space<vmem>>) target_semaphore(%arg18 : memref<!tpu.dma_semaphore, #tpu.memory_space<semaphore_mem>>)
      %dma_start3A_131 = arith.constant 0 : i32
      %dma_start3A_132 = tpu.memref_slice %arg10[%dma_start3A_131] : memref<31360xf32, #tpu.memory_space<vmem>> -> memref<27840xf32, #tpu.memory_space<vmem>>
      %dma_start3A_133 = tpu.memref_slice %arg3[%mul3A_2] : memref<1000000xf32, #tpu.memory_space<hbm>> -> memref<27840xf32, #tpu.memory_space<hbm>>
      %dma_start3A_134 = arith.constant 0 : i32
      %dma_start3A_135 = tpu.memref_slice %arg10[%dma_start3A_134] : memref<31360xf32, #tpu.memory_space<vmem>> -> memref<27840xf32, #tpu.memory_space<vmem>>
      %dma_start3A_136 = tpu.memref_slice %arg3[%mul3A_2] : memref<1000000xf32, #tpu.memory_space<hbm>> -> memref<27840xf32, #tpu.memory_space<hbm>>
      tpu.enqueue_dma source(%dma_start3A_136 : memref<27840xf32, #tpu.memory_space<hbm>>) target(%dma_start3A_135 : memref<27840xf32, #tpu.memory_space<vmem>>) target_semaphore(%arg18 : memref<!tpu.dma_semaphore, #tpu.memory_space<semaphore_mem>>)
    } else {
    }
    "tpu.region"() ({
      %run_scoped3A = tpu.sem_alloc : memref<!tpu.dma_semaphore, #tpu.memory_space<semaphore_mem>>
      %dma_start3A = tpu.memref_slice %arg4[%mul3A_4] : memref<40448xf32, #tpu.memory_space<hbm>> -> memref<1264xf32, #tpu.memory_space<hbm>>
      %dma_start3A_126 = tpu.memref_slice %arg4[%mul3A_4] : memref<40448xf32, #tpu.memory_space<hbm>> -> memref<1264xf32, #tpu.memory_space<hbm>>
      tpu.enqueue_dma source(%dma_start3A_126 : memref<1264xf32, #tpu.memory_space<hbm>>) target(%arg12 : memref<1264xf32, #tpu.memory_space<vmem>>) target_semaphore(%run_scoped3A : memref<!tpu.dma_semaphore, #tpu.memory_space<semaphore_mem>>)
      %dma_wait3A = tpu.memref_slice %arg4[%mul3A_4] : memref<40448xf32, #tpu.memory_space<hbm>> -> memref<1264xf32, #tpu.memory_space<hbm>>
      %dma_wait3A_127 = tpu.memref_slice %arg4[%mul3A_4] : memref<40448xf32, #tpu.memory_space<hbm>> -> memref<1264xf32, #tpu.memory_space<hbm>>
      tpu.wait_dma2 semaphore(%run_scoped3A : memref<!tpu.dma_semaphore, #tpu.memory_space<semaphore_mem>>) src(%dma_wait3A_127 : memref<1264xf32, #tpu.memory_space<hbm>>) dst(%arg12 : memref<1264xf32, #tpu.memory_space<vmem>>)
      tpu.yield
    }) : () -> ()
    %add3A_11 = arith.constant 20224 : i32
    %add3A_12 = arith.addi %add3A_11, %mul3A_4 : i32
    "tpu.region"() ({
      %run_scoped3A = tpu.sem_alloc : memref<!tpu.dma_semaphore, #tpu.memory_space<semaphore_mem>>
      %dma_start3A = tpu.memref_slice %arg4[%add3A_12] : memref<40448xf32, #tpu.memory_space<hbm>> -> memref<1264xf32, #tpu.memory_space<hbm>>
      %dma_start3A_126 = tpu.memref_slice %arg4[%add3A_12] : memref<40448xf32, #tpu.memory_space<hbm>> -> memref<1264xf32, #tpu.memory_space<hbm>>
      tpu.enqueue_dma source(%dma_start3A_126 : memref<1264xf32, #tpu.memory_space<hbm>>) target(%arg13 : memref<1264xf32, #tpu.memory_space<vmem>>) target_semaphore(%run_scoped3A : memref<!tpu.dma_semaphore, #tpu.memory_space<semaphore_mem>>)
      %dma_wait3A = tpu.memref_slice %arg4[%add3A_12] : memref<40448xf32, #tpu.memory_space<hbm>> -> memref<1264xf32, #tpu.memory_space<hbm>>
      %dma_wait3A_127 = tpu.memref_slice %arg4[%add3A_12] : memref<40448xf32, #tpu.memory_space<hbm>> -> memref<1264xf32, #tpu.memory_space<hbm>>
      tpu.wait_dma2 semaphore(%run_scoped3A : memref<!tpu.dma_semaphore, #tpu.memory_space<semaphore_mem>>) src(%dma_wait3A_127 : memref<1264xf32, #tpu.memory_space<hbm>>) dst(%arg13 : memref<1264xf32, #tpu.memory_space<vmem>>)
      tpu.yield
    }) : () -> ()
    "tpu.region"() ({
      %run_scoped3A = tpu.sem_alloc : memref<!tpu.dma_semaphore, #tpu.memory_space<semaphore_mem>>
      %dma_start3A = tpu.memref_slice %arg5[%mul3A_4] : memref<40448xi32, #tpu.memory_space<hbm>> -> memref<1264xi32, #tpu.memory_space<hbm>>
      %dma_start3A_126 = tpu.memref_slice %arg5[%mul3A_4] : memref<40448xi32, #tpu.memory_space<hbm>> -> memref<1264xi32, #tpu.memory_space<hbm>>
      tpu.enqueue_dma source(%dma_start3A_126 : memref<1264xi32, #tpu.memory_space<hbm>>) target(%arg14 : memref<1264xi32, #tpu.memory_space<vmem>>) target_semaphore(%run_scoped3A : memref<!tpu.dma_semaphore, #tpu.memory_space<semaphore_mem>>)
      %dma_wait3A = tpu.memref_slice %arg5[%mul3A_4] : memref<40448xi32, #tpu.memory_space<hbm>> -> memref<1264xi32, #tpu.memory_space<hbm>>
      %dma_wait3A_127 = tpu.memref_slice %arg5[%mul3A_4] : memref<40448xi32, #tpu.memory_space<hbm>> -> memref<1264xi32, #tpu.memory_space<hbm>>
      tpu.wait_dma2 semaphore(%run_scoped3A : memref<!tpu.dma_semaphore, #tpu.memory_space<semaphore_mem>>) src(%dma_wait3A_127 : memref<1264xi32, #tpu.memory_space<hbm>>) dst(%arg14 : memref<1264xi32, #tpu.memory_space<vmem>>)
      tpu.yield
    }) : () -> ()
    %add3A_13 = arith.constant 20224 : i32
    %add3A_14 = arith.addi %add3A_13, %mul3A_4 : i32
    "tpu.region"() ({
      %run_scoped3A = tpu.sem_alloc : memref<!tpu.dma_semaphore, #tpu.memory_space<semaphore_mem>>
      %dma_start3A = tpu.memref_slice %arg5[%add3A_14] : memref<40448xi32, #tpu.memory_space<hbm>> -> memref<1264xi32, #tpu.memory_space<hbm>>
      %dma_start3A_126 = tpu.memref_slice %arg5[%add3A_14] : memref<40448xi32, #tpu.memory_space<hbm>> -> memref<1264xi32, #tpu.memory_space<hbm>>
      tpu.enqueue_dma source(%dma_start3A_126 : memref<1264xi32, #tpu.memory_space<hbm>>) target(%arg15 : memref<1264xi32, #tpu.memory_space<vmem>>) target_semaphore(%run_scoped3A : memref<!tpu.dma_semaphore, #tpu.memory_space<semaphore_mem>>)
      %dma_wait3A = tpu.memref_slice %arg5[%add3A_14] : memref<40448xi32, #tpu.memory_space<hbm>> -> memref<1264xi32, #tpu.memory_space<hbm>>
      %dma_wait3A_127 = tpu.memref_slice %arg5[%add3A_14] : memref<40448xi32, #tpu.memory_space<hbm>> -> memref<1264xi32, #tpu.memory_space<hbm>>
      tpu.wait_dma2 semaphore(%run_scoped3A : memref<!tpu.dma_semaphore, #tpu.memory_space<semaphore_mem>>) src(%dma_wait3A_127 : memref<1264xi32, #tpu.memory_space<hbm>>) dst(%arg15 : memref<1264xi32, #tpu.memory_space<vmem>>)
      tpu.yield
    }) : () -> ()
    %lt3A_15 = arith.constant 15 : i32
    %lt3A_16 = arith.cmpi slt, %arg1, %lt3A_15 : i32
    %convert_element_type3A_17 = arith.extui %lt3A_16 : i1 to i32
    %cond3A_18 = arith.constant 0 : i32
    %cond3A_19 = arith.cmpi ne, %convert_element_type3A_17, %cond3A_18 : i32
    scf.if %cond3A_19 {
      "tpu.region"() ({
        %run_scoped3A = tpu.sem_alloc : memref<!tpu.dma_semaphore, #tpu.memory_space<semaphore_mem>>
        %dma_start3A = tpu.memref_slice %arg6[%mul3A_4] : memref<20000xf32, #tpu.memory_space<hbm>> -> memref<1264xf32, #tpu.memory_space<hbm>>
        %dma_start3A_126 = tpu.memref_slice %arg6[%mul3A_4] : memref<20000xf32, #tpu.memory_space<hbm>> -> memref<1264xf32, #tpu.memory_space<hbm>>
        tpu.enqueue_dma source(%dma_start3A_126 : memref<1264xf32, #tpu.memory_space<hbm>>) target(%arg16 : memref<1264xf32, #tpu.memory_space<vmem>>) target_semaphore(%run_scoped3A : memref<!tpu.dma_semaphore, #tpu.memory_space<semaphore_mem>>)
        %dma_wait3A = tpu.memref_slice %arg6[%mul3A_4] : memref<20000xf32, #tpu.memory_space<hbm>> -> memref<1264xf32, #tpu.memory_space<hbm>>
        %dma_wait3A_127 = tpu.memref_slice %arg6[%mul3A_4] : memref<20000xf32, #tpu.memory_space<hbm>> -> memref<1264xf32, #tpu.memory_space<hbm>>
        tpu.wait_dma2 semaphore(%run_scoped3A : memref<!tpu.dma_semaphore, #tpu.memory_space<semaphore_mem>>) src(%dma_wait3A_127 : memref<1264xf32, #tpu.memory_space<hbm>>) dst(%arg16 : memref<1264xf32, #tpu.memory_space<vmem>>)
        tpu.yield
      }) : () -> ()
    } else {
    }
    %eq3A_20 = arith.constant 15 : i32
    %eq3A_21 = arith.cmpi eq, %arg1, %eq3A_20 : i32
    %convert_element_type3A_22 = arith.extui %eq3A_21 : i1 to i32
    %cond3A_23 = arith.constant 0 : i32
    %cond3A_24 = arith.cmpi ne, %convert_element_type3A_22, %cond3A_23 : i32
    scf.if %cond3A_24 {
      "tpu.region"() ({
        %run_scoped3A = tpu.sem_alloc : memref<!tpu.dma_semaphore, #tpu.memory_space<semaphore_mem>>
        %dma_start3A = arith.constant 0 : i32
        %dma_start3A_126 = tpu.memref_slice %arg16[%dma_start3A] : memref<1264xf32, #tpu.memory_space<vmem>> -> memref<1040xf32, #tpu.memory_space<vmem>>
        %dma_start3A_127 = tpu.memref_slice %arg6[%mul3A_4] : memref<20000xf32, #tpu.memory_space<hbm>> -> memref<1040xf32, #tpu.memory_space<hbm>>
        %dma_start3A_128 = arith.constant 0 : i32
        %dma_start3A_129 = tpu.memref_slice %arg16[%dma_start3A_128] : memref<1264xf32, #tpu.memory_space<vmem>> -> memref<1040xf32, #tpu.memory_space<vmem>>
        %dma_start3A_130 = tpu.memref_slice %arg6[%mul3A_4] : memref<20000xf32, #tpu.memory_space<hbm>> -> memref<1040xf32, #tpu.memory_space<hbm>>
        tpu.enqueue_dma source(%dma_start3A_130 : memref<1040xf32, #tpu.memory_space<hbm>>) target(%dma_start3A_129 : memref<1040xf32, #tpu.memory_space<vmem>>) target_semaphore(%run_scoped3A : memref<!tpu.dma_semaphore, #tpu.memory_space<semaphore_mem>>)
        %dma_wait3A = arith.constant 0 : i32
        %dma_wait3A_131 = tpu.memref_slice %arg16[%dma_wait3A] : memref<1264xf32, #tpu.memory_space<vmem>> -> memref<1040xf32, #tpu.memory_space<vmem>>
        %dma_wait3A_132 = tpu.memref_slice %arg6[%mul3A_4] : memref<20000xf32, #tpu.memory_space<hbm>> -> memref<1040xf32, #tpu.memory_space<hbm>>
        %dma_wait3A_133 = arith.constant 0 : i32
        %dma_wait3A_134 = tpu.memref_slice %arg16[%dma_wait3A_133] : memref<1264xf32, #tpu.memory_space<vmem>> -> memref<1040xf32, #tpu.memory_space<vmem>>
        %dma_wait3A_135 = tpu.memref_slice %arg6[%mul3A_4] : memref<20000xf32, #tpu.memory_space<hbm>> -> memref<1040xf32, #tpu.memory_space<hbm>>
        tpu.wait_dma2 semaphore(%run_scoped3A : memref<!tpu.dma_semaphore, #tpu.memory_space<semaphore_mem>>) src(%dma_wait3A_135 : memref<1040xf32, #tpu.memory_space<hbm>>) dst(%dma_wait3A_134 : memref<1040xf32, #tpu.memory_space<vmem>>)
        tpu.yield
      }) : () -> ()
    } else {
    }
    %scan3A = arith.constant 0 : i32
    %scan3A_25 = arith.constant 0 : i32
    %scan3A_26 = arith.constant 79 : i32
    %scan3A_27 = arith.addi %scan3A_25, %scan3A_26 : i32
    %scan3A_28 = arith.constant 1 : i32
    scf.for %scan3A_126 = %scan3A_25 to %scan3A_27 step %scan3A_28  : i32 {
      %mul3A_127 = arith.constant 16 : i32
      %mul3A_128 = arith.muli %scan3A_126, %mul3A_127 : i32
      %get3A_129 = arith.index_cast %mul3A_128 : i32 to index
      %get3A_130 = tpu.vector_load %arg12[%get3A_129] {strides = array<i32>} : memref<1264xf32, #tpu.memory_space<vmem>>, vector<16xf32>,
      %get3A_131 = arith.index_cast %mul3A_128 : i32 to index
      %get3A_132 = tpu.vector_load %arg13[%get3A_131] {strides = array<i32>} : memref<1264xf32, #tpu.memory_space<vmem>>, vector<16xf32>,
      %add3A_133 = arith.addf %get3A_130, %get3A_132 : vector<16xf32>
      %get3A_134 = arith.index_cast %mul3A_128 : i32 to index
      %get3A_135 = tpu.vector_load %arg14[%get3A_134] {strides = array<i32>} : memref<1264xi32, #tpu.memory_space<vmem>>, vector<16xi32>,
      %get3A_136 = arith.index_cast %mul3A_128 : i32 to index
      %get3A_137 = tpu.vector_load %arg15[%get3A_136] {strides = array<i32>} : memref<1264xi32, #tpu.memory_space<vmem>>, vector<16xi32>,
      %add3A_138 = arith.addi %get3A_135, %get3A_137 : vector<16xi32>
      %convert_element_type3A_139 = arith.sitofp %add3A_138 : vector<16xi32> to vector<16xf32>
      %get3A_140 = arith.index_cast %mul3A_128 : i32 to index
      %get3A_141 = tpu.vector_load %arg16[%get3A_140] {strides = array<i32>} : memref<1264xf32, #tpu.memory_space<vmem>>, vector<16xf32>,
      %sub3A_142 = arith.subf %get3A_141, %add3A_133 : vector<16xf32>
      %div3A_143 = arith.divf %sub3A_142, %convert_element_type3A_139 : vector<16xf32>
      %swap3A = arith.index_cast %mul3A_128 : i32 to index
      %swap3A_144 = tpu.vector_load %arg17[%swap3A] {strides = array<i32>} : memref<1264xf32, #tpu.memory_space<vmem>>, vector<16xf32>,
      tpu.vector_store %arg17[%swap3A], %div3A_143 {strides = array<i32>} : memref<1264xf32, #tpu.memory_space<vmem>>, vector<16xf32>,
    }
    %scan3A_29 = arith.constant 79 : i32
    "tpu.region"() ({
      %run_scoped3A = tpu.sem_alloc : memref<!tpu.dma_semaphore, #tpu.memory_space<semaphore_mem>>
      %dma_start3A = tpu.memref_slice %arg8[%mul3A_4] : memref<20224xf32, #tpu.memory_space<vmem_shared>> -> memref<1264xf32, #tpu.memory_space<vmem_shared>>
      %dma_start3A_126 = tpu.memref_slice %arg8[%mul3A_4] : memref<20224xf32, #tpu.memory_space<vmem_shared>> -> memref<1264xf32, #tpu.memory_space<vmem_shared>>
      tpu.enqueue_dma source(%arg17 : memref<1264xf32, #tpu.memory_space<vmem>>) target(%dma_start3A_126 : memref<1264xf32, #tpu.memory_space<vmem_shared>>) target_semaphore(%run_scoped3A : memref<!tpu.dma_semaphore, #tpu.memory_space<semaphore_mem>>)
      %dma_wait3A = tpu.memref_slice %arg8[%mul3A_4] : memref<20224xf32, #tpu.memory_space<vmem_shared>> -> memref<1264xf32, #tpu.memory_space<vmem_shared>>
      %dma_wait3A_127 = tpu.memref_slice %arg8[%mul3A_4] : memref<20224xf32, #tpu.memory_space<vmem_shared>> -> memref<1264xf32, #tpu.memory_space<vmem_shared>>
      tpu.wait_dma2 semaphore(%run_scoped3A : memref<!tpu.dma_semaphore, #tpu.memory_space<semaphore_mem>>) src(%arg17 : memref<1264xf32, #tpu.memory_space<vmem>>) dst(%dma_wait3A_127 : memref<1264xf32, #tpu.memory_space<vmem_shared>>)
      tpu.yield
    }) : () -> ()
    %barrier3A = arith.constant 0 : index
    tpu.barrier barrier_id(%barrier3A)
    %lt3A_30 = arith.constant 31 : i32
    %lt3A_31 = arith.cmpi slt, %add3A, %lt3A_30 : i32
    %convert_element_type3A_32 = arith.extui %lt3A_31 : i1 to i32
    %cond3A_33 = arith.constant 0 : i32
    %cond3A_34 = arith.cmpi ne, %convert_element_type3A_32, %cond3A_33 : i32
    scf.if %cond3A_34 {
      %dma_wait3A = tpu.memref_slice %arg2[%mul3A_2] : memref<1000000xi32, #tpu.memory_space<hbm>> -> memref<31360xi32, #tpu.memory_space<hbm>>
      %dma_wait3A_126 = tpu.memref_slice %arg2[%mul3A_2] : memref<1000000xi32, #tpu.memory_space<hbm>> -> memref<31360xi32, #tpu.memory_space<hbm>>
      tpu.wait_dma2 semaphore(%arg18 : memref<!tpu.dma_semaphore, #tpu.memory_space<semaphore_mem>>) src(%dma_wait3A_126 : memref<31360xi32, #tpu.memory_space<hbm>>) dst(%arg9 : memref<31360xi32, #tpu.memory_space<vmem>>)
      %dma_wait3A_127 = tpu.memref_slice %arg3[%mul3A_2] : memref<1000000xf32, #tpu.memory_space<hbm>> -> memref<31360xf32, #tpu.memory_space<hbm>>
      %dma_wait3A_128 = tpu.memref_slice %arg3[%mul3A_2] : memref<1000000xf32, #tpu.memory_space<hbm>> -> memref<31360xf32, #tpu.memory_space<hbm>>
      tpu.wait_dma2 semaphore(%arg18 : memref<!tpu.dma_semaphore, #tpu.memory_space<semaphore_mem>>) src(%dma_wait3A_128 : memref<31360xf32, #tpu.memory_space<hbm>>) dst(%arg10 : memref<31360xf32, #tpu.memory_space<vmem>>)
    } else {
    }
    %eq3A_35 = arith.constant 31 : i32
    %eq3A_36 = arith.cmpi eq, %add3A, %eq3A_35 : i32
    %convert_element_type3A_37 = arith.extui %eq3A_36 : i1 to i32
    %cond3A_38 = arith.constant 0 : i32
    %cond3A_39 = arith.cmpi ne, %convert_element_type3A_37, %cond3A_38 : i32
    scf.if %cond3A_39 {
      %dma_wait3A = arith.constant 0 : i32
      %dma_wait3A_126 = tpu.memref_slice %arg9[%dma_wait3A] : memref<31360xi32, #tpu.memory_space<vmem>> -> memref<27840xi32, #tpu.memory_space<vmem>>
      %dma_wait3A_127 = tpu.memref_slice %arg2[%mul3A_2] : memref<1000000xi32, #tpu.memory_space<hbm>> -> memref<27840xi32, #tpu.memory_space<hbm>>
      %dma_wait3A_128 = arith.constant 0 : i32
      %dma_wait3A_129 = tpu.memref_slice %arg9[%dma_wait3A_128] : memref<31360xi32, #tpu.memory_space<vmem>> -> memref<27840xi32, #tpu.memory_space<vmem>>
      %dma_wait3A_130 = tpu.memref_slice %arg2[%mul3A_2] : memref<1000000xi32, #tpu.memory_space<hbm>> -> memref<27840xi32, #tpu.memory_space<hbm>>
      tpu.wait_dma2 semaphore(%arg18 : memref<!tpu.dma_semaphore, #tpu.memory_space<semaphore_mem>>) src(%dma_wait3A_130 : memref<27840xi32, #tpu.memory_space<hbm>>) dst(%dma_wait3A_129 : memref<27840xi32, #tpu.memory_space<vmem>>)
      %dma_wait3A_131 = arith.constant 0 : i32
      %dma_wait3A_132 = tpu.memref_slice %arg10[%dma_wait3A_131] : memref<31360xf32, #tpu.memory_space<vmem>> -> memref<27840xf32, #tpu.memory_space<vmem>>
      %dma_wait3A_133 = tpu.memref_slice %arg3[%mul3A_2] : memref<1000000xf32, #tpu.memory_space<hbm>> -> memref<27840xf32, #tpu.memory_space<hbm>>
      %dma_wait3A_134 = arith.constant 0 : i32
      %dma_wait3A_135 = tpu.memref_slice %arg10[%dma_wait3A_134] : memref<31360xf32, #tpu.memory_space<vmem>> -> memref<27840xf32, #tpu.memory_space<vmem>>
      %dma_wait3A_136 = tpu.memref_slice %arg3[%mul3A_2] : memref<1000000xf32, #tpu.memory_space<hbm>> -> memref<27840xf32, #tpu.memory_space<hbm>>
      tpu.wait_dma2 semaphore(%arg18 : memref<!tpu.dma_semaphore, #tpu.memory_space<semaphore_mem>>) src(%dma_wait3A_136 : memref<27840xf32, #tpu.memory_space<hbm>>) dst(%dma_wait3A_135 : memref<27840xf32, #tpu.memory_space<vmem>>)
      %scan3A_137 = arith.constant 0 : i32
      %scan3A_138 = arith.constant 0 : i32
      %scan3A_139 = arith.constant 220 : i32
      %scan3A_140 = arith.addi %scan3A_138, %scan3A_139 : i32
      %scan3A_141 = arith.constant 1 : i32
      scf.for %scan3A_143 = %scan3A_138 to %scan3A_140 step %scan3A_141  : i32 {
        %mul3A_144 = arith.constant 16 : i32
        %mul3A_145 = arith.muli %scan3A_143, %mul3A_144 : i32
        %add3A_146 = arith.constant 27840 : i32
        %add3A_147 = arith.addi %add3A_146, %mul3A_145 : i32
        %broadcast_in_dim3A_148 = arith.constant 20000 : i32
        %broadcast_in_dim3A_149 = vector.broadcast %broadcast_in_dim3A_148 : i32 to vector<16xi32>
        %rem3A_150 = arith.constant 224 : i32
        %rem3A_151 = arith.remsi %scan3A_143, %rem3A_150 : i32
        %add3A_152 = vector.broadcast %rem3A_151 : i32 to vector<16xi32>
        %add3A_153 = arith.addi %broadcast_in_dim3A_149, %add3A_152 : vector<16xi32>
        %swap3A = arith.index_cast %add3A_147 : i32 to index
        %swap3A_154 = tpu.vector_load %arg9[%swap3A] {strides = array<i32>} : memref<31360xi32, #tpu.memory_space<vmem>>, vector<16xi32>,
        tpu.vector_store %arg9[%swap3A], %add3A_153 {strides = array<i32>} : memref<31360xi32, #tpu.memory_space<vmem>>, vector<16xi32>,
        %broadcast_in_dim3A_155 = arith.constant 0.000000e+00 : f32
        %broadcast_in_dim3A_156 = vector.broadcast %broadcast_in_dim3A_155 : f32 to vector<16xf32>
        %swap3A_157 = arith.index_cast %add3A_147 : i32 to index
        %swap3A_158 = tpu.vector_load %arg10[%swap3A_157] {strides = array<i32>} : memref<31360xf32, #tpu.memory_space<vmem>>, vector<16xf32>,
        tpu.vector_store %arg10[%swap3A_157], %broadcast_in_dim3A_156 {strides = array<i32>} : memref<31360xf32, #tpu.memory_space<vmem>>, vector<16xf32>,
      }
      %scan3A_142 = arith.constant 220 : i32
    } else {
    }
    %eq3A_40 = arith.constant 31 : i32
    %eq3A_41 = arith.cmpi eq, %add3A, %eq3A_40 : i32
    %jit3A = arith.constant 27840 : i32
    %jit3A_42 = arith.constant 31360 : i32
    %select_n3A = arith.select %eq3A_41, %jit3A, %jit3A_42 : i32
    %get3A = arith.constant 0 : index
    %get3A_43 = tpu.vector_load %arg9[%get3A] {strides = array<i32>} : memref<31360xi32, #tpu.memory_space<vmem>>, vector<16xi32>,
    %slice3A = vector.extract_strided_slice %get3A_43 {offsets = [0], sizes = [1], strides = [1]} : vector<16xi32> to vector<1xi32>
    %squeeze3A = vector.extract %slice3A[0] : i32 from vector<1xi32>
    %jit3A_44 = arith.constant 8 : i32
    %div3A = arith.divsi %squeeze3A, %jit3A_44 : i32
    %sign3A = arith.constant 0 : i32
    %sign3A_45 = arith.cmpi sgt, %squeeze3A, %sign3A : i32
    %sign3A_46 = arith.extui %sign3A_45 : i1 to i32
    %sign3A_47 = arith.constant 0 : i32
    %sign3A_48 = arith.cmpi slt, %squeeze3A, %sign3A_47 : i32
    %sign3A_49 = arith.extui %sign3A_48 : i1 to i32
    %sign3A_50 = arith.subi %sign3A_46, %sign3A_49 : i32
    %sign3A_51 = arith.constant 0 : i32
    %sign3A_52 = arith.cmpi sgt, %jit3A_44, %sign3A_51 : i32
    %sign3A_53 = arith.extui %sign3A_52 : i1 to i32
    %sign3A_54 = arith.constant 0 : i32
    %sign3A_55 = arith.cmpi slt, %jit3A_44, %sign3A_54 : i32
    %sign3A_56 = arith.extui %sign3A_55 : i1 to i32
    %sign3A_57 = arith.subi %sign3A_53, %sign3A_56 : i32
    %ne3A = arith.cmpi ne, %sign3A_50, %sign3A_57 : i32
    %rem3A = arith.remsi %squeeze3A, %jit3A_44 : i32
    %ne3A_58 = arith.constant 0 : i32
    %ne3A_59 = arith.cmpi ne, %rem3A, %ne3A_58 : i32
    %and3A = arith.andi %ne3A, %ne3A_59 : i1
    %sub3A = arith.constant 1 : i32
    %sub3A_60 = arith.subi %div3A, %sub3A : i32
    %select_n3A_61 = arith.select %and3A, %sub3A_60, %div3A : i32
    %mul3A_62 = arith.constant 8 : i32
    %mul3A_63 = arith.muli %select_n3A_61, %mul3A_62 : i32
    %sub3A_64 = arith.constant 16 : i32
    %sub3A_65 = arith.subi %select_n3A, %sub3A_64 : i32
    %get3A_66 = arith.index_cast %sub3A_65 : i32 to index
    %get3A_67 = tpu.vector_load %arg9[%get3A_66] {strides = array<i32>} : memref<31360xi32, #tpu.memory_space<vmem>>, vector<16xi32>,
    %slice3A_68 = vector.extract_strided_slice %get3A_67 {offsets = [15], sizes = [1], strides = [1]} : vector<16xi32> to vector<1xi32>
    %squeeze3A_69 = vector.extract %slice3A_68[0] : i32 from vector<1xi32>
    %sub3A_70 = arith.subi %squeeze3A_69, %mul3A_63 : i32
    %add3A_71 = arith.constant 1 : i32
    %add3A_72 = arith.addi %sub3A_70, %add3A_71 : i32
    %add3A_73 = arith.constant 1024 : i32
    %add3A_74 = arith.addi %add3A_72, %add3A_73 : i32
    %sub3A_75 = arith.constant 1 : i32
    %sub3A_76 = arith.subi %add3A_74, %sub3A_75 : i32
    %jit3A_77 = arith.constant 1024 : i32
    %div3A_78 = arith.divsi %sub3A_76, %jit3A_77 : i32
    %sign3A_79 = arith.constant 0 : i32
    %sign3A_80 = arith.cmpi sgt, %sub3A_76, %sign3A_79 : i32
    %sign3A_81 = arith.extui %sign3A_80 : i1 to i32
    %sign3A_82 = arith.constant 0 : i32
    %sign3A_83 = arith.cmpi slt, %sub3A_76, %sign3A_82 : i32
    %sign3A_84 = arith.extui %sign3A_83 : i1 to i32
    %sign3A_85 = arith.subi %sign3A_81, %sign3A_84 : i32
    %sign3A_86 = arith.constant 0 : i32
    %sign3A_87 = arith.cmpi sgt, %jit3A_77, %sign3A_86 : i32
    %sign3A_88 = arith.extui %sign3A_87 : i1 to i32
    %sign3A_89 = arith.constant 0 : i32
    %sign3A_90 = arith.cmpi slt, %jit3A_77, %sign3A_89 : i32
    %sign3A_91 = arith.extui %sign3A_90 : i1 to i32
    %sign3A_92 = arith.subi %sign3A_88, %sign3A_91 : i32
    %ne3A_93 = arith.cmpi ne, %sign3A_85, %sign3A_92 : i32
    %rem3A_94 = arith.remsi %sub3A_76, %jit3A_77 : i32
    %ne3A_95 = arith.constant 0 : i32
    %ne3A_96 = arith.cmpi ne, %rem3A_94, %ne3A_95 : i32
    %and3A_97 = arith.andi %ne3A_93, %ne3A_96 : i1
    %sub3A_98 = arith.constant 1 : i32
    %sub3A_99 = arith.subi %div3A_78, %sub3A_98 : i32
    %select_n3A_100 = arith.select %and3A_97, %sub3A_99, %div3A_78 : i32
    %while3A = arith.constant 0 : i32
    %while3A_101 = arith.constant 0 : i32
    %while3A_102 = arith.subi %select_n3A_100, %while3A_101 : i32
    %while3A_103 = arith.addi %while3A_101, %while3A_102 : i32
    %while3A_104 = arith.constant 1 : i32
    %while3A_105 = arith.divsi %while3A_102, %while3A_104 : i32
    %while3A_106 = arith.muli %while3A_105, %while3A_104 : i32
    %while3A_107 = arith.addi %while3A_101, %while3A_106 : i32
    %while3A_108 = arith.constant 1 : i32
    scf.for %while3A_126 = %while3A_101 to %while3A_107 step %while3A_108  : i32 {
      %mul3A_127 = arith.constant 1024 : i32
      %mul3A_128 = arith.muli %while3A_126, %mul3A_127 : i32
      %add3A_129 = arith.addi %mul3A_63, %mul3A_128 : i32
      %min3A = arith.constant 19200 : i32
      %min3A_130 = arith.minsi %add3A_129, %min3A : i32
      %sub3A_131 = arith.subi %min3A_130, %mul3A_63 : i32
      "tpu.region"() ({
        %run_scoped3A = tpu.sem_alloc : memref<!tpu.dma_semaphore, #tpu.memory_space<semaphore_mem>>
        %dma_start3A = tpu.memref_slice %arg11[%sub3A_131] : memref<20224xf32, #tpu.memory_space<vmem>> -> memref<1024xf32, #tpu.memory_space<vmem>>
        %dma_start3A_132 = tpu.memref_slice %arg8[%min3A_130] : memref<20224xf32, #tpu.memory_space<vmem_shared>> -> memref<1024xf32, #tpu.memory_space<vmem_shared>>
        %dma_start3A_133 = tpu.memref_slice %arg11[%sub3A_131] : memref<20224xf32, #tpu.memory_space<vmem>> -> memref<1024xf32, #tpu.memory_space<vmem>>
        %dma_start3A_134 = tpu.memref_slice %arg8[%min3A_130] : memref<20224xf32, #tpu.memory_space<vmem_shared>> -> memref<1024xf32, #tpu.memory_space<vmem_shared>>
        tpu.enqueue_dma source(%dma_start3A_134 : memref<1024xf32, #tpu.memory_space<vmem_shared>>) target(%dma_start3A_133 : memref<1024xf32, #tpu.memory_space<vmem>>) target_semaphore(%run_scoped3A : memref<!tpu.dma_semaphore, #tpu.memory_space<semaphore_mem>>)
        %dma_wait3A = tpu.memref_slice %arg11[%sub3A_131] : memref<20224xf32, #tpu.memory_space<vmem>> -> memref<1024xf32, #tpu.memory_space<vmem>>
        %dma_wait3A_135 = tpu.memref_slice %arg8[%min3A_130] : memref<20224xf32, #tpu.memory_space<vmem_shared>> -> memref<1024xf32, #tpu.memory_space<vmem_shared>>
        %dma_wait3A_136 = tpu.memref_slice %arg11[%sub3A_131] : memref<20224xf32, #tpu.memory_space<vmem>> -> memref<1024xf32, #tpu.memory_space<vmem>>
        %dma_wait3A_137 = tpu.memref_slice %arg8[%min3A_130] : memref<20224xf32, #tpu.memory_space<vmem_shared>> -> memref<1024xf32, #tpu.memory_space<vmem_shared>>
        tpu.wait_dma2 semaphore(%run_scoped3A : memref<!tpu.dma_semaphore, #tpu.memory_space<semaphore_mem>>) src(%dma_wait3A_137 : memref<1024xf32, #tpu.memory_space<vmem_shared>>) dst(%dma_wait3A_136 : memref<1024xf32, #tpu.memory_space<vmem>>)
        tpu.yield
      }) : () -> ()
    }
    %while3A_109 = arith.constant 1 : i32
    scf.for %while3A_126 = %while3A_107 to %while3A_103 step %while3A_109  : i32 {
      %mul3A_127 = arith.constant 1024 : i32
      %mul3A_128 = arith.muli %while3A_126, %mul3A_127 : i32
      %add3A_129 = arith.addi %mul3A_63, %mul3A_128 : i32
      %min3A = arith.constant 19200 : i32
      %min3A_130 = arith.minsi %add3A_129, %min3A : i32
      %sub3A_131 = arith.subi %min3A_130, %mul3A_63 : i32
      "tpu.region"() ({
        %run_scoped3A = tpu.sem_alloc : memref<!tpu.dma_semaphore, #tpu.memory_space<semaphore_mem>>
        %dma_start3A = tpu.memref_slice %arg11[%sub3A_131] : memref<20224xf32, #tpu.memory_space<vmem>> -> memref<1024xf32, #tpu.memory_space<vmem>>
        %dma_start3A_132 = tpu.memref_slice %arg8[%min3A_130] : memref<20224xf32, #tpu.memory_space<vmem_shared>> -> memref<1024xf32, #tpu.memory_space<vmem_shared>>
        %dma_start3A_133 = tpu.memref_slice %arg11[%sub3A_131] : memref<20224xf32, #tpu.memory_space<vmem>> -> memref<1024xf32, #tpu.memory_space<vmem>>
        %dma_start3A_134 = tpu.memref_slice %arg8[%min3A_130] : memref<20224xf32, #tpu.memory_space<vmem_shared>> -> memref<1024xf32, #tpu.memory_space<vmem_shared>>
        tpu.enqueue_dma source(%dma_start3A_134 : memref<1024xf32, #tpu.memory_space<vmem_shared>>) target(%dma_start3A_133 : memref<1024xf32, #tpu.memory_space<vmem>>) target_semaphore(%run_scoped3A : memref<!tpu.dma_semaphore, #tpu.memory_space<semaphore_mem>>)
        %dma_wait3A = tpu.memref_slice %arg11[%sub3A_131] : memref<20224xf32, #tpu.memory_space<vmem>> -> memref<1024xf32, #tpu.memory_space<vmem>>
        %dma_wait3A_135 = tpu.memref_slice %arg8[%min3A_130] : memref<20224xf32, #tpu.memory_space<vmem_shared>> -> memref<1024xf32, #tpu.memory_space<vmem_shared>>
        %dma_wait3A_136 = tpu.memref_slice %arg11[%sub3A_131] : memref<20224xf32, #tpu.memory_space<vmem>> -> memref<1024xf32, #tpu.memory_space<vmem>>
        %dma_wait3A_137 = tpu.memref_slice %arg8[%min3A_130] : memref<20224xf32, #tpu.memory_space<vmem_shared>> -> memref<1024xf32, #tpu.memory_space<vmem_shared>>
        tpu.wait_dma2 semaphore(%run_scoped3A : memref<!tpu.dma_semaphore, #tpu.memory_space<semaphore_mem>>) src(%dma_wait3A_137 : memref<1024xf32, #tpu.memory_space<vmem_shared>>) dst(%dma_wait3A_136 : memref<1024xf32, #tpu.memory_space<vmem>>)
        tpu.yield
      }) : () -> ()
    }
    %broadcast_in_dim3A = vector.broadcast %mul3A_63 : i32 to vector<16xi32>
    %scan3A_110 = arith.constant 0 : i32
    %scan3A_111 = arith.constant 0 : i32
    %scan3A_112 = arith.constant 245 : i32
    %scan3A_113 = arith.addi %scan3A_111, %scan3A_112 : i32
    %scan3A_114 = arith.constant 1 : i32
    scf.for %scan3A_126 = %scan3A_111 to %scan3A_113 step %scan3A_114  : i32 {
      %mul3A_127 = arith.constant 128 : i32
      %mul3A_128 = arith.muli %scan3A_126, %mul3A_127 : i32
      %add3A_129 = arith.constant 0 : i32
      %add3A_130 = arith.addi %mul3A_128, %add3A_129 : i32
      %get3A_131 = arith.index_cast %add3A_130 : i32 to index
      %get3A_132 = tpu.vector_load %arg9[%get3A_131] {strides = array<i32>} : memref<31360xi32, #tpu.memory_space<vmem>>, vector<16xi32>,
      %sub3A_133 = arith.subi %get3A_132, %broadcast_in_dim3A : vector<16xi32>
      %gather3A = tpu.vector_load_idx %arg11[%sub3A_133] : memref<20224xf32, #tpu.memory_space<vmem>>[vector<16xi32>], vector<16xf32>,
      %get3A_134 = arith.index_cast %add3A_130 : i32 to index
      %get3A_135 = tpu.vector_load %arg10[%get3A_134] {strides = array<i32>} : memref<31360xf32, #tpu.memory_space<vmem>>, vector<16xf32>,
      %add3A_136 = arith.addf %get3A_135, %gather3A : vector<16xf32>
      %swap3A = arith.index_cast %add3A_130 : i32 to index
      %swap3A_137 = tpu.vector_load %arg10[%swap3A] {strides = array<i32>} : memref<31360xf32, #tpu.memory_space<vmem>>, vector<16xf32>,
      tpu.vector_store %arg10[%swap3A], %add3A_136 {strides = array<i32>} : memref<31360xf32, #tpu.memory_space<vmem>>, vector<16xf32>,
      %mul3A_138 = arith.constant 128 : i32
      %mul3A_139 = arith.muli %scan3A_126, %mul3A_138 : i32
      %add3A_140 = arith.constant 16 : i32
      %add3A_141 = arith.addi %mul3A_139, %add3A_140 : i32
      %get3A_142 = arith.index_cast %add3A_141 : i32 to index
      %get3A_143 = tpu.vector_load %arg9[%get3A_142] {strides = array<i32>} : memref<31360xi32, #tpu.memory_space<vmem>>, vector<16xi32>,
      %sub3A_144 = arith.subi %get3A_143, %broadcast_in_dim3A : vector<16xi32>
      %gather3A_145 = tpu.vector_load_idx %arg11[%sub3A_144] : memref<20224xf32, #tpu.memory_space<vmem>>[vector<16xi32>], vector<16xf32>,
      %get3A_146 = arith.index_cast %add3A_141 : i32 to index
      %get3A_147 = tpu.vector_load %arg10[%get3A_146] {strides = array<i32>} : memref<31360xf32, #tpu.memory_space<vmem>>, vector<16xf32>,
      %add3A_148 = arith.addf %get3A_147, %gather3A_145 : vector<16xf32>
      %swap3A_149 = arith.index_cast %add3A_141 : i32 to index
      %swap3A_150 = tpu.vector_load %arg10[%swap3A_149] {strides = array<i32>} : memref<31360xf32, #tpu.memory_space<vmem>>, vector<16xf32>,
      tpu.vector_store %arg10[%swap3A_149], %add3A_148 {strides = array<i32>} : memref<31360xf32, #tpu.memory_space<vmem>>, vector<16xf32>,
      %mul3A_151 = arith.constant 128 : i32
      %mul3A_152 = arith.muli %scan3A_126, %mul3A_151 : i32
      %add3A_153 = arith.constant 32 : i32
      %add3A_154 = arith.addi %mul3A_152, %add3A_153 : i32
      %get3A_155 = arith.index_cast %add3A_154 : i32 to index
      %get3A_156 = tpu.vector_load %arg9[%get3A_155] {strides = array<i32>} : memref<31360xi32, #tpu.memory_space<vmem>>, vector<16xi32>,
      %sub3A_157 = arith.subi %get3A_156, %broadcast_in_dim3A : vector<16xi32>
      %gather3A_158 = tpu.vector_load_idx %arg11[%sub3A_157] : memref<20224xf32, #tpu.memory_space<vmem>>[vector<16xi32>], vector<16xf32>,
      %get3A_159 = arith.index_cast %add3A_154 : i32 to index
      %get3A_160 = tpu.vector_load %arg10[%get3A_159] {strides = array<i32>} : memref<31360xf32, #tpu.memory_space<vmem>>, vector<16xf32>,
      %add3A_161 = arith.addf %get3A_160, %gather3A_158 : vector<16xf32>
      %swap3A_162 = arith.index_cast %add3A_154 : i32 to index
      %swap3A_163 = tpu.vector_load %arg10[%swap3A_162] {strides = array<i32>} : memref<31360xf32, #tpu.memory_space<vmem>>, vector<16xf32>,
      tpu.vector_store %arg10[%swap3A_162], %add3A_161 {strides = array<i32>} : memref<31360xf32, #tpu.memory_space<vmem>>, vector<16xf32>,
      %mul3A_164 = arith.constant 128 : i32
      %mul3A_165 = arith.muli %scan3A_126, %mul3A_164 : i32
      %add3A_166 = arith.constant 48 : i32
      %add3A_167 = arith.addi %mul3A_165, %add3A_166 : i32
      %get3A_168 = arith.index_cast %add3A_167 : i32 to index
      %get3A_169 = tpu.vector_load %arg9[%get3A_168] {strides = array<i32>} : memref<31360xi32, #tpu.memory_space<vmem>>, vector<16xi32>,
      %sub3A_170 = arith.subi %get3A_169, %broadcast_in_dim3A : vector<16xi32>
      %gather3A_171 = tpu.vector_load_idx %arg11[%sub3A_170] : memref<20224xf32, #tpu.memory_space<vmem>>[vector<16xi32>], vector<16xf32>,
      %get3A_172 = arith.index_cast %add3A_167 : i32 to index
      %get3A_173 = tpu.vector_load %arg10[%get3A_172] {strides = array<i32>} : memref<31360xf32, #tpu.memory_space<vmem>>, vector<16xf32>,
      %add3A_174 = arith.addf %get3A_173, %gather3A_171 : vector<16xf32>
      %swap3A_175 = arith.index_cast %add3A_167 : i32 to index
      %swap3A_176 = tpu.vector_load %arg10[%swap3A_175] {strides = array<i32>} : memref<31360xf32, #tpu.memory_space<vmem>>, vector<16xf32>,
      tpu.vector_store %arg10[%swap3A_175], %add3A_174 {strides = array<i32>} : memref<31360xf32, #tpu.memory_space<vmem>>, vector<16xf32>,
      %mul3A_177 = arith.constant 128 : i32
      %mul3A_178 = arith.muli %scan3A_126, %mul3A_177 : i32
      %add3A_179 = arith.constant 64 : i32
      %add3A_180 = arith.addi %mul3A_178, %add3A_179 : i32
      %get3A_181 = arith.index_cast %add3A_180 : i32 to index
      %get3A_182 = tpu.vector_load %arg9[%get3A_181] {strides = array<i32>} : memref<31360xi32, #tpu.memory_space<vmem>>, vector<16xi32>,
      %sub3A_183 = arith.subi %get3A_182, %broadcast_in_dim3A : vector<16xi32>
      %gather3A_184 = tpu.vector_load_idx %arg11[%sub3A_183] : memref<20224xf32, #tpu.memory_space<vmem>>[vector<16xi32>], vector<16xf32>,
      %get3A_185 = arith.index_cast %add3A_180 : i32 to index
      %get3A_186 = tpu.vector_load %arg10[%get3A_185] {strides = array<i32>} : memref<31360xf32, #tpu.memory_space<vmem>>, vector<16xf32>,
      %add3A_187 = arith.addf %get3A_186, %gather3A_184 : vector<16xf32>
      %swap3A_188 = arith.index_cast %add3A_180 : i32 to index
      %swap3A_189 = tpu.vector_load %arg10[%swap3A_188] {strides = array<i32>} : memref<31360xf32, #tpu.memory_space<vmem>>, vector<16xf32>,
      tpu.vector_store %arg10[%swap3A_188], %add3A_187 {strides = array<i32>} : memref<31360xf32, #tpu.memory_space<vmem>>, vector<16xf32>,
      %mul3A_190 = arith.constant 128 : i32
      %mul3A_191 = arith.muli %scan3A_126, %mul3A_190 : i32
      %add3A_192 = arith.constant 80 : i32
      %add3A_193 = arith.addi %mul3A_191, %add3A_192 : i32
      %get3A_194 = arith.index_cast %add3A_193 : i32 to index
      %get3A_195 = tpu.vector_load %arg9[%get3A_194] {strides = array<i32>} : memref<31360xi32, #tpu.memory_space<vmem>>, vector<16xi32>,
      %sub3A_196 = arith.subi %get3A_195, %broadcast_in_dim3A : vector<16xi32>
      %gather3A_197 = tpu.vector_load_idx %arg11[%sub3A_196] : memref<20224xf32, #tpu.memory_space<vmem>>[vector<16xi32>], vector<16xf32>,
      %get3A_198 = arith.index_cast %add3A_193 : i32 to index
      %get3A_199 = tpu.vector_load %arg10[%get3A_198] {strides = array<i32>} : memref<31360xf32, #tpu.memory_space<vmem>>, vector<16xf32>,
      %add3A_200 = arith.addf %get3A_199, %gather3A_197 : vector<16xf32>
      %swap3A_201 = arith.index_cast %add3A_193 : i32 to index
      %swap3A_202 = tpu.vector_load %arg10[%swap3A_201] {strides = array<i32>} : memref<31360xf32, #tpu.memory_space<vmem>>, vector<16xf32>,
      tpu.vector_store %arg10[%swap3A_201], %add3A_200 {strides = array<i32>} : memref<31360xf32, #tpu.memory_space<vmem>>, vector<16xf32>,
      %mul3A_203 = arith.constant 128 : i32
      %mul3A_204 = arith.muli %scan3A_126, %mul3A_203 : i32
      %add3A_205 = arith.constant 96 : i32
      %add3A_206 = arith.addi %mul3A_204, %add3A_205 : i32
      %get3A_207 = arith.index_cast %add3A_206 : i32 to index
      %get3A_208 = tpu.vector_load %arg9[%get3A_207] {strides = array<i32>} : memref<31360xi32, #tpu.memory_space<vmem>>, vector<16xi32>,
      %sub3A_209 = arith.subi %get3A_208, %broadcast_in_dim3A : vector<16xi32>
      %gather3A_210 = tpu.vector_load_idx %arg11[%sub3A_209] : memref<20224xf32, #tpu.memory_space<vmem>>[vector<16xi32>], vector<16xf32>,
      %get3A_211 = arith.index_cast %add3A_206 : i32 to index
      %get3A_212 = tpu.vector_load %arg10[%get3A_211] {strides = array<i32>} : memref<31360xf32, #tpu.memory_space<vmem>>, vector<16xf32>,
      %add3A_213 = arith.addf %get3A_212, %gather3A_210 : vector<16xf32>
      %swap3A_214 = arith.index_cast %add3A_206 : i32 to index
      %swap3A_215 = tpu.vector_load %arg10[%swap3A_214] {strides = array<i32>} : memref<31360xf32, #tpu.memory_space<vmem>>, vector<16xf32>,
      tpu.vector_store %arg10[%swap3A_214], %add3A_213 {strides = array<i32>} : memref<31360xf32, #tpu.memory_space<vmem>>, vector<16xf32>,
      %mul3A_216 = arith.constant 128 : i32
      %mul3A_217 = arith.muli %scan3A_126, %mul3A_216 : i32
      %add3A_218 = arith.constant 112 : i32
      %add3A_219 = arith.addi %mul3A_217, %add3A_218 : i32
      %get3A_220 = arith.index_cast %add3A_219 : i32 to index
      %get3A_221 = tpu.vector_load %arg9[%get3A_220] {strides = array<i32>} : memref<31360xi32, #tpu.memory_space<vmem>>, vector<16xi32>,
      %sub3A_222 = arith.subi %get3A_221, %broadcast_in_dim3A : vector<16xi32>
      %gather3A_223 = tpu.vector_load_idx %arg11[%sub3A_222] : memref<20224xf32, #tpu.memory_space<vmem>>[vector<16xi32>], vector<16xf32>,
      %get3A_224 = arith.index_cast %add3A_219 : i32 to index
      %get3A_225 = tpu.vector_load %arg10[%get3A_224] {strides = array<i32>} : memref<31360xf32, #tpu.memory_space<vmem>>, vector<16xf32>,
      %add3A_226 = arith.addf %get3A_225, %gather3A_223 : vector<16xf32>
      %swap3A_227 = arith.index_cast %add3A_219 : i32 to index
      %swap3A_228 = tpu.vector_load %arg10[%swap3A_227] {strides = array<i32>} : memref<31360xf32, #tpu.memory_space<vmem>>, vector<16xf32>,
      tpu.vector_store %arg10[%swap3A_227], %add3A_226 {strides = array<i32>} : memref<31360xf32, #tpu.memory_space<vmem>>, vector<16xf32>,
    }
    %scan3A_115 = arith.constant 245 : i32
    %lt3A_116 = arith.constant 31 : i32
    %lt3A_117 = arith.cmpi slt, %add3A, %lt3A_116 : i32
    %convert_element_type3A_118 = arith.extui %lt3A_117 : i1 to i32
    %cond3A_119 = arith.constant 0 : i32
    %cond3A_120 = arith.cmpi ne, %convert_element_type3A_118, %cond3A_119 : i32
    scf.if %cond3A_120 {
      "tpu.region"() ({
        %run_scoped3A = tpu.sem_alloc : memref<!tpu.dma_semaphore, #tpu.memory_space<semaphore_mem>>
        %dma_start3A = tpu.memref_slice %arg7[%mul3A_2] : memref<1000000xf32, #tpu.memory_space<hbm>> -> memref<31360xf32, #tpu.memory_space<hbm>>
        %dma_start3A_126 = tpu.memref_slice %arg7[%mul3A_2] : memref<1000000xf32, #tpu.memory_space<hbm>> -> memref<31360xf32, #tpu.memory_space<hbm>>
        tpu.enqueue_dma source(%arg10 : memref<31360xf32, #tpu.memory_space<vmem>>) target(%dma_start3A_126 : memref<31360xf32, #tpu.memory_space<hbm>>) target_semaphore(%run_scoped3A : memref<!tpu.dma_semaphore, #tpu.memory_space<semaphore_mem>>)
        %dma_wait3A = tpu.memref_slice %arg7[%mul3A_2] : memref<1000000xf32, #tpu.memory_space<hbm>> -> memref<31360xf32, #tpu.memory_space<hbm>>
        %dma_wait3A_127 = tpu.memref_slice %arg7[%mul3A_2] : memref<1000000xf32, #tpu.memory_space<hbm>> -> memref<31360xf32, #tpu.memory_space<hbm>>
        tpu.wait_dma2 semaphore(%run_scoped3A : memref<!tpu.dma_semaphore, #tpu.memory_space<semaphore_mem>>) src(%arg10 : memref<31360xf32, #tpu.memory_space<vmem>>) dst(%dma_wait3A_127 : memref<31360xf32, #tpu.memory_space<hbm>>)
        tpu.yield
      }) : () -> ()
    } else {
    }
    %eq3A_121 = arith.constant 31 : i32
    %eq3A_122 = arith.cmpi eq, %add3A, %eq3A_121 : i32
    %convert_element_type3A_123 = arith.extui %eq3A_122 : i1 to i32
    %cond3A_124 = arith.constant 0 : i32
    %cond3A_125 = arith.cmpi ne, %convert_element_type3A_123, %cond3A_124 : i32
    scf.if %cond3A_125 {
      "tpu.region"() ({
        %run_scoped3A = tpu.sem_alloc : memref<!tpu.dma_semaphore, #tpu.memory_space<semaphore_mem>>
        %dma_start3A = arith.constant 0 : i32
        %dma_start3A_126 = tpu.memref_slice %arg10[%dma_start3A] : memref<31360xf32, #tpu.memory_space<vmem>> -> memref<27840xf32, #tpu.memory_space<vmem>>
        %dma_start3A_127 = tpu.memref_slice %arg7[%mul3A_2] : memref<1000000xf32, #tpu.memory_space<hbm>> -> memref<27840xf32, #tpu.memory_space<hbm>>
        %dma_start3A_128 = tpu.memref_slice %arg7[%mul3A_2] : memref<1000000xf32, #tpu.memory_space<hbm>> -> memref<27840xf32, #tpu.memory_space<hbm>>
        %dma_start3A_129 = arith.constant 0 : i32
        %dma_start3A_130 = tpu.memref_slice %arg10[%dma_start3A_129] : memref<31360xf32, #tpu.memory_space<vmem>> -> memref<27840xf32, #tpu.memory_space<vmem>>
        tpu.enqueue_dma source(%dma_start3A_130 : memref<27840xf32, #tpu.memory_space<vmem>>) target(%dma_start3A_128 : memref<27840xf32, #tpu.memory_space<hbm>>) target_semaphore(%run_scoped3A : memref<!tpu.dma_semaphore, #tpu.memory_space<semaphore_mem>>)
        %dma_wait3A = arith.constant 0 : i32
        %dma_wait3A_131 = tpu.memref_slice %arg10[%dma_wait3A] : memref<31360xf32, #tpu.memory_space<vmem>> -> memref<27840xf32, #tpu.memory_space<vmem>>
        %dma_wait3A_132 = tpu.memref_slice %arg7[%mul3A_2] : memref<1000000xf32, #tpu.memory_space<hbm>> -> memref<27840xf32, #tpu.memory_space<hbm>>
        %dma_wait3A_133 = tpu.memref_slice %arg7[%mul3A_2] : memref<1000000xf32, #tpu.memory_space<hbm>> -> memref<27840xf32, #tpu.memory_space<hbm>>
        %dma_wait3A_134 = arith.constant 0 : i32
        %dma_wait3A_135 = tpu.memref_slice %arg10[%dma_wait3A_134] : memref<31360xf32, #tpu.memory_space<vmem>> -> memref<27840xf32, #tpu.memory_space<vmem>>
        tpu.wait_dma2 semaphore(%run_scoped3A : memref<!tpu.dma_semaphore, #tpu.memory_space<semaphore_mem>>) src(%dma_wait3A_135 : memref<27840xf32, #tpu.memory_space<vmem>>) dst(%dma_wait3A_133 : memref<27840xf32, #tpu.memory_space<hbm>>)
        tpu.yield
      }) : () -> ()
    } else {
    }
    return
  }
}

#map = affine_map<(d0, d1) -> (0)>
module attributes {stable_mosaic.version = 14 : i64} {
  func.func @body(%arg0: i32, %arg1: i32, %arg2: memref<1000000xi32, #tpu.memory_space<hbm>>, %arg3: memref<1000000xf32, #tpu.memory_space<hbm>>, %arg4: memref<40448xf32, #tpu.memory_space<hbm>>, %arg5: memref<40448xi32, #tpu.memory_space<hbm>>, %arg6: memref<20224xf32, #tpu.memory_space<vmem_shared>>, %arg7: memref<20224xi32, #tpu.memory_space<vmem_shared>>, %arg8: memref<31376xi32, #tpu.memory_space<vmem>>, %arg9: memref<31360xf32, #tpu.memory_space<vmem>>, %arg10: memref<1264xf32, #tpu.memory_space<vmem>>, %arg11: memref<1264xi32, #tpu.memory_space<vmem>>, %arg12: memref<31616xi32, #tpu.memory_space<vmem>>, %arg13: memref<128xi32, #tpu.memory_space<vmem>>, %arg14: memref<128xi32, #tpu.memory_space<vmem>>, %arg15: memref<128xf32, #tpu.memory_space<vmem>>, %arg16: memref<!tpu.dma_semaphore, #tpu.memory_space<semaphore_mem>>) attributes {dimension_semantics = [#tpu.dimension_semantics<core_parallel>, #tpu.dimension_semantics<subcore_parallel>], iteration_bounds = array<i64: 2, 16>, scalar_prefetch = 0 : i64, scratch_operands = 11 : i64, tpu.core_type = #tpu.core_type<sc_vector_subcore>, window_params = [{transform_indices = #map}, {transform_indices = #map}, {transform_indices = #map}, {transform_indices = #map}]} {
    %mul3A = arith.constant 2 : i32
    %mul3A_0 = arith.muli %arg1, %mul3A : i32
    %add3A = arith.addi %mul3A_0, %arg0 : i32
    %mul3A_1 = arith.constant 31360 : i32
    %mul3A_2 = arith.muli %add3A, %mul3A_1 : i32
    %lt3A = arith.constant 31 : i32
    %lt3A_3 = arith.cmpi slt, %add3A, %lt3A : i32
    %convert_element_type3A = arith.extui %lt3A_3 : i1 to i32
    %cond3A = arith.constant 0 : i32
    %cond3A_4 = arith.cmpi ne, %convert_element_type3A, %cond3A : i32
    scf.if %cond3A_4 {
      %dma_start3A = arith.constant 0 : i32
      %dma_start3A_98 = tpu.memref_slice %arg8[%dma_start3A] : memref<31376xi32, #tpu.memory_space<vmem>> -> memref<31360xi32, #tpu.memory_space<vmem>>
      %dma_start3A_99 = tpu.memref_slice %arg2[%mul3A_2] : memref<1000000xi32, #tpu.memory_space<hbm>> -> memref<31360xi32, #tpu.memory_space<hbm>>
      %dma_start3A_100 = arith.constant 0 : i32
      %dma_start3A_101 = tpu.memref_slice %arg8[%dma_start3A_100] : memref<31376xi32, #tpu.memory_space<vmem>> -> memref<31360xi32, #tpu.memory_space<vmem>>
      %dma_start3A_102 = tpu.memref_slice %arg2[%mul3A_2] : memref<1000000xi32, #tpu.memory_space<hbm>> -> memref<31360xi32, #tpu.memory_space<hbm>>
      tpu.enqueue_dma source(%dma_start3A_102 : memref<31360xi32, #tpu.memory_space<hbm>>) target(%dma_start3A_101 : memref<31360xi32, #tpu.memory_space<vmem>>) target_semaphore(%arg16 : memref<!tpu.dma_semaphore, #tpu.memory_space<semaphore_mem>>)
      %dma_start3A_103 = tpu.memref_slice %arg3[%mul3A_2] : memref<1000000xf32, #tpu.memory_space<hbm>> -> memref<31360xf32, #tpu.memory_space<hbm>>
      %dma_start3A_104 = tpu.memref_slice %arg3[%mul3A_2] : memref<1000000xf32, #tpu.memory_space<hbm>> -> memref<31360xf32, #tpu.memory_space<hbm>>
      tpu.enqueue_dma source(%dma_start3A_104 : memref<31360xf32, #tpu.memory_space<hbm>>) target(%arg9 : memref<31360xf32, #tpu.memory_space<vmem>>) target_semaphore(%arg16 : memref<!tpu.dma_semaphore, #tpu.memory_space<semaphore_mem>>)
    } else {
    }
    %eq3A = arith.constant 31 : i32
    %eq3A_5 = arith.cmpi eq, %add3A, %eq3A : i32
    %convert_element_type3A_6 = arith.extui %eq3A_5 : i1 to i32
    %cond3A_7 = arith.constant 0 : i32
    %cond3A_8 = arith.cmpi ne, %convert_element_type3A_6, %cond3A_7 : i32
    scf.if %cond3A_8 {
      %dma_start3A = arith.constant 0 : i32
      %dma_start3A_98 = tpu.memref_slice %arg8[%dma_start3A] : memref<31376xi32, #tpu.memory_space<vmem>> -> memref<27840xi32, #tpu.memory_space<vmem>>
      %dma_start3A_99 = tpu.memref_slice %arg2[%mul3A_2] : memref<1000000xi32, #tpu.memory_space<hbm>> -> memref<27840xi32, #tpu.memory_space<hbm>>
      %dma_start3A_100 = arith.constant 0 : i32
      %dma_start3A_101 = tpu.memref_slice %arg8[%dma_start3A_100] : memref<31376xi32, #tpu.memory_space<vmem>> -> memref<27840xi32, #tpu.memory_space<vmem>>
      %dma_start3A_102 = tpu.memref_slice %arg2[%mul3A_2] : memref<1000000xi32, #tpu.memory_space<hbm>> -> memref<27840xi32, #tpu.memory_space<hbm>>
      tpu.enqueue_dma source(%dma_start3A_102 : memref<27840xi32, #tpu.memory_space<hbm>>) target(%dma_start3A_101 : memref<27840xi32, #tpu.memory_space<vmem>>) target_semaphore(%arg16 : memref<!tpu.dma_semaphore, #tpu.memory_space<semaphore_mem>>)
      %dma_start3A_103 = arith.constant 0 : i32
      %dma_start3A_104 = tpu.memref_slice %arg9[%dma_start3A_103] : memref<31360xf32, #tpu.memory_space<vmem>> -> memref<27840xf32, #tpu.memory_space<vmem>>
      %dma_start3A_105 = tpu.memref_slice %arg3[%mul3A_2] : memref<1000000xf32, #tpu.memory_space<hbm>> -> memref<27840xf32, #tpu.memory_space<hbm>>
      %dma_start3A_106 = arith.constant 0 : i32
      %dma_start3A_107 = tpu.memref_slice %arg9[%dma_start3A_106] : memref<31360xf32, #tpu.memory_space<vmem>> -> memref<27840xf32, #tpu.memory_space<vmem>>
      %dma_start3A_108 = tpu.memref_slice %arg3[%mul3A_2] : memref<1000000xf32, #tpu.memory_space<hbm>> -> memref<27840xf32, #tpu.memory_space<hbm>>
      tpu.enqueue_dma source(%dma_start3A_108 : memref<27840xf32, #tpu.memory_space<hbm>>) target(%dma_start3A_107 : memref<27840xf32, #tpu.memory_space<vmem>>) target_semaphore(%arg16 : memref<!tpu.dma_semaphore, #tpu.memory_space<semaphore_mem>>)
    } else {
    }
    %scan3A = arith.constant 0 : i32
    %scan3A_9 = arith.constant 0 : i32
    %scan3A_10 = arith.constant 79 : i32
    %scan3A_11 = arith.addi %scan3A_9, %scan3A_10 : i32
    %scan3A_12 = arith.constant 1 : i32
    scf.for %scan3A_98 = %scan3A_9 to %scan3A_11 step %scan3A_12  : i32 {
      %broadcast_in_dim3A_99 = arith.constant 0.000000e+00 : f32
      %broadcast_in_dim3A_100 = vector.broadcast %broadcast_in_dim3A_99 : f32 to vector<16xf32>
      %mul3A_101 = arith.constant 16 : i32
      %mul3A_102 = arith.muli %scan3A_98, %mul3A_101 : i32
      %swap3A_103 = arith.index_cast %mul3A_102 : i32 to index
      %swap3A_104 = tpu.vector_load %arg10[%swap3A_103] {strides = array<i32>} : memref<1264xf32, #tpu.memory_space<vmem>>, vector<16xf32>,
      tpu.vector_store %arg10[%swap3A_103], %broadcast_in_dim3A_100 {strides = array<i32>} : memref<1264xf32, #tpu.memory_space<vmem>>, vector<16xf32>,
      %broadcast_in_dim3A_105 = arith.constant 0 : i32
      %broadcast_in_dim3A_106 = vector.broadcast %broadcast_in_dim3A_105 : i32 to vector<16xi32>
      %mul3A_107 = arith.constant 16 : i32
      %mul3A_108 = arith.muli %scan3A_98, %mul3A_107 : i32
      %swap3A_109 = arith.index_cast %mul3A_108 : i32 to index
      %swap3A_110 = tpu.vector_load %arg11[%swap3A_109] {strides = array<i32>} : memref<1264xi32, #tpu.memory_space<vmem>>, vector<16xi32>,
      tpu.vector_store %arg11[%swap3A_109], %broadcast_in_dim3A_106 {strides = array<i32>} : memref<1264xi32, #tpu.memory_space<vmem>>, vector<16xi32>,
    }
    %scan3A_13 = arith.constant 79 : i32
    %mul3A_14 = arith.constant 1264 : i32
    %mul3A_15 = arith.muli %arg1, %mul3A_14 : i32
    "tpu.region"() ({
      %run_scoped3A = tpu.sem_alloc : memref<!tpu.dma_semaphore, #tpu.memory_space<semaphore_mem>>
      %dma_start3A = tpu.memref_slice %arg6[%mul3A_15] : memref<20224xf32, #tpu.memory_space<vmem_shared>> -> memref<1264xf32, #tpu.memory_space<vmem_shared>>
      %dma_start3A_98 = tpu.memref_slice %arg6[%mul3A_15] : memref<20224xf32, #tpu.memory_space<vmem_shared>> -> memref<1264xf32, #tpu.memory_space<vmem_shared>>
      tpu.enqueue_dma source(%arg10 : memref<1264xf32, #tpu.memory_space<vmem>>) target(%dma_start3A_98 : memref<1264xf32, #tpu.memory_space<vmem_shared>>) target_semaphore(%run_scoped3A : memref<!tpu.dma_semaphore, #tpu.memory_space<semaphore_mem>>)
      %dma_wait3A = tpu.memref_slice %arg6[%mul3A_15] : memref<20224xf32, #tpu.memory_space<vmem_shared>> -> memref<1264xf32, #tpu.memory_space<vmem_shared>>
      %dma_wait3A_99 = tpu.memref_slice %arg6[%mul3A_15] : memref<20224xf32, #tpu.memory_space<vmem_shared>> -> memref<1264xf32, #tpu.memory_space<vmem_shared>>
      tpu.wait_dma2 semaphore(%run_scoped3A : memref<!tpu.dma_semaphore, #tpu.memory_space<semaphore_mem>>) src(%arg10 : memref<1264xf32, #tpu.memory_space<vmem>>) dst(%dma_wait3A_99 : memref<1264xf32, #tpu.memory_space<vmem_shared>>)
      tpu.yield
    }) : () -> ()
    %mul3A_16 = arith.constant 1264 : i32
    %mul3A_17 = arith.muli %arg1, %mul3A_16 : i32
    "tpu.region"() ({
      %run_scoped3A = tpu.sem_alloc : memref<!tpu.dma_semaphore, #tpu.memory_space<semaphore_mem>>
      %dma_start3A = tpu.memref_slice %arg7[%mul3A_17] : memref<20224xi32, #tpu.memory_space<vmem_shared>> -> memref<1264xi32, #tpu.memory_space<vmem_shared>>
      %dma_start3A_98 = tpu.memref_slice %arg7[%mul3A_17] : memref<20224xi32, #tpu.memory_space<vmem_shared>> -> memref<1264xi32, #tpu.memory_space<vmem_shared>>
      tpu.enqueue_dma source(%arg11 : memref<1264xi32, #tpu.memory_space<vmem>>) target(%dma_start3A_98 : memref<1264xi32, #tpu.memory_space<vmem_shared>>) target_semaphore(%run_scoped3A : memref<!tpu.dma_semaphore, #tpu.memory_space<semaphore_mem>>)
      %dma_wait3A = tpu.memref_slice %arg7[%mul3A_17] : memref<20224xi32, #tpu.memory_space<vmem_shared>> -> memref<1264xi32, #tpu.memory_space<vmem_shared>>
      %dma_wait3A_99 = tpu.memref_slice %arg7[%mul3A_17] : memref<20224xi32, #tpu.memory_space<vmem_shared>> -> memref<1264xi32, #tpu.memory_space<vmem_shared>>
      tpu.wait_dma2 semaphore(%run_scoped3A : memref<!tpu.dma_semaphore, #tpu.memory_space<semaphore_mem>>) src(%arg11 : memref<1264xi32, #tpu.memory_space<vmem>>) dst(%dma_wait3A_99 : memref<1264xi32, #tpu.memory_space<vmem_shared>>)
      tpu.yield
    }) : () -> ()
    %barrier3A = arith.constant 0 : index
    tpu.barrier barrier_id(%barrier3A)
    %lt3A_18 = arith.constant 31 : i32
    %lt3A_19 = arith.cmpi slt, %add3A, %lt3A_18 : i32
    %convert_element_type3A_20 = arith.extui %lt3A_19 : i1 to i32
    %cond3A_21 = arith.constant 0 : i32
    %cond3A_22 = arith.cmpi ne, %convert_element_type3A_20, %cond3A_21 : i32
    scf.if %cond3A_22 {
      %dma_wait3A = arith.constant 0 : i32
      %dma_wait3A_98 = tpu.memref_slice %arg8[%dma_wait3A] : memref<31376xi32, #tpu.memory_space<vmem>> -> memref<31360xi32, #tpu.memory_space<vmem>>
      %dma_wait3A_99 = tpu.memref_slice %arg2[%mul3A_2] : memref<1000000xi32, #tpu.memory_space<hbm>> -> memref<31360xi32, #tpu.memory_space<hbm>>
      %dma_wait3A_100 = arith.constant 0 : i32
      %dma_wait3A_101 = tpu.memref_slice %arg8[%dma_wait3A_100] : memref<31376xi32, #tpu.memory_space<vmem>> -> memref<31360xi32, #tpu.memory_space<vmem>>
      %dma_wait3A_102 = tpu.memref_slice %arg2[%mul3A_2] : memref<1000000xi32, #tpu.memory_space<hbm>> -> memref<31360xi32, #tpu.memory_space<hbm>>
      tpu.wait_dma2 semaphore(%arg16 : memref<!tpu.dma_semaphore, #tpu.memory_space<semaphore_mem>>) src(%dma_wait3A_102 : memref<31360xi32, #tpu.memory_space<hbm>>) dst(%dma_wait3A_101 : memref<31360xi32, #tpu.memory_space<vmem>>)
      %dma_wait3A_103 = tpu.memref_slice %arg3[%mul3A_2] : memref<1000000xf32, #tpu.memory_space<hbm>> -> memref<31360xf32, #tpu.memory_space<hbm>>
      %dma_wait3A_104 = tpu.memref_slice %arg3[%mul3A_2] : memref<1000000xf32, #tpu.memory_space<hbm>> -> memref<31360xf32, #tpu.memory_space<hbm>>
      tpu.wait_dma2 semaphore(%arg16 : memref<!tpu.dma_semaphore, #tpu.memory_space<semaphore_mem>>) src(%dma_wait3A_104 : memref<31360xf32, #tpu.memory_space<hbm>>) dst(%arg9 : memref<31360xf32, #tpu.memory_space<vmem>>)
    } else {
    }
    %eq3A_23 = arith.constant 31 : i32
    %eq3A_24 = arith.cmpi eq, %add3A, %eq3A_23 : i32
    %convert_element_type3A_25 = arith.extui %eq3A_24 : i1 to i32
    %cond3A_26 = arith.constant 0 : i32
    %cond3A_27 = arith.cmpi ne, %convert_element_type3A_25, %cond3A_26 : i32
    scf.if %cond3A_27 {
      %dma_wait3A = arith.constant 0 : i32
      %dma_wait3A_98 = tpu.memref_slice %arg8[%dma_wait3A] : memref<31376xi32, #tpu.memory_space<vmem>> -> memref<27840xi32, #tpu.memory_space<vmem>>
      %dma_wait3A_99 = tpu.memref_slice %arg2[%mul3A_2] : memref<1000000xi32, #tpu.memory_space<hbm>> -> memref<27840xi32, #tpu.memory_space<hbm>>
      %dma_wait3A_100 = arith.constant 0 : i32
      %dma_wait3A_101 = tpu.memref_slice %arg8[%dma_wait3A_100] : memref<31376xi32, #tpu.memory_space<vmem>> -> memref<27840xi32, #tpu.memory_space<vmem>>
      %dma_wait3A_102 = tpu.memref_slice %arg2[%mul3A_2] : memref<1000000xi32, #tpu.memory_space<hbm>> -> memref<27840xi32, #tpu.memory_space<hbm>>
      tpu.wait_dma2 semaphore(%arg16 : memref<!tpu.dma_semaphore, #tpu.memory_space<semaphore_mem>>) src(%dma_wait3A_102 : memref<27840xi32, #tpu.memory_space<hbm>>) dst(%dma_wait3A_101 : memref<27840xi32, #tpu.memory_space<vmem>>)
      %dma_wait3A_103 = arith.constant 0 : i32
      %dma_wait3A_104 = tpu.memref_slice %arg9[%dma_wait3A_103] : memref<31360xf32, #tpu.memory_space<vmem>> -> memref<27840xf32, #tpu.memory_space<vmem>>
      %dma_wait3A_105 = tpu.memref_slice %arg3[%mul3A_2] : memref<1000000xf32, #tpu.memory_space<hbm>> -> memref<27840xf32, #tpu.memory_space<hbm>>
      %dma_wait3A_106 = arith.constant 0 : i32
      %dma_wait3A_107 = tpu.memref_slice %arg9[%dma_wait3A_106] : memref<31360xf32, #tpu.memory_space<vmem>> -> memref<27840xf32, #tpu.memory_space<vmem>>
      %dma_wait3A_108 = tpu.memref_slice %arg3[%mul3A_2] : memref<1000000xf32, #tpu.memory_space<hbm>> -> memref<27840xf32, #tpu.memory_space<hbm>>
      tpu.wait_dma2 semaphore(%arg16 : memref<!tpu.dma_semaphore, #tpu.memory_space<semaphore_mem>>) src(%dma_wait3A_108 : memref<27840xf32, #tpu.memory_space<hbm>>) dst(%dma_wait3A_107 : memref<27840xf32, #tpu.memory_space<vmem>>)
      %scan3A_109 = arith.constant 0 : i32
      %scan3A_110 = arith.constant 0 : i32
      %scan3A_111 = arith.constant 220 : i32
      %scan3A_112 = arith.addi %scan3A_110, %scan3A_111 : i32
      %scan3A_113 = arith.constant 1 : i32
      scf.for %scan3A_115 = %scan3A_110 to %scan3A_112 step %scan3A_113  : i32 {
        %mul3A_116 = arith.constant 16 : i32
        %mul3A_117 = arith.muli %scan3A_115, %mul3A_116 : i32
        %add3A_118 = arith.constant 27840 : i32
        %add3A_119 = arith.addi %add3A_118, %mul3A_117 : i32
        %broadcast_in_dim3A_120 = arith.constant 20000 : i32
        %broadcast_in_dim3A_121 = vector.broadcast %broadcast_in_dim3A_120 : i32 to vector<16xi32>
        %rem3A_122 = arith.constant 224 : i32
        %rem3A_123 = arith.remsi %scan3A_115, %rem3A_122 : i32
        %add3A_124 = vector.broadcast %rem3A_123 : i32 to vector<16xi32>
        %add3A_125 = arith.addi %broadcast_in_dim3A_121, %add3A_124 : vector<16xi32>
        %swap3A_126 = arith.index_cast %add3A_119 : i32 to index
        %swap3A_127 = tpu.vector_load %arg8[%swap3A_126] {strides = array<i32>} : memref<31376xi32, #tpu.memory_space<vmem>>, vector<16xi32>,
        tpu.vector_store %arg8[%swap3A_126], %add3A_125 {strides = array<i32>} : memref<31376xi32, #tpu.memory_space<vmem>>, vector<16xi32>,
        %broadcast_in_dim3A_128 = arith.constant 0.000000e+00 : f32
        %broadcast_in_dim3A_129 = vector.broadcast %broadcast_in_dim3A_128 : f32 to vector<16xf32>
        %swap3A_130 = arith.index_cast %add3A_119 : i32 to index
        %swap3A_131 = tpu.vector_load %arg9[%swap3A_130] {strides = array<i32>} : memref<31360xf32, #tpu.memory_space<vmem>>, vector<16xf32>,
        tpu.vector_store %arg9[%swap3A_130], %broadcast_in_dim3A_129 {strides = array<i32>} : memref<31360xf32, #tpu.memory_space<vmem>>, vector<16xf32>,
      }
      %scan3A_114 = arith.constant 220 : i32
    } else {
    }
    %eq3A_28 = arith.constant 31 : i32
    %eq3A_29 = arith.cmpi eq, %add3A, %eq3A_28 : i32
    %jit3A = arith.constant 27840 : i32
    %jit3A_30 = arith.constant 31360 : i32
    %select_n3A = arith.select %eq3A_29, %jit3A, %jit3A_30 : i32
    %broadcast_in_dim3A = arith.constant 20000 : i32
    %broadcast_in_dim3A_31 = vector.broadcast %broadcast_in_dim3A : i32 to vector<16xi32>
    %swap3A = arith.index_cast %select_n3A : i32 to index
    %swap3A_32 = tpu.vector_load %arg8[%swap3A] {strides = array<i32>} : memref<31376xi32, #tpu.memory_space<vmem>>, vector<16xi32>,
    tpu.vector_store %arg8[%swap3A], %broadcast_in_dim3A_31 {strides = array<i32>} : memref<31376xi32, #tpu.memory_space<vmem>>, vector<16xi32>,
    %broadcast_in_dim3A_33 = arith.constant 0 : i32
    %broadcast_in_dim3A_34 = vector.broadcast %broadcast_in_dim3A_33 : i32 to vector<16xi32>
    %swap3A_35 = arith.constant 0 : index
    %swap3A_36 = tpu.vector_load %arg12[%swap3A_35] {strides = array<i32>} : memref<31616xi32, #tpu.memory_space<vmem>>, vector<16xi32>,
    tpu.vector_store %arg12[%swap3A_35], %broadcast_in_dim3A_34 {strides = array<i32>} : memref<31616xi32, #tpu.memory_space<vmem>>, vector<16xi32>,
    %iota3A = tpu.iota {dimensions = array<i32: 0>} : vector<16xi32>
    %broadcast_in_dim3A_37 = arith.constant 0.000000e+00 : f32
    %broadcast_in_dim3A_38 = vector.broadcast %broadcast_in_dim3A_37 : f32 to vector<16xf32>
    %scan3A_39 = arith.constant 1 : i32
    %scan3A_40 = arith.constant 0 : i32
    %scan3A_41 = arith.constant 1960 : i32
    %scan3A_42 = arith.addi %scan3A_40, %scan3A_41 : i32
    %scan3A_43 = arith.constant 1 : i32
    %scan3A_44:2 = scf.for %scan3A_98 = %scan3A_40 to %scan3A_42 step %scan3A_43 iter_args(%scan3A_99 = %scan3A_39, %scan3A_100 = %broadcast_in_dim3A_38) -> (i32, vector<16xf32>)  : i32 {
      %mul3A_101 = arith.constant 16 : i32
      %mul3A_102 = arith.muli %scan3A_98, %mul3A_101 : i32
      %mul3A_103 = arith.constant 16 : i32
      %mul3A_104 = arith.muli %scan3A_98, %mul3A_103 : i32
      %broadcast_in_dim3A_105 = vector.broadcast %mul3A_104 : i32 to vector<16xi32>
      %add3A_106 = arith.addi %broadcast_in_dim3A_105, %iota3A : vector<16xi32>
      %get3A = arith.index_cast %mul3A_102 : i32 to index
      %get3A_107 = tpu.vector_load %arg8[%get3A] {strides = array<i32>} : memref<31376xi32, #tpu.memory_space<vmem>>, vector<16xi32>,
      %sub3A_108 = arith.constant 1 : i32
      %sub3A_109 = vector.broadcast %sub3A_108 : i32 to vector<16xi32>
      %sub3A_110 = arith.subi %add3A_106, %sub3A_109 : vector<16xi32>
      %max3A = arith.constant 0 : i32
      %max3A_111 = vector.broadcast %max3A : i32 to vector<16xi32>
      %max3A_112 = arith.maxsi %sub3A_110, %max3A_111 : vector<16xi32>
      %gather3A = tpu.vector_load_idx %arg8[%max3A_112] : memref<31376xi32, #tpu.memory_space<vmem>>[vector<16xi32>], vector<16xi32>,
      %ne3A_113 = arith.cmpi ne, %get3A_107, %gather3A : vector<16xi32>
      %get3A_114 = arith.index_cast %mul3A_102 : i32 to index
      %get3A_115 = tpu.vector_load %arg9[%get3A_114] {strides = array<i32>} : memref<31360xf32, #tpu.memory_space<vmem>>, vector<16xf32>,
      %broadcast_in_dim3A_116 = arith.constant true
      %broadcast_in_dim3A_117 = vector.broadcast %broadcast_in_dim3A_116 : i1 to vector<16xi1>
      %masked_cumsum3A = tpu.scan <sum>, %get3A_115 masked %broadcast_in_dim3A_117 : vector<16xf32>, vector<16xi1> -> vector<16xf32>
      %add3A_118 = arith.addf %masked_cumsum3A, %scan3A_100 : vector<16xf32>
      %swap3A_119 = arith.index_cast %mul3A_102 : i32 to index
      %swap3A_120 = tpu.vector_load %arg9[%swap3A_119] {strides = array<i32>} : memref<31360xf32, #tpu.memory_space<vmem>>, vector<16xf32>,
      tpu.vector_store %arg9[%swap3A_119], %add3A_118 {strides = array<i32>} : memref<31360xf32, #tpu.memory_space<vmem>>, vector<16xf32>,
      %mul3A_121 = arith.constant 16 : i32
      %mul3A_122 = arith.muli %scan3A_98, %mul3A_121 : i32
      %add3A_123 = arith.constant 16 : i32
      %add3A_124 = arith.addi %mul3A_122, %add3A_123 : i32
      %sub3A_125 = arith.constant 1 : i32
      %sub3A_126 = arith.subi %add3A_124, %sub3A_125 : i32
      %broadcast_in_dim3A_127 = vector.broadcast %sub3A_126 : i32 to vector<16xi32>
      %gather3A_128 = tpu.vector_load_idx %arg9[%broadcast_in_dim3A_127] : memref<31360xf32, #tpu.memory_space<vmem>>[vector<16xi32>], vector<16xf32>,
      %swap3A_129 = arith.index_cast %scan3A_99 : i32 to index
      %swap3A_130 = tpu.vector_load %arg12[%swap3A_129] masked %ne3A_113 {strides = array<i32>} : memref<31616xi32, #tpu.memory_space<vmem>>, vector<16xi32>, vector<16xi1>
      tpu.vector_store %arg12[%swap3A_129], %add3A_106 masked %ne3A_113 {strides = array<i32>} : memref<31616xi32, #tpu.memory_space<vmem>>, vector<16xi32>, vector<16xi1>
      %all_reduce_population_count3A = tpu.all_reduce %ne3A_113 {dim = 0 : i64, kind = #tpu.reduction_kind<sum>} : vector<16xi1> -> vector<16xi32>
      %reduce_max3A = arith.constant true
      %reduce_max3A_131 = vector.broadcast %reduce_max3A : i1 to vector<16xi1>
      %reduce_max3A_132 = arith.constant -2147483648 : i32
      %reduce_max3A_133 = vector.broadcast %reduce_max3A_132 : i32 to vector<16xi32>
      %reduce_max3A_134 = arith.xori %all_reduce_population_count3A, %reduce_max3A_133 : vector<16xi32>
      %reduce_max3A_135 = tpu.scan <max>, %reduce_max3A_134 masked %reduce_max3A_131 : vector<16xi32>, vector<16xi1> -> vector<16xi32>
      %reduce_max3A_136 = arith.xori %reduce_max3A_135, %reduce_max3A_133 : vector<16xi32>
      %reduce_max3A_137 = vector.extract %reduce_max3A_136[15] : i32 from vector<16xi32>
      %add3A_138 = arith.addi %scan3A_99, %reduce_max3A_137 : i32
      scf.yield %add3A_138, %gather3A_128 : i32, vector<16xf32>
    }
    %scan3A_45 = arith.constant 1960 : i32
    %scan3A_46 = arith.constant 0 : i32
    %scan3A_47 = arith.constant 0 : i32
    %scan3A_48 = arith.constant 10 : i32
    %scan3A_49 = arith.addi %scan3A_47, %scan3A_48 : i32
    %scan3A_50 = arith.constant 1 : i32
    scf.for %scan3A_98 = %scan3A_47 to %scan3A_49 step %scan3A_50  : i32 {
      %broadcast_in_dim3A_99 = vector.broadcast %select_n3A : i32 to vector<16xi32>
      %mul3A_100 = arith.constant 16 : i32
      %mul3A_101 = arith.muli %scan3A_98, %mul3A_100 : i32
      %add3A_102 = arith.addi %scan3A_44#0, %mul3A_101 : i32
      %swap3A_103 = arith.index_cast %add3A_102 : i32 to index
      %swap3A_104 = tpu.vector_load %arg12[%swap3A_103] {strides = array<i32>} : memref<31616xi32, #tpu.memory_space<vmem>>, vector<16xi32>,
      tpu.vector_store %arg12[%swap3A_103], %broadcast_in_dim3A_99 {strides = array<i32>} : memref<31616xi32, #tpu.memory_space<vmem>>, vector<16xi32>,
    }
    %scan3A_51 = arith.constant 10 : i32
    %add3A_52 = arith.constant 128 : i32
    %add3A_53 = arith.addi %scan3A_44#0, %add3A_52 : i32
    %sub3A = arith.constant 1 : i32
    %sub3A_54 = arith.subi %add3A_53, %sub3A : i32
    %jit3A_55 = arith.constant 128 : i32
    %div3A = arith.divsi %sub3A_54, %jit3A_55 : i32
    %sign3A = arith.constant 0 : i32
    %sign3A_56 = arith.cmpi sgt, %sub3A_54, %sign3A : i32
    %sign3A_57 = arith.extui %sign3A_56 : i1 to i32
    %sign3A_58 = arith.constant 0 : i32
    %sign3A_59 = arith.cmpi slt, %sub3A_54, %sign3A_58 : i32
    %sign3A_60 = arith.extui %sign3A_59 : i1 to i32
    %sign3A_61 = arith.subi %sign3A_57, %sign3A_60 : i32
    %sign3A_62 = arith.constant 0 : i32
    %sign3A_63 = arith.cmpi sgt, %jit3A_55, %sign3A_62 : i32
    %sign3A_64 = arith.extui %sign3A_63 : i1 to i32
    %sign3A_65 = arith.constant 0 : i32
    %sign3A_66 = arith.cmpi slt, %jit3A_55, %sign3A_65 : i32
    %sign3A_67 = arith.extui %sign3A_66 : i1 to i32
    %sign3A_68 = arith.subi %sign3A_64, %sign3A_67 : i32
    %ne3A = arith.cmpi ne, %sign3A_61, %sign3A_68 : i32
    %rem3A = arith.remsi %sub3A_54, %jit3A_55 : i32
    %ne3A_69 = arith.constant 0 : i32
    %ne3A_70 = arith.cmpi ne, %rem3A, %ne3A_69 : i32
    %and3A = arith.andi %ne3A, %ne3A_70 : i1
    %sub3A_71 = arith.constant 1 : i32
    %sub3A_72 = arith.subi %div3A, %sub3A_71 : i32
    %select_n3A_73 = arith.select %and3A, %sub3A_72, %div3A : i32
    %while3A = arith.constant 0 : i32
    %while3A_74 = arith.constant 0 : i32
    %while3A_75 = arith.subi %select_n3A_73, %while3A_74 : i32
    %while3A_76 = arith.addi %while3A_74, %while3A_75 : i32
    %while3A_77 = arith.constant 1 : i32
    %while3A_78 = arith.divsi %while3A_75, %while3A_77 : i32
    %while3A_79 = arith.muli %while3A_78, %while3A_77 : i32
    %while3A_80 = arith.addi %while3A_74, %while3A_79 : i32
    %while3A_81 = arith.constant 1 : i32
    scf.for %while3A_98 = %while3A_74 to %while3A_80 step %while3A_81  : i32 {
      %broadcast_in_dim3A_99 = arith.constant 0 : i32
      %broadcast_in_dim3A_100 = vector.broadcast %broadcast_in_dim3A_99 : i32 to vector<16xi32>
      %mul3A_101 = arith.constant 128 : i32
      %mul3A_102 = arith.muli %while3A_98, %mul3A_101 : i32
      %add3A_103 = vector.broadcast %mul3A_102 : i32 to vector<16xi32>
      %add3A_104 = arith.addi %broadcast_in_dim3A_100, %add3A_103 : vector<16xi32>
      %add3A_105 = arith.constant 0 : i32
      %add3A_106 = vector.broadcast %add3A_105 : i32 to vector<16xi32>
      %add3A_107 = arith.addi %add3A_104, %add3A_106 : vector<16xi32>
      %add3A_108 = arith.addi %add3A_107, %iota3A : vector<16xi32>
      %gather3A = tpu.vector_load_idx %arg12[%add3A_108] : memref<31616xi32, #tpu.memory_space<vmem>>[vector<16xi32>], vector<16xi32>,
      %add3A_109 = arith.constant 1 : i32
      %add3A_110 = vector.broadcast %add3A_109 : i32 to vector<16xi32>
      %add3A_111 = arith.addi %add3A_108, %add3A_110 : vector<16xi32>
      %gather3A_112 = tpu.vector_load_idx %arg12[%add3A_111] : memref<31616xi32, #tpu.memory_space<vmem>>[vector<16xi32>], vector<16xi32>,
      %gather3A_113 = tpu.vector_load_idx %arg8[%gather3A] : memref<31376xi32, #tpu.memory_space<vmem>>[vector<16xi32>], vector<16xi32>,
      %swap3A_114 = arith.constant 0 : index
      %swap3A_115 = tpu.vector_load %arg13[%swap3A_114] {strides = array<i32>} : memref<128xi32, #tpu.memory_space<vmem>>, vector<16xi32>,
      tpu.vector_store %arg13[%swap3A_114], %gather3A_113 {strides = array<i32>} : memref<128xi32, #tpu.memory_space<vmem>>, vector<16xi32>,
      %sub3A_116 = arith.subi %gather3A_112, %gather3A : vector<16xi32>
      %swap3A_117 = arith.constant 0 : index
      %swap3A_118 = tpu.vector_load %arg14[%swap3A_117] {strides = array<i32>} : memref<128xi32, #tpu.memory_space<vmem>>, vector<16xi32>,
      tpu.vector_store %arg14[%swap3A_117], %sub3A_116 {strides = array<i32>} : memref<128xi32, #tpu.memory_space<vmem>>, vector<16xi32>,
      %sub3A_119 = arith.constant 1 : i32
      %sub3A_120 = vector.broadcast %sub3A_119 : i32 to vector<16xi32>
      %sub3A_121 = arith.subi %gather3A, %sub3A_120 : vector<16xi32>
      %max3A = arith.constant 0 : i32
      %max3A_122 = vector.broadcast %max3A : i32 to vector<16xi32>
      %max3A_123 = arith.maxsi %sub3A_121, %max3A_122 : vector<16xi32>
      %gather3A_124 = tpu.vector_load_idx %arg9[%max3A_123] : memref<31360xf32, #tpu.memory_space<vmem>>[vector<16xi32>], vector<16xf32>,
      %eq3A_125 = arith.constant 0 : i32
      %eq3A_126 = vector.broadcast %eq3A_125 : i32 to vector<16xi32>
      %eq3A_127 = arith.cmpi eq, %gather3A, %eq3A_126 : vector<16xi32>
      %broadcast_in_dim3A_128 = arith.constant 0.000000e+00 : f32
      %broadcast_in_dim3A_129 = vector.broadcast %broadcast_in_dim3A_128 : f32 to vector<16xf32>
      %select_n3A_130 = arith.select %eq3A_127, %broadcast_in_dim3A_129, %gather3A_124 : vector<16xi1>, vector<16xf32>
      %sub3A_131 = arith.constant 1 : i32
      %sub3A_132 = vector.broadcast %sub3A_131 : i32 to vector<16xi32>
      %sub3A_133 = arith.subi %gather3A_112, %sub3A_132 : vector<16xi32>
      %max3A_134 = arith.constant 0 : i32
      %max3A_135 = vector.broadcast %max3A_134 : i32 to vector<16xi32>
      %max3A_136 = arith.maxsi %sub3A_133, %max3A_135 : vector<16xi32>
      %gather3A_137 = tpu.vector_load_idx %arg9[%max3A_136] : memref<31360xf32, #tpu.memory_space<vmem>>[vector<16xi32>], vector<16xf32>,
      %sub3A_138 = arith.subf %gather3A_137, %select_n3A_130 : vector<16xf32>
      %swap3A_139 = arith.constant 0 : index
      %swap3A_140 = tpu.vector_load %arg15[%swap3A_139] {strides = array<i32>} : memref<128xf32, #tpu.memory_space<vmem>>, vector<16xf32>,
      tpu.vector_store %arg15[%swap3A_139], %sub3A_138 {strides = array<i32>} : memref<128xf32, #tpu.memory_space<vmem>>, vector<16xf32>,
      %broadcast_in_dim3A_141 = arith.constant 0 : i32
      %broadcast_in_dim3A_142 = vector.broadcast %broadcast_in_dim3A_141 : i32 to vector<16xi32>
      %mul3A_143 = arith.constant 128 : i32
      %mul3A_144 = arith.muli %while3A_98, %mul3A_143 : i32
      %add3A_145 = vector.broadcast %mul3A_144 : i32 to vector<16xi32>
      %add3A_146 = arith.addi %broadcast_in_dim3A_142, %add3A_145 : vector<16xi32>
      %add3A_147 = arith.constant 16 : i32
      %add3A_148 = vector.broadcast %add3A_147 : i32 to vector<16xi32>
      %add3A_149 = arith.addi %add3A_146, %add3A_148 : vector<16xi32>
      %add3A_150 = arith.addi %add3A_149, %iota3A : vector<16xi32>
      %gather3A_151 = tpu.vector_load_idx %arg12[%add3A_150] : memref<31616xi32, #tpu.memory_space<vmem>>[vector<16xi32>], vector<16xi32>,
      %add3A_152 = arith.constant 1 : i32
      %add3A_153 = vector.broadcast %add3A_152 : i32 to vector<16xi32>
      %add3A_154 = arith.addi %add3A_150, %add3A_153 : vector<16xi32>
      %gather3A_155 = tpu.vector_load_idx %arg12[%add3A_154] : memref<31616xi32, #tpu.memory_space<vmem>>[vector<16xi32>], vector<16xi32>,
      %gather3A_156 = tpu.vector_load_idx %arg8[%gather3A_151] : memref<31376xi32, #tpu.memory_space<vmem>>[vector<16xi32>], vector<16xi32>,
      %swap3A_157 = arith.constant 16 : index
      %swap3A_158 = tpu.vector_load %arg13[%swap3A_157] {strides = array<i32>} : memref<128xi32, #tpu.memory_space<vmem>>, vector<16xi32>,
      tpu.vector_store %arg13[%swap3A_157], %gather3A_156 {strides = array<i32>} : memref<128xi32, #tpu.memory_space<vmem>>, vector<16xi32>,
      %sub3A_159 = arith.subi %gather3A_155, %gather3A_151 : vector<16xi32>
      %swap3A_160 = arith.constant 16 : index
      %swap3A_161 = tpu.vector_load %arg14[%swap3A_160] {strides = array<i32>} : memref<128xi32, #tpu.memory_space<vmem>>, vector<16xi32>,
      tpu.vector_store %arg14[%swap3A_160], %sub3A_159 {strides = array<i32>} : memref<128xi32, #tpu.memory_space<vmem>>, vector<16xi32>,
      %sub3A_162 = arith.constant 1 : i32
      %sub3A_163 = vector.broadcast %sub3A_162 : i32 to vector<16xi32>
      %sub3A_164 = arith.subi %gather3A_151, %sub3A_163 : vector<16xi32>
      %max3A_165 = arith.constant 0 : i32
      %max3A_166 = vector.broadcast %max3A_165 : i32 to vector<16xi32>
      %max3A_167 = arith.maxsi %sub3A_164, %max3A_166 : vector<16xi32>
      %gather3A_168 = tpu.vector_load_idx %arg9[%max3A_167] : memref<31360xf32, #tpu.memory_space<vmem>>[vector<16xi32>], vector<16xf32>,
      %eq3A_169 = arith.constant 0 : i32
      %eq3A_170 = vector.broadcast %eq3A_169 : i32 to vector<16xi32>
      %eq3A_171 = arith.cmpi eq, %gather3A_151, %eq3A_170 : vector<16xi32>
      %broadcast_in_dim3A_172 = arith.constant 0.000000e+00 : f32
      %broadcast_in_dim3A_173 = vector.broadcast %broadcast_in_dim3A_172 : f32 to vector<16xf32>
      %select_n3A_174 = arith.select %eq3A_171, %broadcast_in_dim3A_173, %gather3A_168 : vector<16xi1>, vector<16xf32>
      %sub3A_175 = arith.constant 1 : i32
      %sub3A_176 = vector.broadcast %sub3A_175 : i32 to vector<16xi32>
      %sub3A_177 = arith.subi %gather3A_155, %sub3A_176 : vector<16xi32>
      %max3A_178 = arith.constant 0 : i32
      %max3A_179 = vector.broadcast %max3A_178 : i32 to vector<16xi32>
      %max3A_180 = arith.maxsi %sub3A_177, %max3A_179 : vector<16xi32>
      %gather3A_181 = tpu.vector_load_idx %arg9[%max3A_180] : memref<31360xf32, #tpu.memory_space<vmem>>[vector<16xi32>], vector<16xf32>,
      %sub3A_182 = arith.subf %gather3A_181, %select_n3A_174 : vector<16xf32>
      %swap3A_183 = arith.constant 16 : index
      %swap3A_184 = tpu.vector_load %arg15[%swap3A_183] {strides = array<i32>} : memref<128xf32, #tpu.memory_space<vmem>>, vector<16xf32>,
      tpu.vector_store %arg15[%swap3A_183], %sub3A_182 {strides = array<i32>} : memref<128xf32, #tpu.memory_space<vmem>>, vector<16xf32>,
      %broadcast_in_dim3A_185 = arith.constant 0 : i32
      %broadcast_in_dim3A_186 = vector.broadcast %broadcast_in_dim3A_185 : i32 to vector<16xi32>
      %mul3A_187 = arith.constant 128 : i32
      %mul3A_188 = arith.muli %while3A_98, %mul3A_187 : i32
      %add3A_189 = vector.broadcast %mul3A_188 : i32 to vector<16xi32>
      %add3A_190 = arith.addi %broadcast_in_dim3A_186, %add3A_189 : vector<16xi32>
      %add3A_191 = arith.constant 32 : i32
      %add3A_192 = vector.broadcast %add3A_191 : i32 to vector<16xi32>
      %add3A_193 = arith.addi %add3A_190, %add3A_192 : vector<16xi32>
      %add3A_194 = arith.addi %add3A_193, %iota3A : vector<16xi32>
      %gather3A_195 = tpu.vector_load_idx %arg12[%add3A_194] : memref<31616xi32, #tpu.memory_space<vmem>>[vector<16xi32>], vector<16xi32>,
      %add3A_196 = arith.constant 1 : i32
      %add3A_197 = vector.broadcast %add3A_196 : i32 to vector<16xi32>
      %add3A_198 = arith.addi %add3A_194, %add3A_197 : vector<16xi32>
      %gather3A_199 = tpu.vector_load_idx %arg12[%add3A_198] : memref<31616xi32, #tpu.memory_space<vmem>>[vector<16xi32>], vector<16xi32>,
      %gather3A_200 = tpu.vector_load_idx %arg8[%gather3A_195] : memref<31376xi32, #tpu.memory_space<vmem>>[vector<16xi32>], vector<16xi32>,
      %swap3A_201 = arith.constant 32 : index
      %swap3A_202 = tpu.vector_load %arg13[%swap3A_201] {strides = array<i32>} : memref<128xi32, #tpu.memory_space<vmem>>, vector<16xi32>,
      tpu.vector_store %arg13[%swap3A_201], %gather3A_200 {strides = array<i32>} : memref<128xi32, #tpu.memory_space<vmem>>, vector<16xi32>,
      %sub3A_203 = arith.subi %gather3A_199, %gather3A_195 : vector<16xi32>
      %swap3A_204 = arith.constant 32 : index
      %swap3A_205 = tpu.vector_load %arg14[%swap3A_204] {strides = array<i32>} : memref<128xi32, #tpu.memory_space<vmem>>, vector<16xi32>,
      tpu.vector_store %arg14[%swap3A_204], %sub3A_203 {strides = array<i32>} : memref<128xi32, #tpu.memory_space<vmem>>, vector<16xi32>,
      %sub3A_206 = arith.constant 1 : i32
      %sub3A_207 = vector.broadcast %sub3A_206 : i32 to vector<16xi32>
      %sub3A_208 = arith.subi %gather3A_195, %sub3A_207 : vector<16xi32>
      %max3A_209 = arith.constant 0 : i32
      %max3A_210 = vector.broadcast %max3A_209 : i32 to vector<16xi32>
      %max3A_211 = arith.maxsi %sub3A_208, %max3A_210 : vector<16xi32>
      %gather3A_212 = tpu.vector_load_idx %arg9[%max3A_211] : memref<31360xf32, #tpu.memory_space<vmem>>[vector<16xi32>], vector<16xf32>,
      %eq3A_213 = arith.constant 0 : i32
      %eq3A_214 = vector.broadcast %eq3A_213 : i32 to vector<16xi32>
      %eq3A_215 = arith.cmpi eq, %gather3A_195, %eq3A_214 : vector<16xi32>
      %broadcast_in_dim3A_216 = arith.constant 0.000000e+00 : f32
      %broadcast_in_dim3A_217 = vector.broadcast %broadcast_in_dim3A_216 : f32 to vector<16xf32>
      %select_n3A_218 = arith.select %eq3A_215, %broadcast_in_dim3A_217, %gather3A_212 : vector<16xi1>, vector<16xf32>
      %sub3A_219 = arith.constant 1 : i32
      %sub3A_220 = vector.broadcast %sub3A_219 : i32 to vector<16xi32>
      %sub3A_221 = arith.subi %gather3A_199, %sub3A_220 : vector<16xi32>
      %max3A_222 = arith.constant 0 : i32
      %max3A_223 = vector.broadcast %max3A_222 : i32 to vector<16xi32>
      %max3A_224 = arith.maxsi %sub3A_221, %max3A_223 : vector<16xi32>
      %gather3A_225 = tpu.vector_load_idx %arg9[%max3A_224] : memref<31360xf32, #tpu.memory_space<vmem>>[vector<16xi32>], vector<16xf32>,
      %sub3A_226 = arith.subf %gather3A_225, %select_n3A_218 : vector<16xf32>
      %swap3A_227 = arith.constant 32 : index
      %swap3A_228 = tpu.vector_load %arg15[%swap3A_227] {strides = array<i32>} : memref<128xf32, #tpu.memory_space<vmem>>, vector<16xf32>,
      tpu.vector_store %arg15[%swap3A_227], %sub3A_226 {strides = array<i32>} : memref<128xf32, #tpu.memory_space<vmem>>, vector<16xf32>,
      %broadcast_in_dim3A_229 = arith.constant 0 : i32
      %broadcast_in_dim3A_230 = vector.broadcast %broadcast_in_dim3A_229 : i32 to vector<16xi32>
      %mul3A_231 = arith.constant 128 : i32
      %mul3A_232 = arith.muli %while3A_98, %mul3A_231 : i32
      %add3A_233 = vector.broadcast %mul3A_232 : i32 to vector<16xi32>
      %add3A_234 = arith.addi %broadcast_in_dim3A_230, %add3A_233 : vector<16xi32>
      %add3A_235 = arith.constant 48 : i32
      %add3A_236 = vector.broadcast %add3A_235 : i32 to vector<16xi32>
      %add3A_237 = arith.addi %add3A_234, %add3A_236 : vector<16xi32>
      %add3A_238 = arith.addi %add3A_237, %iota3A : vector<16xi32>
      %gather3A_239 = tpu.vector_load_idx %arg12[%add3A_238] : memref<31616xi32, #tpu.memory_space<vmem>>[vector<16xi32>], vector<16xi32>,
      %add3A_240 = arith.constant 1 : i32
      %add3A_241 = vector.broadcast %add3A_240 : i32 to vector<16xi32>
      %add3A_242 = arith.addi %add3A_238, %add3A_241 : vector<16xi32>
      %gather3A_243 = tpu.vector_load_idx %arg12[%add3A_242] : memref<31616xi32, #tpu.memory_space<vmem>>[vector<16xi32>], vector<16xi32>,
      %gather3A_244 = tpu.vector_load_idx %arg8[%gather3A_239] : memref<31376xi32, #tpu.memory_space<vmem>>[vector<16xi32>], vector<16xi32>,
      %swap3A_245 = arith.constant 48 : index
      %swap3A_246 = tpu.vector_load %arg13[%swap3A_245] {strides = array<i32>} : memref<128xi32, #tpu.memory_space<vmem>>, vector<16xi32>,
      tpu.vector_store %arg13[%swap3A_245], %gather3A_244 {strides = array<i32>} : memref<128xi32, #tpu.memory_space<vmem>>, vector<16xi32>,
      %sub3A_247 = arith.subi %gather3A_243, %gather3A_239 : vector<16xi32>
      %swap3A_248 = arith.constant 48 : index
      %swap3A_249 = tpu.vector_load %arg14[%swap3A_248] {strides = array<i32>} : memref<128xi32, #tpu.memory_space<vmem>>, vector<16xi32>,
      tpu.vector_store %arg14[%swap3A_248], %sub3A_247 {strides = array<i32>} : memref<128xi32, #tpu.memory_space<vmem>>, vector<16xi32>,
      %sub3A_250 = arith.constant 1 : i32
      %sub3A_251 = vector.broadcast %sub3A_250 : i32 to vector<16xi32>
      %sub3A_252 = arith.subi %gather3A_239, %sub3A_251 : vector<16xi32>
      %max3A_253 = arith.constant 0 : i32
      %max3A_254 = vector.broadcast %max3A_253 : i32 to vector<16xi32>
      %max3A_255 = arith.maxsi %sub3A_252, %max3A_254 : vector<16xi32>
      %gather3A_256 = tpu.vector_load_idx %arg9[%max3A_255] : memref<31360xf32, #tpu.memory_space<vmem>>[vector<16xi32>], vector<16xf32>,
      %eq3A_257 = arith.constant 0 : i32
      %eq3A_258 = vector.broadcast %eq3A_257 : i32 to vector<16xi32>
      %eq3A_259 = arith.cmpi eq, %gather3A_239, %eq3A_258 : vector<16xi32>
      %broadcast_in_dim3A_260 = arith.constant 0.000000e+00 : f32
      %broadcast_in_dim3A_261 = vector.broadcast %broadcast_in_dim3A_260 : f32 to vector<16xf32>
      %select_n3A_262 = arith.select %eq3A_259, %broadcast_in_dim3A_261, %gather3A_256 : vector<16xi1>, vector<16xf32>
      %sub3A_263 = arith.constant 1 : i32
      %sub3A_264 = vector.broadcast %sub3A_263 : i32 to vector<16xi32>
      %sub3A_265 = arith.subi %gather3A_243, %sub3A_264 : vector<16xi32>
      %max3A_266 = arith.constant 0 : i32
      %max3A_267 = vector.broadcast %max3A_266 : i32 to vector<16xi32>
      %max3A_268 = arith.maxsi %sub3A_265, %max3A_267 : vector<16xi32>
      %gather3A_269 = tpu.vector_load_idx %arg9[%max3A_268] : memref<31360xf32, #tpu.memory_space<vmem>>[vector<16xi32>], vector<16xf32>,
      %sub3A_270 = arith.subf %gather3A_269, %select_n3A_262 : vector<16xf32>
      %swap3A_271 = arith.constant 48 : index
      %swap3A_272 = tpu.vector_load %arg15[%swap3A_271] {strides = array<i32>} : memref<128xf32, #tpu.memory_space<vmem>>, vector<16xf32>,
      tpu.vector_store %arg15[%swap3A_271], %sub3A_270 {strides = array<i32>} : memref<128xf32, #tpu.memory_space<vmem>>, vector<16xf32>,
      %broadcast_in_dim3A_273 = arith.constant 0 : i32
      %broadcast_in_dim3A_274 = vector.broadcast %broadcast_in_dim3A_273 : i32 to vector<16xi32>
      %mul3A_275 = arith.constant 128 : i32
      %mul3A_276 = arith.muli %while3A_98, %mul3A_275 : i32
      %add3A_277 = vector.broadcast %mul3A_276 : i32 to vector<16xi32>
      %add3A_278 = arith.addi %broadcast_in_dim3A_274, %add3A_277 : vector<16xi32>
      %add3A_279 = arith.constant 64 : i32
      %add3A_280 = vector.broadcast %add3A_279 : i32 to vector<16xi32>
      %add3A_281 = arith.addi %add3A_278, %add3A_280 : vector<16xi32>
      %add3A_282 = arith.addi %add3A_281, %iota3A : vector<16xi32>
      %gather3A_283 = tpu.vector_load_idx %arg12[%add3A_282] : memref<31616xi32, #tpu.memory_space<vmem>>[vector<16xi32>], vector<16xi32>,
      %add3A_284 = arith.constant 1 : i32
      %add3A_285 = vector.broadcast %add3A_284 : i32 to vector<16xi32>
      %add3A_286 = arith.addi %add3A_282, %add3A_285 : vector<16xi32>
      %gather3A_287 = tpu.vector_load_idx %arg12[%add3A_286] : memref<31616xi32, #tpu.memory_space<vmem>>[vector<16xi32>], vector<16xi32>,
      %gather3A_288 = tpu.vector_load_idx %arg8[%gather3A_283] : memref<31376xi32, #tpu.memory_space<vmem>>[vector<16xi32>], vector<16xi32>,
      %swap3A_289 = arith.constant 64 : index
      %swap3A_290 = tpu.vector_load %arg13[%swap3A_289] {strides = array<i32>} : memref<128xi32, #tpu.memory_space<vmem>>, vector<16xi32>,
      tpu.vector_store %arg13[%swap3A_289], %gather3A_288 {strides = array<i32>} : memref<128xi32, #tpu.memory_space<vmem>>, vector<16xi32>,
      %sub3A_291 = arith.subi %gather3A_287, %gather3A_283 : vector<16xi32>
      %swap3A_292 = arith.constant 64 : index
      %swap3A_293 = tpu.vector_load %arg14[%swap3A_292] {strides = array<i32>} : memref<128xi32, #tpu.memory_space<vmem>>, vector<16xi32>,
      tpu.vector_store %arg14[%swap3A_292], %sub3A_291 {strides = array<i32>} : memref<128xi32, #tpu.memory_space<vmem>>, vector<16xi32>,
      %sub3A_294 = arith.constant 1 : i32
      %sub3A_295 = vector.broadcast %sub3A_294 : i32 to vector<16xi32>
      %sub3A_296 = arith.subi %gather3A_283, %sub3A_295 : vector<16xi32>
      %max3A_297 = arith.constant 0 : i32
      %max3A_298 = vector.broadcast %max3A_297 : i32 to vector<16xi32>
      %max3A_299 = arith.maxsi %sub3A_296, %max3A_298 : vector<16xi32>
      %gather3A_300 = tpu.vector_load_idx %arg9[%max3A_299] : memref<31360xf32, #tpu.memory_space<vmem>>[vector<16xi32>], vector<16xf32>,
      %eq3A_301 = arith.constant 0 : i32
      %eq3A_302 = vector.broadcast %eq3A_301 : i32 to vector<16xi32>
      %eq3A_303 = arith.cmpi eq, %gather3A_283, %eq3A_302 : vector<16xi32>
      %broadcast_in_dim3A_304 = arith.constant 0.000000e+00 : f32
      %broadcast_in_dim3A_305 = vector.broadcast %broadcast_in_dim3A_304 : f32 to vector<16xf32>
      %select_n3A_306 = arith.select %eq3A_303, %broadcast_in_dim3A_305, %gather3A_300 : vector<16xi1>, vector<16xf32>
      %sub3A_307 = arith.constant 1 : i32
      %sub3A_308 = vector.broadcast %sub3A_307 : i32 to vector<16xi32>
      %sub3A_309 = arith.subi %gather3A_287, %sub3A_308 : vector<16xi32>
      %max3A_310 = arith.constant 0 : i32
      %max3A_311 = vector.broadcast %max3A_310 : i32 to vector<16xi32>
      %max3A_312 = arith.maxsi %sub3A_309, %max3A_311 : vector<16xi32>
      %gather3A_313 = tpu.vector_load_idx %arg9[%max3A_312] : memref<31360xf32, #tpu.memory_space<vmem>>[vector<16xi32>], vector<16xf32>,
      %sub3A_314 = arith.subf %gather3A_313, %select_n3A_306 : vector<16xf32>
      %swap3A_315 = arith.constant 64 : index
      %swap3A_316 = tpu.vector_load %arg15[%swap3A_315] {strides = array<i32>} : memref<128xf32, #tpu.memory_space<vmem>>, vector<16xf32>,
      tpu.vector_store %arg15[%swap3A_315], %sub3A_314 {strides = array<i32>} : memref<128xf32, #tpu.memory_space<vmem>>, vector<16xf32>,
      %broadcast_in_dim3A_317 = arith.constant 0 : i32
      %broadcast_in_dim3A_318 = vector.broadcast %broadcast_in_dim3A_317 : i32 to vector<16xi32>
      %mul3A_319 = arith.constant 128 : i32
      %mul3A_320 = arith.muli %while3A_98, %mul3A_319 : i32
      %add3A_321 = vector.broadcast %mul3A_320 : i32 to vector<16xi32>
      %add3A_322 = arith.addi %broadcast_in_dim3A_318, %add3A_321 : vector<16xi32>
      %add3A_323 = arith.constant 80 : i32
      %add3A_324 = vector.broadcast %add3A_323 : i32 to vector<16xi32>
      %add3A_325 = arith.addi %add3A_322, %add3A_324 : vector<16xi32>
      %add3A_326 = arith.addi %add3A_325, %iota3A : vector<16xi32>
      %gather3A_327 = tpu.vector_load_idx %arg12[%add3A_326] : memref<31616xi32, #tpu.memory_space<vmem>>[vector<16xi32>], vector<16xi32>,
      %add3A_328 = arith.constant 1 : i32
      %add3A_329 = vector.broadcast %add3A_328 : i32 to vector<16xi32>
      %add3A_330 = arith.addi %add3A_326, %add3A_329 : vector<16xi32>
      %gather3A_331 = tpu.vector_load_idx %arg12[%add3A_330] : memref<31616xi32, #tpu.memory_space<vmem>>[vector<16xi32>], vector<16xi32>,
      %gather3A_332 = tpu.vector_load_idx %arg8[%gather3A_327] : memref<31376xi32, #tpu.memory_space<vmem>>[vector<16xi32>], vector<16xi32>,
      %swap3A_333 = arith.constant 80 : index
      %swap3A_334 = tpu.vector_load %arg13[%swap3A_333] {strides = array<i32>} : memref<128xi32, #tpu.memory_space<vmem>>, vector<16xi32>,
      tpu.vector_store %arg13[%swap3A_333], %gather3A_332 {strides = array<i32>} : memref<128xi32, #tpu.memory_space<vmem>>, vector<16xi32>,
      %sub3A_335 = arith.subi %gather3A_331, %gather3A_327 : vector<16xi32>
      %swap3A_336 = arith.constant 80 : index
      %swap3A_337 = tpu.vector_load %arg14[%swap3A_336] {strides = array<i32>} : memref<128xi32, #tpu.memory_space<vmem>>, vector<16xi32>,
      tpu.vector_store %arg14[%swap3A_336], %sub3A_335 {strides = array<i32>} : memref<128xi32, #tpu.memory_space<vmem>>, vector<16xi32>,
      %sub3A_338 = arith.constant 1 : i32
      %sub3A_339 = vector.broadcast %sub3A_338 : i32 to vector<16xi32>
      %sub3A_340 = arith.subi %gather3A_327, %sub3A_339 : vector<16xi32>
      %max3A_341 = arith.constant 0 : i32
      %max3A_342 = vector.broadcast %max3A_341 : i32 to vector<16xi32>
      %max3A_343 = arith.maxsi %sub3A_340, %max3A_342 : vector<16xi32>
      %gather3A_344 = tpu.vector_load_idx %arg9[%max3A_343] : memref<31360xf32, #tpu.memory_space<vmem>>[vector<16xi32>], vector<16xf32>,
      %eq3A_345 = arith.constant 0 : i32
      %eq3A_346 = vector.broadcast %eq3A_345 : i32 to vector<16xi32>
      %eq3A_347 = arith.cmpi eq, %gather3A_327, %eq3A_346 : vector<16xi32>
      %broadcast_in_dim3A_348 = arith.constant 0.000000e+00 : f32
      %broadcast_in_dim3A_349 = vector.broadcast %broadcast_in_dim3A_348 : f32 to vector<16xf32>
      %select_n3A_350 = arith.select %eq3A_347, %broadcast_in_dim3A_349, %gather3A_344 : vector<16xi1>, vector<16xf32>
      %sub3A_351 = arith.constant 1 : i32
      %sub3A_352 = vector.broadcast %sub3A_351 : i32 to vector<16xi32>
      %sub3A_353 = arith.subi %gather3A_331, %sub3A_352 : vector<16xi32>
      %max3A_354 = arith.constant 0 : i32
      %max3A_355 = vector.broadcast %max3A_354 : i32 to vector<16xi32>
      %max3A_356 = arith.maxsi %sub3A_353, %max3A_355 : vector<16xi32>
      %gather3A_357 = tpu.vector_load_idx %arg9[%max3A_356] : memref<31360xf32, #tpu.memory_space<vmem>>[vector<16xi32>], vector<16xf32>,
      %sub3A_358 = arith.subf %gather3A_357, %select_n3A_350 : vector<16xf32>
      %swap3A_359 = arith.constant 80 : index
      %swap3A_360 = tpu.vector_load %arg15[%swap3A_359] {strides = array<i32>} : memref<128xf32, #tpu.memory_space<vmem>>, vector<16xf32>,
      tpu.vector_store %arg15[%swap3A_359], %sub3A_358 {strides = array<i32>} : memref<128xf32, #tpu.memory_space<vmem>>, vector<16xf32>,
      %broadcast_in_dim3A_361 = arith.constant 0 : i32
      %broadcast_in_dim3A_362 = vector.broadcast %broadcast_in_dim3A_361 : i32 to vector<16xi32>
      %mul3A_363 = arith.constant 128 : i32
      %mul3A_364 = arith.muli %while3A_98, %mul3A_363 : i32
      %add3A_365 = vector.broadcast %mul3A_364 : i32 to vector<16xi32>
      %add3A_366 = arith.addi %broadcast_in_dim3A_362, %add3A_365 : vector<16xi32>
      %add3A_367 = arith.constant 96 : i32
      %add3A_368 = vector.broadcast %add3A_367 : i32 to vector<16xi32>
      %add3A_369 = arith.addi %add3A_366, %add3A_368 : vector<16xi32>
      %add3A_370 = arith.addi %add3A_369, %iota3A : vector<16xi32>
      %gather3A_371 = tpu.vector_load_idx %arg12[%add3A_370] : memref<31616xi32, #tpu.memory_space<vmem>>[vector<16xi32>], vector<16xi32>,
      %add3A_372 = arith.constant 1 : i32
      %add3A_373 = vector.broadcast %add3A_372 : i32 to vector<16xi32>
      %add3A_374 = arith.addi %add3A_370, %add3A_373 : vector<16xi32>
      %gather3A_375 = tpu.vector_load_idx %arg12[%add3A_374] : memref<31616xi32, #tpu.memory_space<vmem>>[vector<16xi32>], vector<16xi32>,
      %gather3A_376 = tpu.vector_load_idx %arg8[%gather3A_371] : memref<31376xi32, #tpu.memory_space<vmem>>[vector<16xi32>], vector<16xi32>,
      %swap3A_377 = arith.constant 96 : index
      %swap3A_378 = tpu.vector_load %arg13[%swap3A_377] {strides = array<i32>} : memref<128xi32, #tpu.memory_space<vmem>>, vector<16xi32>,
      tpu.vector_store %arg13[%swap3A_377], %gather3A_376 {strides = array<i32>} : memref<128xi32, #tpu.memory_space<vmem>>, vector<16xi32>,
      %sub3A_379 = arith.subi %gather3A_375, %gather3A_371 : vector<16xi32>
      %swap3A_380 = arith.constant 96 : index
      %swap3A_381 = tpu.vector_load %arg14[%swap3A_380] {strides = array<i32>} : memref<128xi32, #tpu.memory_space<vmem>>, vector<16xi32>,
      tpu.vector_store %arg14[%swap3A_380], %sub3A_379 {strides = array<i32>} : memref<128xi32, #tpu.memory_space<vmem>>, vector<16xi32>,
      %sub3A_382 = arith.constant 1 : i32
      %sub3A_383 = vector.broadcast %sub3A_382 : i32 to vector<16xi32>
      %sub3A_384 = arith.subi %gather3A_371, %sub3A_383 : vector<16xi32>
      %max3A_385 = arith.constant 0 : i32
      %max3A_386 = vector.broadcast %max3A_385 : i32 to vector<16xi32>
      %max3A_387 = arith.maxsi %sub3A_384, %max3A_386 : vector<16xi32>
      %gather3A_388 = tpu.vector_load_idx %arg9[%max3A_387] : memref<31360xf32, #tpu.memory_space<vmem>>[vector<16xi32>], vector<16xf32>,
      %eq3A_389 = arith.constant 0 : i32
      %eq3A_390 = vector.broadcast %eq3A_389 : i32 to vector<16xi32>
      %eq3A_391 = arith.cmpi eq, %gather3A_371, %eq3A_390 : vector<16xi32>
      %broadcast_in_dim3A_392 = arith.constant 0.000000e+00 : f32
      %broadcast_in_dim3A_393 = vector.broadcast %broadcast_in_dim3A_392 : f32 to vector<16xf32>
      %select_n3A_394 = arith.select %eq3A_391, %broadcast_in_dim3A_393, %gather3A_388 : vector<16xi1>, vector<16xf32>
      %sub3A_395 = arith.constant 1 : i32
      %sub3A_396 = vector.broadcast %sub3A_395 : i32 to vector<16xi32>
      %sub3A_397 = arith.subi %gather3A_375, %sub3A_396 : vector<16xi32>
      %max3A_398 = arith.constant 0 : i32
      %max3A_399 = vector.broadcast %max3A_398 : i32 to vector<16xi32>
      %max3A_400 = arith.maxsi %sub3A_397, %max3A_399 : vector<16xi32>
      %gather3A_401 = tpu.vector_load_idx %arg9[%max3A_400] : memref<31360xf32, #tpu.memory_space<vmem>>[vector<16xi32>], vector<16xf32>,
      %sub3A_402 = arith.subf %gather3A_401, %select_n3A_394 : vector<16xf32>
      %swap3A_403 = arith.constant 96 : index
      %swap3A_404 = tpu.vector_load %arg15[%swap3A_403] {strides = array<i32>} : memref<128xf32, #tpu.memory_space<vmem>>, vector<16xf32>,
      tpu.vector_store %arg15[%swap3A_403], %sub3A_402 {strides = array<i32>} : memref<128xf32, #tpu.memory_space<vmem>>, vector<16xf32>,
      %broadcast_in_dim3A_405 = arith.constant 0 : i32
      %broadcast_in_dim3A_406 = vector.broadcast %broadcast_in_dim3A_405 : i32 to vector<16xi32>
      %mul3A_407 = arith.constant 128 : i32
      %mul3A_408 = arith.muli %while3A_98, %mul3A_407 : i32
      %add3A_409 = vector.broadcast %mul3A_408 : i32 to vector<16xi32>
      %add3A_410 = arith.addi %broadcast_in_dim3A_406, %add3A_409 : vector<16xi32>
      %add3A_411 = arith.constant 112 : i32
      %add3A_412 = vector.broadcast %add3A_411 : i32 to vector<16xi32>
      %add3A_413 = arith.addi %add3A_410, %add3A_412 : vector<16xi32>
      %add3A_414 = arith.addi %add3A_413, %iota3A : vector<16xi32>
      %gather3A_415 = tpu.vector_load_idx %arg12[%add3A_414] : memref<31616xi32, #tpu.memory_space<vmem>>[vector<16xi32>], vector<16xi32>,
      %add3A_416 = arith.constant 1 : i32
      %add3A_417 = vector.broadcast %add3A_416 : i32 to vector<16xi32>
      %add3A_418 = arith.addi %add3A_414, %add3A_417 : vector<16xi32>
      %gather3A_419 = tpu.vector_load_idx %arg12[%add3A_418] : memref<31616xi32, #tpu.memory_space<vmem>>[vector<16xi32>], vector<16xi32>,
      %gather3A_420 = tpu.vector_load_idx %arg8[%gather3A_415] : memref<31376xi32, #tpu.memory_space<vmem>>[vector<16xi32>], vector<16xi32>,
      %swap3A_421 = arith.constant 112 : index
      %swap3A_422 = tpu.vector_load %arg13[%swap3A_421] {strides = array<i32>} : memref<128xi32, #tpu.memory_space<vmem>>, vector<16xi32>,
      tpu.vector_store %arg13[%swap3A_421], %gather3A_420 {strides = array<i32>} : memref<128xi32, #tpu.memory_space<vmem>>, vector<16xi32>,
      %sub3A_423 = arith.subi %gather3A_419, %gather3A_415 : vector<16xi32>
      %swap3A_424 = arith.constant 112 : index
      %swap3A_425 = tpu.vector_load %arg14[%swap3A_424] {strides = array<i32>} : memref<128xi32, #tpu.memory_space<vmem>>, vector<16xi32>,
      tpu.vector_store %arg14[%swap3A_424], %sub3A_423 {strides = array<i32>} : memref<128xi32, #tpu.memory_space<vmem>>, vector<16xi32>,
      %sub3A_426 = arith.constant 1 : i32
      %sub3A_427 = vector.broadcast %sub3A_426 : i32 to vector<16xi32>
      %sub3A_428 = arith.subi %gather3A_415, %sub3A_427 : vector<16xi32>
      %max3A_429 = arith.constant 0 : i32
      %max3A_430 = vector.broadcast %max3A_429 : i32 to vector<16xi32>
      %max3A_431 = arith.maxsi %sub3A_428, %max3A_430 : vector<16xi32>
      %gather3A_432 = tpu.vector_load_idx %arg9[%max3A_431] : memref<31360xf32, #tpu.memory_space<vmem>>[vector<16xi32>], vector<16xf32>,
      %eq3A_433 = arith.constant 0 : i32
      %eq3A_434 = vector.broadcast %eq3A_433 : i32 to vector<16xi32>
      %eq3A_435 = arith.cmpi eq, %gather3A_415, %eq3A_434 : vector<16xi32>
      %broadcast_in_dim3A_436 = arith.constant 0.000000e+00 : f32
      %broadcast_in_dim3A_437 = vector.broadcast %broadcast_in_dim3A_436 : f32 to vector<16xf32>
      %select_n3A_438 = arith.select %eq3A_435, %broadcast_in_dim3A_437, %gather3A_432 : vector<16xi1>, vector<16xf32>
      %sub3A_439 = arith.constant 1 : i32
      %sub3A_440 = vector.broadcast %sub3A_439 : i32 to vector<16xi32>
      %sub3A_441 = arith.subi %gather3A_419, %sub3A_440 : vector<16xi32>
      %max3A_442 = arith.constant 0 : i32
      %max3A_443 = vector.broadcast %max3A_442 : i32 to vector<16xi32>
      %max3A_444 = arith.maxsi %sub3A_441, %max3A_443 : vector<16xi32>
      %gather3A_445 = tpu.vector_load_idx %arg9[%max3A_444] : memref<31360xf32, #tpu.memory_space<vmem>>[vector<16xi32>], vector<16xf32>,
      %sub3A_446 = arith.subf %gather3A_445, %select_n3A_438 : vector<16xf32>
      %swap3A_447 = arith.constant 112 : index
      %swap3A_448 = tpu.vector_load %arg15[%swap3A_447] {strides = array<i32>} : memref<128xf32, #tpu.memory_space<vmem>>, vector<16xf32>,
      tpu.vector_store %arg15[%swap3A_447], %sub3A_446 {strides = array<i32>} : memref<128xf32, #tpu.memory_space<vmem>>, vector<16xf32>,
      "tpu.region"() ({
        %run_scoped3A = tpu.sem_alloc : memref<!tpu.dma_semaphore, #tpu.memory_space<semaphore_mem>>
        %dma_start3A = arith.constant 0 : i32
        %dma_start3A_449 = tpu.memref_slice %arg6[%dma_start3A] : memref<20224xf32, #tpu.memory_space<vmem_shared>> -> memref<20224xf32, #tpu.memory_space<vmem_shared>>
        tpu.enqueue_indirect_dma source(%arg15 : memref<128xf32, #tpu.memory_space<vmem>>) target(%dma_start3A_449 : memref<20224xf32, #tpu.memory_space<vmem_shared>>) offsets(%arg13 : memref<128xi32, #tpu.memory_space<vmem>>) semaphore(%run_scoped3A : memref<!tpu.dma_semaphore, #tpu.memory_space<semaphore_mem>>) {add = true}
        %dma_wait3A = arith.constant 0 : i32
        %dma_wait3A_450 = tpu.memref_slice %arg6[%dma_wait3A] : memref<20224xf32, #tpu.memory_space<vmem_shared>> -> memref<20224xf32, #tpu.memory_space<vmem_shared>>
        tpu.wait_indirect_dma semaphore(%run_scoped3A : memref<!tpu.dma_semaphore, #tpu.memory_space<semaphore_mem>>) src(%arg15 : memref<128xf32, #tpu.memory_space<vmem>>) dst(%dma_wait3A_450 : memref<20224xf32, #tpu.memory_space<vmem_shared>>)
        tpu.yield
      }) : () -> ()
      "tpu.region"() ({
        %run_scoped3A = tpu.sem_alloc : memref<!tpu.dma_semaphore, #tpu.memory_space<semaphore_mem>>
        %dma_start3A = arith.constant 0 : i32
        %dma_start3A_449 = tpu.memref_slice %arg7[%dma_start3A] : memref<20224xi32, #tpu.memory_space<vmem_shared>> -> memref<20224xi32, #tpu.memory_space<vmem_shared>>
        tpu.enqueue_indirect_dma source(%arg14 : memref<128xi32, #tpu.memory_space<vmem>>) target(%dma_start3A_449 : memref<20224xi32, #tpu.memory_space<vmem_shared>>) offsets(%arg13 : memref<128xi32, #tpu.memory_space<vmem>>) semaphore(%run_scoped3A : memref<!tpu.dma_semaphore, #tpu.memory_space<semaphore_mem>>) {add = true}
        %dma_wait3A = arith.constant 0 : i32
        %dma_wait3A_450 = tpu.memref_slice %arg7[%dma_wait3A] : memref<20224xi32, #tpu.memory_space<vmem_shared>> -> memref<20224xi32, #tpu.memory_space<vmem_shared>>
        tpu.wait_indirect_dma semaphore(%run_scoped3A : memref<!tpu.dma_semaphore, #tpu.memory_space<semaphore_mem>>) src(%arg14 : memref<128xi32, #tpu.memory_space<vmem>>) dst(%dma_wait3A_450 : memref<20224xi32, #tpu.memory_space<vmem_shared>>)
        tpu.yield
      }) : () -> ()
    }
    %while3A_82 = arith.constant 1 : i32
    scf.for %while3A_98 = %while3A_80 to %while3A_76 step %while3A_82  : i32 {
      %broadcast_in_dim3A_99 = arith.constant 0 : i32
      %broadcast_in_dim3A_100 = vector.broadcast %broadcast_in_dim3A_99 : i32 to vector<16xi32>
      %mul3A_101 = arith.constant 128 : i32
      %mul3A_102 = arith.muli %while3A_98, %mul3A_101 : i32
      %add3A_103 = vector.broadcast %mul3A_102 : i32 to vector<16xi32>
      %add3A_104 = arith.addi %broadcast_in_dim3A_100, %add3A_103 : vector<16xi32>
      %add3A_105 = arith.constant 0 : i32
      %add3A_106 = vector.broadcast %add3A_105 : i32 to vector<16xi32>
      %add3A_107 = arith.addi %add3A_104, %add3A_106 : vector<16xi32>
      %add3A_108 = arith.addi %add3A_107, %iota3A : vector<16xi32>
      %gather3A = tpu.vector_load_idx %arg12[%add3A_108] : memref<31616xi32, #tpu.memory_space<vmem>>[vector<16xi32>], vector<16xi32>,
      %add3A_109 = arith.constant 1 : i32
      %add3A_110 = vector.broadcast %add3A_109 : i32 to vector<16xi32>
      %add3A_111 = arith.addi %add3A_108, %add3A_110 : vector<16xi32>
      %gather3A_112 = tpu.vector_load_idx %arg12[%add3A_111] : memref<31616xi32, #tpu.memory_space<vmem>>[vector<16xi32>], vector<16xi32>,
      %gather3A_113 = tpu.vector_load_idx %arg8[%gather3A] : memref<31376xi32, #tpu.memory_space<vmem>>[vector<16xi32>], vector<16xi32>,
      %swap3A_114 = arith.constant 0 : index
      %swap3A_115 = tpu.vector_load %arg13[%swap3A_114] {strides = array<i32>} : memref<128xi32, #tpu.memory_space<vmem>>, vector<16xi32>,
      tpu.vector_store %arg13[%swap3A_114], %gather3A_113 {strides = array<i32>} : memref<128xi32, #tpu.memory_space<vmem>>, vector<16xi32>,
      %sub3A_116 = arith.subi %gather3A_112, %gather3A : vector<16xi32>
      %swap3A_117 = arith.constant 0 : index
      %swap3A_118 = tpu.vector_load %arg14[%swap3A_117] {strides = array<i32>} : memref<128xi32, #tpu.memory_space<vmem>>, vector<16xi32>,
      tpu.vector_store %arg14[%swap3A_117], %sub3A_116 {strides = array<i32>} : memref<128xi32, #tpu.memory_space<vmem>>, vector<16xi32>,
      %sub3A_119 = arith.constant 1 : i32
      %sub3A_120 = vector.broadcast %sub3A_119 : i32 to vector<16xi32>
      %sub3A_121 = arith.subi %gather3A, %sub3A_120 : vector<16xi32>
      %max3A = arith.constant 0 : i32
      %max3A_122 = vector.broadcast %max3A : i32 to vector<16xi32>
      %max3A_123 = arith.maxsi %sub3A_121, %max3A_122 : vector<16xi32>
      %gather3A_124 = tpu.vector_load_idx %arg9[%max3A_123] : memref<31360xf32, #tpu.memory_space<vmem>>[vector<16xi32>], vector<16xf32>,
      %eq3A_125 = arith.constant 0 : i32
      %eq3A_126 = vector.broadcast %eq3A_125 : i32 to vector<16xi32>
      %eq3A_127 = arith.cmpi eq, %gather3A, %eq3A_126 : vector<16xi32>
      %broadcast_in_dim3A_128 = arith.constant 0.000000e+00 : f32
      %broadcast_in_dim3A_129 = vector.broadcast %broadcast_in_dim3A_128 : f32 to vector<16xf32>
      %select_n3A_130 = arith.select %eq3A_127, %broadcast_in_dim3A_129, %gather3A_124 : vector<16xi1>, vector<16xf32>
      %sub3A_131 = arith.constant 1 : i32
      %sub3A_132 = vector.broadcast %sub3A_131 : i32 to vector<16xi32>
      %sub3A_133 = arith.subi %gather3A_112, %sub3A_132 : vector<16xi32>
      %max3A_134 = arith.constant 0 : i32
      %max3A_135 = vector.broadcast %max3A_134 : i32 to vector<16xi32>
      %max3A_136 = arith.maxsi %sub3A_133, %max3A_135 : vector<16xi32>
      %gather3A_137 = tpu.vector_load_idx %arg9[%max3A_136] : memref<31360xf32, #tpu.memory_space<vmem>>[vector<16xi32>], vector<16xf32>,
      %sub3A_138 = arith.subf %gather3A_137, %select_n3A_130 : vector<16xf32>
      %swap3A_139 = arith.constant 0 : index
      %swap3A_140 = tpu.vector_load %arg15[%swap3A_139] {strides = array<i32>} : memref<128xf32, #tpu.memory_space<vmem>>, vector<16xf32>,
      tpu.vector_store %arg15[%swap3A_139], %sub3A_138 {strides = array<i32>} : memref<128xf32, #tpu.memory_space<vmem>>, vector<16xf32>,
      %broadcast_in_dim3A_141 = arith.constant 0 : i32
      %broadcast_in_dim3A_142 = vector.broadcast %broadcast_in_dim3A_141 : i32 to vector<16xi32>
      %mul3A_143 = arith.constant 128 : i32
      %mul3A_144 = arith.muli %while3A_98, %mul3A_143 : i32
      %add3A_145 = vector.broadcast %mul3A_144 : i32 to vector<16xi32>
      %add3A_146 = arith.addi %broadcast_in_dim3A_142, %add3A_145 : vector<16xi32>
      %add3A_147 = arith.constant 16 : i32
      %add3A_148 = vector.broadcast %add3A_147 : i32 to vector<16xi32>
      %add3A_149 = arith.addi %add3A_146, %add3A_148 : vector<16xi32>
      %add3A_150 = arith.addi %add3A_149, %iota3A : vector<16xi32>
      %gather3A_151 = tpu.vector_load_idx %arg12[%add3A_150] : memref<31616xi32, #tpu.memory_space<vmem>>[vector<16xi32>], vector<16xi32>,
      %add3A_152 = arith.constant 1 : i32
      %add3A_153 = vector.broadcast %add3A_152 : i32 to vector<16xi32>
      %add3A_154 = arith.addi %add3A_150, %add3A_153 : vector<16xi32>
      %gather3A_155 = tpu.vector_load_idx %arg12[%add3A_154] : memref<31616xi32, #tpu.memory_space<vmem>>[vector<16xi32>], vector<16xi32>,
      %gather3A_156 = tpu.vector_load_idx %arg8[%gather3A_151] : memref<31376xi32, #tpu.memory_space<vmem>>[vector<16xi32>], vector<16xi32>,
      %swap3A_157 = arith.constant 16 : index
      %swap3A_158 = tpu.vector_load %arg13[%swap3A_157] {strides = array<i32>} : memref<128xi32, #tpu.memory_space<vmem>>, vector<16xi32>,
      tpu.vector_store %arg13[%swap3A_157], %gather3A_156 {strides = array<i32>} : memref<128xi32, #tpu.memory_space<vmem>>, vector<16xi32>,
      %sub3A_159 = arith.subi %gather3A_155, %gather3A_151 : vector<16xi32>
      %swap3A_160 = arith.constant 16 : index
      %swap3A_161 = tpu.vector_load %arg14[%swap3A_160] {strides = array<i32>} : memref<128xi32, #tpu.memory_space<vmem>>, vector<16xi32>,
      tpu.vector_store %arg14[%swap3A_160], %sub3A_159 {strides = array<i32>} : memref<128xi32, #tpu.memory_space<vmem>>, vector<16xi32>,
      %sub3A_162 = arith.constant 1 : i32
      %sub3A_163 = vector.broadcast %sub3A_162 : i32 to vector<16xi32>
      %sub3A_164 = arith.subi %gather3A_151, %sub3A_163 : vector<16xi32>
      %max3A_165 = arith.constant 0 : i32
      %max3A_166 = vector.broadcast %max3A_165 : i32 to vector<16xi32>
      %max3A_167 = arith.maxsi %sub3A_164, %max3A_166 : vector<16xi32>
      %gather3A_168 = tpu.vector_load_idx %arg9[%max3A_167] : memref<31360xf32, #tpu.memory_space<vmem>>[vector<16xi32>], vector<16xf32>,
      %eq3A_169 = arith.constant 0 : i32
      %eq3A_170 = vector.broadcast %eq3A_169 : i32 to vector<16xi32>
      %eq3A_171 = arith.cmpi eq, %gather3A_151, %eq3A_170 : vector<16xi32>
      %broadcast_in_dim3A_172 = arith.constant 0.000000e+00 : f32
      %broadcast_in_dim3A_173 = vector.broadcast %broadcast_in_dim3A_172 : f32 to vector<16xf32>
      %select_n3A_174 = arith.select %eq3A_171, %broadcast_in_dim3A_173, %gather3A_168 : vector<16xi1>, vector<16xf32>
      %sub3A_175 = arith.constant 1 : i32
      %sub3A_176 = vector.broadcast %sub3A_175 : i32 to vector<16xi32>
      %sub3A_177 = arith.subi %gather3A_155, %sub3A_176 : vector<16xi32>
      %max3A_178 = arith.constant 0 : i32
      %max3A_179 = vector.broadcast %max3A_178 : i32 to vector<16xi32>
      %max3A_180 = arith.maxsi %sub3A_177, %max3A_179 : vector<16xi32>
      %gather3A_181 = tpu.vector_load_idx %arg9[%max3A_180] : memref<31360xf32, #tpu.memory_space<vmem>>[vector<16xi32>], vector<16xf32>,
      %sub3A_182 = arith.subf %gather3A_181, %select_n3A_174 : vector<16xf32>
      %swap3A_183 = arith.constant 16 : index
      %swap3A_184 = tpu.vector_load %arg15[%swap3A_183] {strides = array<i32>} : memref<128xf32, #tpu.memory_space<vmem>>, vector<16xf32>,
      tpu.vector_store %arg15[%swap3A_183], %sub3A_182 {strides = array<i32>} : memref<128xf32, #tpu.memory_space<vmem>>, vector<16xf32>,
      %broadcast_in_dim3A_185 = arith.constant 0 : i32
      %broadcast_in_dim3A_186 = vector.broadcast %broadcast_in_dim3A_185 : i32 to vector<16xi32>
      %mul3A_187 = arith.constant 128 : i32
      %mul3A_188 = arith.muli %while3A_98, %mul3A_187 : i32
      %add3A_189 = vector.broadcast %mul3A_188 : i32 to vector<16xi32>
      %add3A_190 = arith.addi %broadcast_in_dim3A_186, %add3A_189 : vector<16xi32>
      %add3A_191 = arith.constant 32 : i32
      %add3A_192 = vector.broadcast %add3A_191 : i32 to vector<16xi32>
      %add3A_193 = arith.addi %add3A_190, %add3A_192 : vector<16xi32>
      %add3A_194 = arith.addi %add3A_193, %iota3A : vector<16xi32>
      %gather3A_195 = tpu.vector_load_idx %arg12[%add3A_194] : memref<31616xi32, #tpu.memory_space<vmem>>[vector<16xi32>], vector<16xi32>,
      %add3A_196 = arith.constant 1 : i32
      %add3A_197 = vector.broadcast %add3A_196 : i32 to vector<16xi32>
      %add3A_198 = arith.addi %add3A_194, %add3A_197 : vector<16xi32>
      %gather3A_199 = tpu.vector_load_idx %arg12[%add3A_198] : memref<31616xi32, #tpu.memory_space<vmem>>[vector<16xi32>], vector<16xi32>,
      %gather3A_200 = tpu.vector_load_idx %arg8[%gather3A_195] : memref<31376xi32, #tpu.memory_space<vmem>>[vector<16xi32>], vector<16xi32>,
      %swap3A_201 = arith.constant 32 : index
      %swap3A_202 = tpu.vector_load %arg13[%swap3A_201] {strides = array<i32>} : memref<128xi32, #tpu.memory_space<vmem>>, vector<16xi32>,
      tpu.vector_store %arg13[%swap3A_201], %gather3A_200 {strides = array<i32>} : memref<128xi32, #tpu.memory_space<vmem>>, vector<16xi32>,
      %sub3A_203 = arith.subi %gather3A_199, %gather3A_195 : vector<16xi32>
      %swap3A_204 = arith.constant 32 : index
      %swap3A_205 = tpu.vector_load %arg14[%swap3A_204] {strides = array<i32>} : memref<128xi32, #tpu.memory_space<vmem>>, vector<16xi32>,
      tpu.vector_store %arg14[%swap3A_204], %sub3A_203 {strides = array<i32>} : memref<128xi32, #tpu.memory_space<vmem>>, vector<16xi32>,
      %sub3A_206 = arith.constant 1 : i32
      %sub3A_207 = vector.broadcast %sub3A_206 : i32 to vector<16xi32>
      %sub3A_208 = arith.subi %gather3A_195, %sub3A_207 : vector<16xi32>
      %max3A_209 = arith.constant 0 : i32
      %max3A_210 = vector.broadcast %max3A_209 : i32 to vector<16xi32>
      %max3A_211 = arith.maxsi %sub3A_208, %max3A_210 : vector<16xi32>
      %gather3A_212 = tpu.vector_load_idx %arg9[%max3A_211] : memref<31360xf32, #tpu.memory_space<vmem>>[vector<16xi32>], vector<16xf32>,
      %eq3A_213 = arith.constant 0 : i32
      %eq3A_214 = vector.broadcast %eq3A_213 : i32 to vector<16xi32>
      %eq3A_215 = arith.cmpi eq, %gather3A_195, %eq3A_214 : vector<16xi32>
      %broadcast_in_dim3A_216 = arith.constant 0.000000e+00 : f32
      %broadcast_in_dim3A_217 = vector.broadcast %broadcast_in_dim3A_216 : f32 to vector<16xf32>
      %select_n3A_218 = arith.select %eq3A_215, %broadcast_in_dim3A_217, %gather3A_212 : vector<16xi1>, vector<16xf32>
      %sub3A_219 = arith.constant 1 : i32
      %sub3A_220 = vector.broadcast %sub3A_219 : i32 to vector<16xi32>
      %sub3A_221 = arith.subi %gather3A_199, %sub3A_220 : vector<16xi32>
      %max3A_222 = arith.constant 0 : i32
      %max3A_223 = vector.broadcast %max3A_222 : i32 to vector<16xi32>
      %max3A_224 = arith.maxsi %sub3A_221, %max3A_223 : vector<16xi32>
      %gather3A_225 = tpu.vector_load_idx %arg9[%max3A_224] : memref<31360xf32, #tpu.memory_space<vmem>>[vector<16xi32>], vector<16xf32>,
      %sub3A_226 = arith.subf %gather3A_225, %select_n3A_218 : vector<16xf32>
      %swap3A_227 = arith.constant 32 : index
      %swap3A_228 = tpu.vector_load %arg15[%swap3A_227] {strides = array<i32>} : memref<128xf32, #tpu.memory_space<vmem>>, vector<16xf32>,
      tpu.vector_store %arg15[%swap3A_227], %sub3A_226 {strides = array<i32>} : memref<128xf32, #tpu.memory_space<vmem>>, vector<16xf32>,
      %broadcast_in_dim3A_229 = arith.constant 0 : i32
      %broadcast_in_dim3A_230 = vector.broadcast %broadcast_in_dim3A_229 : i32 to vector<16xi32>
      %mul3A_231 = arith.constant 128 : i32
      %mul3A_232 = arith.muli %while3A_98, %mul3A_231 : i32
      %add3A_233 = vector.broadcast %mul3A_232 : i32 to vector<16xi32>
      %add3A_234 = arith.addi %broadcast_in_dim3A_230, %add3A_233 : vector<16xi32>
      %add3A_235 = arith.constant 48 : i32
      %add3A_236 = vector.broadcast %add3A_235 : i32 to vector<16xi32>
      %add3A_237 = arith.addi %add3A_234, %add3A_236 : vector<16xi32>
      %add3A_238 = arith.addi %add3A_237, %iota3A : vector<16xi32>
      %gather3A_239 = tpu.vector_load_idx %arg12[%add3A_238] : memref<31616xi32, #tpu.memory_space<vmem>>[vector<16xi32>], vector<16xi32>,
      %add3A_240 = arith.constant 1 : i32
      %add3A_241 = vector.broadcast %add3A_240 : i32 to vector<16xi32>
      %add3A_242 = arith.addi %add3A_238, %add3A_241 : vector<16xi32>
      %gather3A_243 = tpu.vector_load_idx %arg12[%add3A_242] : memref<31616xi32, #tpu.memory_space<vmem>>[vector<16xi32>], vector<16xi32>,
      %gather3A_244 = tpu.vector_load_idx %arg8[%gather3A_239] : memref<31376xi32, #tpu.memory_space<vmem>>[vector<16xi32>], vector<16xi32>,
      %swap3A_245 = arith.constant 48 : index
      %swap3A_246 = tpu.vector_load %arg13[%swap3A_245] {strides = array<i32>} : memref<128xi32, #tpu.memory_space<vmem>>, vector<16xi32>,
      tpu.vector_store %arg13[%swap3A_245], %gather3A_244 {strides = array<i32>} : memref<128xi32, #tpu.memory_space<vmem>>, vector<16xi32>,
      %sub3A_247 = arith.subi %gather3A_243, %gather3A_239 : vector<16xi32>
      %swap3A_248 = arith.constant 48 : index
      %swap3A_249 = tpu.vector_load %arg14[%swap3A_248] {strides = array<i32>} : memref<128xi32, #tpu.memory_space<vmem>>, vector<16xi32>,
      tpu.vector_store %arg14[%swap3A_248], %sub3A_247 {strides = array<i32>} : memref<128xi32, #tpu.memory_space<vmem>>, vector<16xi32>,
      %sub3A_250 = arith.constant 1 : i32
      %sub3A_251 = vector.broadcast %sub3A_250 : i32 to vector<16xi32>
      %sub3A_252 = arith.subi %gather3A_239, %sub3A_251 : vector<16xi32>
      %max3A_253 = arith.constant 0 : i32
      %max3A_254 = vector.broadcast %max3A_253 : i32 to vector<16xi32>
      %max3A_255 = arith.maxsi %sub3A_252, %max3A_254 : vector<16xi32>
      %gather3A_256 = tpu.vector_load_idx %arg9[%max3A_255] : memref<31360xf32, #tpu.memory_space<vmem>>[vector<16xi32>], vector<16xf32>,
      %eq3A_257 = arith.constant 0 : i32
      %eq3A_258 = vector.broadcast %eq3A_257 : i32 to vector<16xi32>
      %eq3A_259 = arith.cmpi eq, %gather3A_239, %eq3A_258 : vector<16xi32>
      %broadcast_in_dim3A_260 = arith.constant 0.000000e+00 : f32
      %broadcast_in_dim3A_261 = vector.broadcast %broadcast_in_dim3A_260 : f32 to vector<16xf32>
      %select_n3A_262 = arith.select %eq3A_259, %broadcast_in_dim3A_261, %gather3A_256 : vector<16xi1>, vector<16xf32>
      %sub3A_263 = arith.constant 1 : i32
      %sub3A_264 = vector.broadcast %sub3A_263 : i32 to vector<16xi32>
      %sub3A_265 = arith.subi %gather3A_243, %sub3A_264 : vector<16xi32>
      %max3A_266 = arith.constant 0 : i32
      %max3A_267 = vector.broadcast %max3A_266 : i32 to vector<16xi32>
      %max3A_268 = arith.maxsi %sub3A_265, %max3A_267 : vector<16xi32>
      %gather3A_269 = tpu.vector_load_idx %arg9[%max3A_268] : memref<31360xf32, #tpu.memory_space<vmem>>[vector<16xi32>], vector<16xf32>,
      %sub3A_270 = arith.subf %gather3A_269, %select_n3A_262 : vector<16xf32>
      %swap3A_271 = arith.constant 48 : index
      %swap3A_272 = tpu.vector_load %arg15[%swap3A_271] {strides = array<i32>} : memref<128xf32, #tpu.memory_space<vmem>>, vector<16xf32>,
      tpu.vector_store %arg15[%swap3A_271], %sub3A_270 {strides = array<i32>} : memref<128xf32, #tpu.memory_space<vmem>>, vector<16xf32>,
      %broadcast_in_dim3A_273 = arith.constant 0 : i32
      %broadcast_in_dim3A_274 = vector.broadcast %broadcast_in_dim3A_273 : i32 to vector<16xi32>
      %mul3A_275 = arith.constant 128 : i32
      %mul3A_276 = arith.muli %while3A_98, %mul3A_275 : i32
      %add3A_277 = vector.broadcast %mul3A_276 : i32 to vector<16xi32>
      %add3A_278 = arith.addi %broadcast_in_dim3A_274, %add3A_277 : vector<16xi32>
      %add3A_279 = arith.constant 64 : i32
      %add3A_280 = vector.broadcast %add3A_279 : i32 to vector<16xi32>
      %add3A_281 = arith.addi %add3A_278, %add3A_280 : vector<16xi32>
      %add3A_282 = arith.addi %add3A_281, %iota3A : vector<16xi32>
      %gather3A_283 = tpu.vector_load_idx %arg12[%add3A_282] : memref<31616xi32, #tpu.memory_space<vmem>>[vector<16xi32>], vector<16xi32>,
      %add3A_284 = arith.constant 1 : i32
      %add3A_285 = vector.broadcast %add3A_284 : i32 to vector<16xi32>
      %add3A_286 = arith.addi %add3A_282, %add3A_285 : vector<16xi32>
      %gather3A_287 = tpu.vector_load_idx %arg12[%add3A_286] : memref<31616xi32, #tpu.memory_space<vmem>>[vector<16xi32>], vector<16xi32>,
      %gather3A_288 = tpu.vector_load_idx %arg8[%gather3A_283] : memref<31376xi32, #tpu.memory_space<vmem>>[vector<16xi32>], vector<16xi32>,
      %swap3A_289 = arith.constant 64 : index
      %swap3A_290 = tpu.vector_load %arg13[%swap3A_289] {strides = array<i32>} : memref<128xi32, #tpu.memory_space<vmem>>, vector<16xi32>,
      tpu.vector_store %arg13[%swap3A_289], %gather3A_288 {strides = array<i32>} : memref<128xi32, #tpu.memory_space<vmem>>, vector<16xi32>,
      %sub3A_291 = arith.subi %gather3A_287, %gather3A_283 : vector<16xi32>
      %swap3A_292 = arith.constant 64 : index
      %swap3A_293 = tpu.vector_load %arg14[%swap3A_292] {strides = array<i32>} : memref<128xi32, #tpu.memory_space<vmem>>, vector<16xi32>,
      tpu.vector_store %arg14[%swap3A_292], %sub3A_291 {strides = array<i32>} : memref<128xi32, #tpu.memory_space<vmem>>, vector<16xi32>,
      %sub3A_294 = arith.constant 1 : i32
      %sub3A_295 = vector.broadcast %sub3A_294 : i32 to vector<16xi32>
      %sub3A_296 = arith.subi %gather3A_283, %sub3A_295 : vector<16xi32>
      %max3A_297 = arith.constant 0 : i32
      %max3A_298 = vector.broadcast %max3A_297 : i32 to vector<16xi32>
      %max3A_299 = arith.maxsi %sub3A_296, %max3A_298 : vector<16xi32>
      %gather3A_300 = tpu.vector_load_idx %arg9[%max3A_299] : memref<31360xf32, #tpu.memory_space<vmem>>[vector<16xi32>], vector<16xf32>,
      %eq3A_301 = arith.constant 0 : i32
      %eq3A_302 = vector.broadcast %eq3A_301 : i32 to vector<16xi32>
      %eq3A_303 = arith.cmpi eq, %gather3A_283, %eq3A_302 : vector<16xi32>
      %broadcast_in_dim3A_304 = arith.constant 0.000000e+00 : f32
      %broadcast_in_dim3A_305 = vector.broadcast %broadcast_in_dim3A_304 : f32 to vector<16xf32>
      %select_n3A_306 = arith.select %eq3A_303, %broadcast_in_dim3A_305, %gather3A_300 : vector<16xi1>, vector<16xf32>
      %sub3A_307 = arith.constant 1 : i32
      %sub3A_308 = vector.broadcast %sub3A_307 : i32 to vector<16xi32>
      %sub3A_309 = arith.subi %gather3A_287, %sub3A_308 : vector<16xi32>
      %max3A_310 = arith.constant 0 : i32
      %max3A_311 = vector.broadcast %max3A_310 : i32 to vector<16xi32>
      %max3A_312 = arith.maxsi %sub3A_309, %max3A_311 : vector<16xi32>
      %gather3A_313 = tpu.vector_load_idx %arg9[%max3A_312] : memref<31360xf32, #tpu.memory_space<vmem>>[vector<16xi32>], vector<16xf32>,
      %sub3A_314 = arith.subf %gather3A_313, %select_n3A_306 : vector<16xf32>
      %swap3A_315 = arith.constant 64 : index
      %swap3A_316 = tpu.vector_load %arg15[%swap3A_315] {strides = array<i32>} : memref<128xf32, #tpu.memory_space<vmem>>, vector<16xf32>,
      tpu.vector_store %arg15[%swap3A_315], %sub3A_314 {strides = array<i32>} : memref<128xf32, #tpu.memory_space<vmem>>, vector<16xf32>,
      %broadcast_in_dim3A_317 = arith.constant 0 : i32
      %broadcast_in_dim3A_318 = vector.broadcast %broadcast_in_dim3A_317 : i32 to vector<16xi32>
      %mul3A_319 = arith.constant 128 : i32
      %mul3A_320 = arith.muli %while3A_98, %mul3A_319 : i32
      %add3A_321 = vector.broadcast %mul3A_320 : i32 to vector<16xi32>
      %add3A_322 = arith.addi %broadcast_in_dim3A_318, %add3A_321 : vector<16xi32>
      %add3A_323 = arith.constant 80 : i32
      %add3A_324 = vector.broadcast %add3A_323 : i32 to vector<16xi32>
      %add3A_325 = arith.addi %add3A_322, %add3A_324 : vector<16xi32>
      %add3A_326 = arith.addi %add3A_325, %iota3A : vector<16xi32>
      %gather3A_327 = tpu.vector_load_idx %arg12[%add3A_326] : memref<31616xi32, #tpu.memory_space<vmem>>[vector<16xi32>], vector<16xi32>,
      %add3A_328 = arith.constant 1 : i32
      %add3A_329 = vector.broadcast %add3A_328 : i32 to vector<16xi32>
      %add3A_330 = arith.addi %add3A_326, %add3A_329 : vector<16xi32>
      %gather3A_331 = tpu.vector_load_idx %arg12[%add3A_330] : memref<31616xi32, #tpu.memory_space<vmem>>[vector<16xi32>], vector<16xi32>,
      %gather3A_332 = tpu.vector_load_idx %arg8[%gather3A_327] : memref<31376xi32, #tpu.memory_space<vmem>>[vector<16xi32>], vector<16xi32>,
      %swap3A_333 = arith.constant 80 : index
      %swap3A_334 = tpu.vector_load %arg13[%swap3A_333] {strides = array<i32>} : memref<128xi32, #tpu.memory_space<vmem>>, vector<16xi32>,
      tpu.vector_store %arg13[%swap3A_333], %gather3A_332 {strides = array<i32>} : memref<128xi32, #tpu.memory_space<vmem>>, vector<16xi32>,
      %sub3A_335 = arith.subi %gather3A_331, %gather3A_327 : vector<16xi32>
      %swap3A_336 = arith.constant 80 : index
      %swap3A_337 = tpu.vector_load %arg14[%swap3A_336] {strides = array<i32>} : memref<128xi32, #tpu.memory_space<vmem>>, vector<16xi32>,
      tpu.vector_store %arg14[%swap3A_336], %sub3A_335 {strides = array<i32>} : memref<128xi32, #tpu.memory_space<vmem>>, vector<16xi32>,
      %sub3A_338 = arith.constant 1 : i32
      %sub3A_339 = vector.broadcast %sub3A_338 : i32 to vector<16xi32>
      %sub3A_340 = arith.subi %gather3A_327, %sub3A_339 : vector<16xi32>
      %max3A_341 = arith.constant 0 : i32
      %max3A_342 = vector.broadcast %max3A_341 : i32 to vector<16xi32>
      %max3A_343 = arith.maxsi %sub3A_340, %max3A_342 : vector<16xi32>
      %gather3A_344 = tpu.vector_load_idx %arg9[%max3A_343] : memref<31360xf32, #tpu.memory_space<vmem>>[vector<16xi32>], vector<16xf32>,
      %eq3A_345 = arith.constant 0 : i32
      %eq3A_346 = vector.broadcast %eq3A_345 : i32 to vector<16xi32>
      %eq3A_347 = arith.cmpi eq, %gather3A_327, %eq3A_346 : vector<16xi32>
      %broadcast_in_dim3A_348 = arith.constant 0.000000e+00 : f32
      %broadcast_in_dim3A_349 = vector.broadcast %broadcast_in_dim3A_348 : f32 to vector<16xf32>
      %select_n3A_350 = arith.select %eq3A_347, %broadcast_in_dim3A_349, %gather3A_344 : vector<16xi1>, vector<16xf32>
      %sub3A_351 = arith.constant 1 : i32
      %sub3A_352 = vector.broadcast %sub3A_351 : i32 to vector<16xi32>
      %sub3A_353 = arith.subi %gather3A_331, %sub3A_352 : vector<16xi32>
      %max3A_354 = arith.constant 0 : i32
      %max3A_355 = vector.broadcast %max3A_354 : i32 to vector<16xi32>
      %max3A_356 = arith.maxsi %sub3A_353, %max3A_355 : vector<16xi32>
      %gather3A_357 = tpu.vector_load_idx %arg9[%max3A_356] : memref<31360xf32, #tpu.memory_space<vmem>>[vector<16xi32>], vector<16xf32>,
      %sub3A_358 = arith.subf %gather3A_357, %select_n3A_350 : vector<16xf32>
      %swap3A_359 = arith.constant 80 : index
      %swap3A_360 = tpu.vector_load %arg15[%swap3A_359] {strides = array<i32>} : memref<128xf32, #tpu.memory_space<vmem>>, vector<16xf32>,
      tpu.vector_store %arg15[%swap3A_359], %sub3A_358 {strides = array<i32>} : memref<128xf32, #tpu.memory_space<vmem>>, vector<16xf32>,
      %broadcast_in_dim3A_361 = arith.constant 0 : i32
      %broadcast_in_dim3A_362 = vector.broadcast %broadcast_in_dim3A_361 : i32 to vector<16xi32>
      %mul3A_363 = arith.constant 128 : i32
      %mul3A_364 = arith.muli %while3A_98, %mul3A_363 : i32
      %add3A_365 = vector.broadcast %mul3A_364 : i32 to vector<16xi32>
      %add3A_366 = arith.addi %broadcast_in_dim3A_362, %add3A_365 : vector<16xi32>
      %add3A_367 = arith.constant 96 : i32
      %add3A_368 = vector.broadcast %add3A_367 : i32 to vector<16xi32>
      %add3A_369 = arith.addi %add3A_366, %add3A_368 : vector<16xi32>
      %add3A_370 = arith.addi %add3A_369, %iota3A : vector<16xi32>
      %gather3A_371 = tpu.vector_load_idx %arg12[%add3A_370] : memref<31616xi32, #tpu.memory_space<vmem>>[vector<16xi32>], vector<16xi32>,
      %add3A_372 = arith.constant 1 : i32
      %add3A_373 = vector.broadcast %add3A_372 : i32 to vector<16xi32>
      %add3A_374 = arith.addi %add3A_370, %add3A_373 : vector<16xi32>
      %gather3A_375 = tpu.vector_load_idx %arg12[%add3A_374] : memref<31616xi32, #tpu.memory_space<vmem>>[vector<16xi32>], vector<16xi32>,
      %gather3A_376 = tpu.vector_load_idx %arg8[%gather3A_371] : memref<31376xi32, #tpu.memory_space<vmem>>[vector<16xi32>], vector<16xi32>,
      %swap3A_377 = arith.constant 96 : index
      %swap3A_378 = tpu.vector_load %arg13[%swap3A_377] {strides = array<i32>} : memref<128xi32, #tpu.memory_space<vmem>>, vector<16xi32>,
      tpu.vector_store %arg13[%swap3A_377], %gather3A_376 {strides = array<i32>} : memref<128xi32, #tpu.memory_space<vmem>>, vector<16xi32>,
      %sub3A_379 = arith.subi %gather3A_375, %gather3A_371 : vector<16xi32>
      %swap3A_380 = arith.constant 96 : index
      %swap3A_381 = tpu.vector_load %arg14[%swap3A_380] {strides = array<i32>} : memref<128xi32, #tpu.memory_space<vmem>>, vector<16xi32>,
      tpu.vector_store %arg14[%swap3A_380], %sub3A_379 {strides = array<i32>} : memref<128xi32, #tpu.memory_space<vmem>>, vector<16xi32>,
      %sub3A_382 = arith.constant 1 : i32
      %sub3A_383 = vector.broadcast %sub3A_382 : i32 to vector<16xi32>
      %sub3A_384 = arith.subi %gather3A_371, %sub3A_383 : vector<16xi32>
      %max3A_385 = arith.constant 0 : i32
      %max3A_386 = vector.broadcast %max3A_385 : i32 to vector<16xi32>
      %max3A_387 = arith.maxsi %sub3A_384, %max3A_386 : vector<16xi32>
      %gather3A_388 = tpu.vector_load_idx %arg9[%max3A_387] : memref<31360xf32, #tpu.memory_space<vmem>>[vector<16xi32>], vector<16xf32>,
      %eq3A_389 = arith.constant 0 : i32
      %eq3A_390 = vector.broadcast %eq3A_389 : i32 to vector<16xi32>
      %eq3A_391 = arith.cmpi eq, %gather3A_371, %eq3A_390 : vector<16xi32>
      %broadcast_in_dim3A_392 = arith.constant 0.000000e+00 : f32
      %broadcast_in_dim3A_393 = vector.broadcast %broadcast_in_dim3A_392 : f32 to vector<16xf32>
      %select_n3A_394 = arith.select %eq3A_391, %broadcast_in_dim3A_393, %gather3A_388 : vector<16xi1>, vector<16xf32>
      %sub3A_395 = arith.constant 1 : i32
      %sub3A_396 = vector.broadcast %sub3A_395 : i32 to vector<16xi32>
      %sub3A_397 = arith.subi %gather3A_375, %sub3A_396 : vector<16xi32>
      %max3A_398 = arith.constant 0 : i32
      %max3A_399 = vector.broadcast %max3A_398 : i32 to vector<16xi32>
      %max3A_400 = arith.maxsi %sub3A_397, %max3A_399 : vector<16xi32>
      %gather3A_401 = tpu.vector_load_idx %arg9[%max3A_400] : memref<31360xf32, #tpu.memory_space<vmem>>[vector<16xi32>], vector<16xf32>,
      %sub3A_402 = arith.subf %gather3A_401, %select_n3A_394 : vector<16xf32>
      %swap3A_403 = arith.constant 96 : index
      %swap3A_404 = tpu.vector_load %arg15[%swap3A_403] {strides = array<i32>} : memref<128xf32, #tpu.memory_space<vmem>>, vector<16xf32>,
      tpu.vector_store %arg15[%swap3A_403], %sub3A_402 {strides = array<i32>} : memref<128xf32, #tpu.memory_space<vmem>>, vector<16xf32>,
      %broadcast_in_dim3A_405 = arith.constant 0 : i32
      %broadcast_in_dim3A_406 = vector.broadcast %broadcast_in_dim3A_405 : i32 to vector<16xi32>
      %mul3A_407 = arith.constant 128 : i32
      %mul3A_408 = arith.muli %while3A_98, %mul3A_407 : i32
      %add3A_409 = vector.broadcast %mul3A_408 : i32 to vector<16xi32>
      %add3A_410 = arith.addi %broadcast_in_dim3A_406, %add3A_409 : vector<16xi32>
      %add3A_411 = arith.constant 112 : i32
      %add3A_412 = vector.broadcast %add3A_411 : i32 to vector<16xi32>
      %add3A_413 = arith.addi %add3A_410, %add3A_412 : vector<16xi32>
      %add3A_414 = arith.addi %add3A_413, %iota3A : vector<16xi32>
      %gather3A_415 = tpu.vector_load_idx %arg12[%add3A_414] : memref<31616xi32, #tpu.memory_space<vmem>>[vector<16xi32>], vector<16xi32>,
      %add3A_416 = arith.constant 1 : i32
      %add3A_417 = vector.broadcast %add3A_416 : i32 to vector<16xi32>
      %add3A_418 = arith.addi %add3A_414, %add3A_417 : vector<16xi32>
      %gather3A_419 = tpu.vector_load_idx %arg12[%add3A_418] : memref<31616xi32, #tpu.memory_space<vmem>>[vector<16xi32>], vector<16xi32>,
      %gather3A_420 = tpu.vector_load_idx %arg8[%gather3A_415] : memref<31376xi32, #tpu.memory_space<vmem>>[vector<16xi32>], vector<16xi32>,
      %swap3A_421 = arith.constant 112 : index
      %swap3A_422 = tpu.vector_load %arg13[%swap3A_421] {strides = array<i32>} : memref<128xi32, #tpu.memory_space<vmem>>, vector<16xi32>,
      tpu.vector_store %arg13[%swap3A_421], %gather3A_420 {strides = array<i32>} : memref<128xi32, #tpu.memory_space<vmem>>, vector<16xi32>,
      %sub3A_423 = arith.subi %gather3A_419, %gather3A_415 : vector<16xi32>
      %swap3A_424 = arith.constant 112 : index
      %swap3A_425 = tpu.vector_load %arg14[%swap3A_424] {strides = array<i32>} : memref<128xi32, #tpu.memory_space<vmem>>, vector<16xi32>,
      tpu.vector_store %arg14[%swap3A_424], %sub3A_423 {strides = array<i32>} : memref<128xi32, #tpu.memory_space<vmem>>, vector<16xi32>,
      %sub3A_426 = arith.constant 1 : i32
      %sub3A_427 = vector.broadcast %sub3A_426 : i32 to vector<16xi32>
      %sub3A_428 = arith.subi %gather3A_415, %sub3A_427 : vector<16xi32>
      %max3A_429 = arith.constant 0 : i32
      %max3A_430 = vector.broadcast %max3A_429 : i32 to vector<16xi32>
      %max3A_431 = arith.maxsi %sub3A_428, %max3A_430 : vector<16xi32>
      %gather3A_432 = tpu.vector_load_idx %arg9[%max3A_431] : memref<31360xf32, #tpu.memory_space<vmem>>[vector<16xi32>], vector<16xf32>,
      %eq3A_433 = arith.constant 0 : i32
      %eq3A_434 = vector.broadcast %eq3A_433 : i32 to vector<16xi32>
      %eq3A_435 = arith.cmpi eq, %gather3A_415, %eq3A_434 : vector<16xi32>
      %broadcast_in_dim3A_436 = arith.constant 0.000000e+00 : f32
      %broadcast_in_dim3A_437 = vector.broadcast %broadcast_in_dim3A_436 : f32 to vector<16xf32>
      %select_n3A_438 = arith.select %eq3A_435, %broadcast_in_dim3A_437, %gather3A_432 : vector<16xi1>, vector<16xf32>
      %sub3A_439 = arith.constant 1 : i32
      %sub3A_440 = vector.broadcast %sub3A_439 : i32 to vector<16xi32>
      %sub3A_441 = arith.subi %gather3A_419, %sub3A_440 : vector<16xi32>
      %max3A_442 = arith.constant 0 : i32
      %max3A_443 = vector.broadcast %max3A_442 : i32 to vector<16xi32>
      %max3A_444 = arith.maxsi %sub3A_441, %max3A_443 : vector<16xi32>
      %gather3A_445 = tpu.vector_load_idx %arg9[%max3A_444] : memref<31360xf32, #tpu.memory_space<vmem>>[vector<16xi32>], vector<16xf32>,
      %sub3A_446 = arith.subf %gather3A_445, %select_n3A_438 : vector<16xf32>
      %swap3A_447 = arith.constant 112 : index
      %swap3A_448 = tpu.vector_load %arg15[%swap3A_447] {strides = array<i32>} : memref<128xf32, #tpu.memory_space<vmem>>, vector<16xf32>,
      tpu.vector_store %arg15[%swap3A_447], %sub3A_446 {strides = array<i32>} : memref<128xf32, #tpu.memory_space<vmem>>, vector<16xf32>,
      "tpu.region"() ({
        %run_scoped3A = tpu.sem_alloc : memref<!tpu.dma_semaphore, #tpu.memory_space<semaphore_mem>>
        %dma_start3A = arith.constant 0 : i32
        %dma_start3A_449 = tpu.memref_slice %arg6[%dma_start3A] : memref<20224xf32, #tpu.memory_space<vmem_shared>> -> memref<20224xf32, #tpu.memory_space<vmem_shared>>
        tpu.enqueue_indirect_dma source(%arg15 : memref<128xf32, #tpu.memory_space<vmem>>) target(%dma_start3A_449 : memref<20224xf32, #tpu.memory_space<vmem_shared>>) offsets(%arg13 : memref<128xi32, #tpu.memory_space<vmem>>) semaphore(%run_scoped3A : memref<!tpu.dma_semaphore, #tpu.memory_space<semaphore_mem>>) {add = true}
        %dma_wait3A = arith.constant 0 : i32
        %dma_wait3A_450 = tpu.memref_slice %arg6[%dma_wait3A] : memref<20224xf32, #tpu.memory_space<vmem_shared>> -> memref<20224xf32, #tpu.memory_space<vmem_shared>>
        tpu.wait_indirect_dma semaphore(%run_scoped3A : memref<!tpu.dma_semaphore, #tpu.memory_space<semaphore_mem>>) src(%arg15 : memref<128xf32, #tpu.memory_space<vmem>>) dst(%dma_wait3A_450 : memref<20224xf32, #tpu.memory_space<vmem_shared>>)
        tpu.yield
      }) : () -> ()
      "tpu.region"() ({
        %run_scoped3A = tpu.sem_alloc : memref<!tpu.dma_semaphore, #tpu.memory_space<semaphore_mem>>
        %dma_start3A = arith.constant 0 : i32
        %dma_start3A_449 = tpu.memref_slice %arg7[%dma_start3A] : memref<20224xi32, #tpu.memory_space<vmem_shared>> -> memref<20224xi32, #tpu.memory_space<vmem_shared>>
        tpu.enqueue_indirect_dma source(%arg14 : memref<128xi32, #tpu.memory_space<vmem>>) target(%dma_start3A_449 : memref<20224xi32, #tpu.memory_space<vmem_shared>>) offsets(%arg13 : memref<128xi32, #tpu.memory_space<vmem>>) semaphore(%run_scoped3A : memref<!tpu.dma_semaphore, #tpu.memory_space<semaphore_mem>>) {add = true}
        %dma_wait3A = arith.constant 0 : i32
        %dma_wait3A_450 = tpu.memref_slice %arg7[%dma_wait3A] : memref<20224xi32, #tpu.memory_space<vmem_shared>> -> memref<20224xi32, #tpu.memory_space<vmem_shared>>
        tpu.wait_indirect_dma semaphore(%run_scoped3A : memref<!tpu.dma_semaphore, #tpu.memory_space<semaphore_mem>>) src(%arg14 : memref<128xi32, #tpu.memory_space<vmem>>) dst(%dma_wait3A_450 : memref<20224xi32, #tpu.memory_space<vmem_shared>>)
        tpu.yield
      }) : () -> ()
    }
    %barrier3A_83 = arith.constant 0 : index
    tpu.barrier barrier_id(%barrier3A_83)
    %mul3A_84 = arith.constant 1264 : i32
    %mul3A_85 = arith.muli %arg1, %mul3A_84 : i32
    "tpu.region"() ({
      %run_scoped3A = tpu.sem_alloc : memref<!tpu.dma_semaphore, #tpu.memory_space<semaphore_mem>>
      %dma_start3A = tpu.memref_slice %arg6[%mul3A_85] : memref<20224xf32, #tpu.memory_space<vmem_shared>> -> memref<1264xf32, #tpu.memory_space<vmem_shared>>
      %dma_start3A_98 = tpu.memref_slice %arg6[%mul3A_85] : memref<20224xf32, #tpu.memory_space<vmem_shared>> -> memref<1264xf32, #tpu.memory_space<vmem_shared>>
      tpu.enqueue_dma source(%dma_start3A_98 : memref<1264xf32, #tpu.memory_space<vmem_shared>>) target(%arg10 : memref<1264xf32, #tpu.memory_space<vmem>>) target_semaphore(%run_scoped3A : memref<!tpu.dma_semaphore, #tpu.memory_space<semaphore_mem>>)
      %dma_wait3A = tpu.memref_slice %arg6[%mul3A_85] : memref<20224xf32, #tpu.memory_space<vmem_shared>> -> memref<1264xf32, #tpu.memory_space<vmem_shared>>
      %dma_wait3A_99 = tpu.memref_slice %arg6[%mul3A_85] : memref<20224xf32, #tpu.memory_space<vmem_shared>> -> memref<1264xf32, #tpu.memory_space<vmem_shared>>
      tpu.wait_dma2 semaphore(%run_scoped3A : memref<!tpu.dma_semaphore, #tpu.memory_space<semaphore_mem>>) src(%dma_wait3A_99 : memref<1264xf32, #tpu.memory_space<vmem_shared>>) dst(%arg10 : memref<1264xf32, #tpu.memory_space<vmem>>)
      tpu.yield
    }) : () -> ()
    %mul3A_86 = arith.constant 20224 : i32
    %mul3A_87 = arith.muli %arg0, %mul3A_86 : i32
    %mul3A_88 = arith.constant 1264 : i32
    %mul3A_89 = arith.muli %arg1, %mul3A_88 : i32
    %add3A_90 = arith.addi %mul3A_87, %mul3A_89 : i32
    "tpu.region"() ({
      %run_scoped3A = tpu.sem_alloc : memref<!tpu.dma_semaphore, #tpu.memory_space<semaphore_mem>>
      %dma_start3A = tpu.memref_slice %arg4[%add3A_90] : memref<40448xf32, #tpu.memory_space<hbm>> -> memref<1264xf32, #tpu.memory_space<hbm>>
      %dma_start3A_98 = tpu.memref_slice %arg4[%add3A_90] : memref<40448xf32, #tpu.memory_space<hbm>> -> memref<1264xf32, #tpu.memory_space<hbm>>
      tpu.enqueue_dma source(%arg10 : memref<1264xf32, #tpu.memory_space<vmem>>) target(%dma_start3A_98 : memref<1264xf32, #tpu.memory_space<hbm>>) target_semaphore(%run_scoped3A : memref<!tpu.dma_semaphore, #tpu.memory_space<semaphore_mem>>)
      %dma_wait3A = tpu.memref_slice %arg4[%add3A_90] : memref<40448xf32, #tpu.memory_space<hbm>> -> memref<1264xf32, #tpu.memory_space<hbm>>
      %dma_wait3A_99 = tpu.memref_slice %arg4[%add3A_90] : memref<40448xf32, #tpu.memory_space<hbm>> -> memref<1264xf32, #tpu.memory_space<hbm>>
      tpu.wait_dma2 semaphore(%run_scoped3A : memref<!tpu.dma_semaphore, #tpu.memory_space<semaphore_mem>>) src(%arg10 : memref<1264xf32, #tpu.memory_space<vmem>>) dst(%dma_wait3A_99 : memref<1264xf32, #tpu.memory_space<hbm>>)
      tpu.yield
    }) : () -> ()
    %mul3A_91 = arith.constant 1264 : i32
    %mul3A_92 = arith.muli %arg1, %mul3A_91 : i32
    "tpu.region"() ({
      %run_scoped3A = tpu.sem_alloc : memref<!tpu.dma_semaphore, #tpu.memory_space<semaphore_mem>>
      %dma_start3A = tpu.memref_slice %arg7[%mul3A_92] : memref<20224xi32, #tpu.memory_space<vmem_shared>> -> memref<1264xi32, #tpu.memory_space<vmem_shared>>
      %dma_start3A_98 = tpu.memref_slice %arg7[%mul3A_92] : memref<20224xi32, #tpu.memory_space<vmem_shared>> -> memref<1264xi32, #tpu.memory_space<vmem_shared>>
      tpu.enqueue_dma source(%dma_start3A_98 : memref<1264xi32, #tpu.memory_space<vmem_shared>>) target(%arg11 : memref<1264xi32, #tpu.memory_space<vmem>>) target_semaphore(%run_scoped3A : memref<!tpu.dma_semaphore, #tpu.memory_space<semaphore_mem>>)
      %dma_wait3A = tpu.memref_slice %arg7[%mul3A_92] : memref<20224xi32, #tpu.memory_space<vmem_shared>> -> memref<1264xi32, #tpu.memory_space<vmem_shared>>
      %dma_wait3A_99 = tpu.memref_slice %arg7[%mul3A_92] : memref<20224xi32, #tpu.memory_space<vmem_shared>> -> memref<1264xi32, #tpu.memory_space<vmem_shared>>
      tpu.wait_dma2 semaphore(%run_scoped3A : memref<!tpu.dma_semaphore, #tpu.memory_space<semaphore_mem>>) src(%dma_wait3A_99 : memref<1264xi32, #tpu.memory_space<vmem_shared>>) dst(%arg11 : memref<1264xi32, #tpu.memory_space<vmem>>)
      tpu.yield
    }) : () -> ()
    %mul3A_93 = arith.constant 20224 : i32
    %mul3A_94 = arith.muli %arg0, %mul3A_93 : i32
    %mul3A_95 = arith.constant 1264 : i32
    %mul3A_96 = arith.muli %arg1, %mul3A_95 : i32
    %add3A_97 = arith.addi %mul3A_94, %mul3A_96 : i32
    "tpu.region"() ({
      %run_scoped3A = tpu.sem_alloc : memref<!tpu.dma_semaphore, #tpu.memory_space<semaphore_mem>>
      %dma_start3A = tpu.memref_slice %arg5[%add3A_97] : memref<40448xi32, #tpu.memory_space<hbm>> -> memref<1264xi32, #tpu.memory_space<hbm>>
      %dma_start3A_98 = tpu.memref_slice %arg5[%add3A_97] : memref<40448xi32, #tpu.memory_space<hbm>> -> memref<1264xi32, #tpu.memory_space<hbm>>
      tpu.enqueue_dma source(%arg11 : memref<1264xi32, #tpu.memory_space<vmem>>) target(%dma_start3A_98 : memref<1264xi32, #tpu.memory_space<hbm>>) target_semaphore(%run_scoped3A : memref<!tpu.dma_semaphore, #tpu.memory_space<semaphore_mem>>)
      %dma_wait3A = tpu.memref_slice %arg5[%add3A_97] : memref<40448xi32, #tpu.memory_space<hbm>> -> memref<1264xi32, #tpu.memory_space<hbm>>
      %dma_wait3A_99 = tpu.memref_slice %arg5[%add3A_97] : memref<40448xi32, #tpu.memory_space<hbm>> -> memref<1264xi32, #tpu.memory_space<hbm>>
      tpu.wait_dma2 semaphore(%run_scoped3A : memref<!tpu.dma_semaphore, #tpu.memory_space<semaphore_mem>>) src(%arg11 : memref<1264xi32, #tpu.memory_space<vmem>>) dst(%dma_wait3A_99 : memref<1264xi32, #tpu.memory_space<hbm>>)
      tpu.yield
    }) : () -> ()
    return
  }
}

</mosaic_0001>

<sc_bundles>
// kernel: kernel.4.cloned.1.call-start
scs
__scs_entry_jumppad:
0x0: {  	(pc) =	sbr.rel $0x88, $3  }
0x1: {  	(tag) =	ssettag $0x0;
	lr =	simm.s32 $0x1  }
0x2: {  	[smem:$0x3F9E] =	sst lr;
	_ =	strace $0xD0000000  }
0x3: {  	_ = 	snop  }
0x4: {  	_ = 	snop  }
0x5: {  	_ = 	snop  }
0x6: {  	_ = 	snop  }
0x7: {  	_ = 	snop  }
__scs_overlays_trampoline_lowered:
0x8: {  	[smem:$0x3FAD] =	sst s0  }
0x9: {  	[smem:$0x3FAE] =	sst s1  }
0xa: {  	[smem:$0x3FAF] =	sst s2  }
0xb: {  	[smem:$0x3FB0] =	sst s3  }
0xc: {  	[smem:$0x3FB1] =	sst s4  }
0xd: {  	[smem:$0x3FB2] =	sst s5  }
0xe: {  	[smem:$0x3FB3] =	sst s6  }
0xf: {  	[smem:$0x3FB4] =	sst s7  }
0x10: {  	[smem:$0x3FB5] =	sst s8  }
0x11: {  	[smem:$0x3FB6] =	sst s9;
	s0 =	simm.s32 @!p0 $0x0  }
0x12: {  	s1 =	sld [smem:$0x3F9C];
	s0 =	simm.s32 @p0 $0x1  }
0x13: {  	[smem:$0x3FB7] =	sst s0;
	s0 =	simm.s32 @!p1 $0x0  }
0x14: {  	s2 =	sld [smem:$0x3F9B];
	s0 =	simm.s32 @p1 $0x1  }
0x15: {  	[smem:$0x3FB8] =	sst s0;
	s0 =	simm.s32 @!p2 $0x0  }
0x16: {  	s3 =	sld [smem:$0x3FDB];
	s0 =	simm.s32 @p2 $0x1  }
0x17: {  	s4 =	simm.s32 $0x1BF5;
	[smem:$0x3FBA] =	sst s0  }
0x18: {  	s0 =	sld [smem:$0x3F9D];
	_ =	swait.ge [sflag:s4], $0x0  }
0x19: {  	s7 =	sld [smem:$0x3F9E]  }
0x1a: {  	s8 =	sadd.s32 $0xFFFFE003, lr  }
0x1b: {  	s9 =	sadd.s32 $0xFFFFFEF7, lr;
	s5 =	simm.s32 $0xFFFFFFFF;
	p2 =	slt.u32 s8, $0xFFFFF086  }
0x1c: {  	p1 =	slt.u32 s9, $0xF7A;
	s5 =	simm.s32 @!p2 $0x0  }
0x1d: {  	s5 =	simm.s32 @p1 $0x1;
	p0 =	seq.s32 s7, s2  }
0x1e: {  	s7 =	smul.u32 @!p0 $0xF7A, s2;
	p2 =	seq.s32 @!p0 s5, $0x0  }
0x1f: {  	s9 =	smul.u32 $0xF7A, s1;
	s8 =	simm.s32 @!p0 $0x1BF5;
	p2 =	por !p2, p0  }
0x20: {  	[sflag:s8] =	ssyncset.s32 @!p0 $0xFFFFF086;
	s6 =	sadd.s32 @!p0 s3, s7;
	s7 =	simm.s32 @!p0 $0x108  }
0x21: {  	s3 =	sadd.s32 s3, s9;
	s6 =	sadd.s32 @!p0 $0x88, s6;
	s7 =	simm.s32 @p2 $0x1082  }
0x22: {  	[simem:s7], [sflag:s8] =	dma.local @!p0 [hbm:s6], $0xF7A  }
0x23: {  	s9 =	sor.u32 $0xD0000000, s2;
	s6 =	simm.s32 $0x108;
	_ =	swait.ge @!p0 [sflag:s8], $0x0  }
0x24: {  	s3 =	sadd.s32 $0x88, s3;
	s6 =	simm.s32 @!p1 $0x1082;
	[sflag:s4] =	ssyncset.s32 $0xFFFFF086  }
0x25: {  	[simem:s6], [sflag:s4] =	dma.local [hbm:s3], $0xF7A  }
0x26: {  	[smem:$0x3F9E] =	sst s1;
	(tag) =	ssettag s2;
	_ =	strace s9  }
0x27: {  	s1 =	sld [smem:$0x3FAE]  }
0x28: {  	s2 =	sld [smem:$0x3FAF]  }
0x29: {  	s4 =	sld [smem:$0x3FB1]  }
0x2a: {  	p0 =	seq.s32 s5, $0x0;
	s5 =	sld [smem:$0x3FB2]  }
0x2b: {  	s6 =	sld [smem:$0x3FB3]  }
0x2c: {  	s7 =	sld [smem:$0x3FB4]  }
0x2d: {  	s3 =	simm.s32 $0x108;
	s8 =	sld [smem:$0x3FB5]  }
0x2e: {  	s3 =	simm.s32 @!p0 $0x1082;
	s9 =	sld [smem:$0x3FB6]  }
0x2f: {  	lr =	sadd.s32 s0, s3;
	s0 =	sld [smem:$0x3FAD]  }
0x30: {  	s3 =	sld [smem:$0x3FB0]  }
0x31: {  	[smem:$0x3FB9] =	sst s10  }
0x32: {  	s10 =	sld [smem:$0x3FB7];
	_ =	sdelay $0x3  }
0x33: {  	p0 =	seq.s32 s10, $0x1;
	s10 =	sld [smem:$0x3FB9];
	_ =	sdelay $0x3  }
0x34: {  	[smem:$0x3FB9] =	sst s10  }
0x35: {  	s10 =	sld [smem:$0x3FB8];
	_ =	sdelay $0x3  }
0x36: {  	p1 =	seq.s32 s10, $0x1;
	s10 =	sld [smem:$0x3FB9];
	_ =	sdelay $0x3  }
0x37: {  	[smem:$0x3FB9] =	sst s10  }
0x38: {  	s10 =	sld [smem:$0x3FBA]  }
0x39: {  	_ = 	snop;
	(pc) =	sbr.ind lr, $3  }
0x3a: {  	_ = 	snop  }
0x3b: {  	_ = 	snop  }
0x3c: {  	p2 =	seq.s32 s10, $0x1;
	s10 =	sld [smem:$0x3FB9]  }
0x3d: {  	_ =	shalt  }
0x3e: {  	_ =	shalt  }
0x3f: {  	_ =	shalt  }
0x40: {  	_ =	shalt  }
0x41: {  	_ =	shalt  }
0x42: {  	_ =	shalt  }
0x43: {  	_ =	shalt  }
0x44: {  	_ =	shalt  }
0x45: {  	_ =	shalt  }
0x46: {  	_ =	shalt  }
0x47: {  	_ =	shalt  }
0x48: {  	_ =	shalt  }
0x49: {  	_ =	shalt  }
0x4a: {  	_ =	shalt  }
0x4b: {  	_ =	shalt  }
0x4c: {  	_ =	shalt  }
0x4d: {  	_ =	shalt  }
0x4e: {  	_ =	shalt  }
0x4f: {  	_ =	shalt  }
0x50: {  	_ =	shalt  }
0x51: {  	_ =	shalt  }
0x52: {  	_ =	shalt  }
0x53: {  	_ =	shalt  }
0x54: {  	_ =	shalt  }
0x55: {  	_ =	shalt  }
0x56: {  	_ =	shalt  }
0x57: {  	_ =	shalt  }
0x58: {  	_ =	shalt  }
0x59: {  	_ =	shalt  }
0x5a: {  	_ =	shalt  }
0x5b: {  	_ =	shalt  }
0x5c: {  	_ =	shalt  }
0x5d: {  	_ =	shalt  }
0x5e: {  	_ =	shalt  }
0x5f: {  	_ =	shalt  }
0x60: {  	_ =	shalt  }
0x61: {  	_ =	shalt  }
0x62: {  	_ =	shalt  }
0x63: {  	_ =	shalt  }
0x64: {  	_ =	shalt  }
0x65: {  	_ =	shalt  }
0x66: {  	_ =	shalt  }
0x67: {  	_ =	shalt  }
0x68: {  	_ =	shalt  }
0x69: {  	_ =	shalt  }
0x6a: {  	_ =	shalt  }
0x6b: {  	_ =	shalt  }
0x6c: {  	_ =	shalt  }
0x6d: {  	_ =	shalt  }
0x6e: {  	_ =	shalt  }
0x6f: {  	_ =	shalt  }
0x70: {  	_ =	shalt  }
0x71: {  	_ =	shalt  }
0x72: {  	_ =	shalt  }
0x73: {  	_ =	shalt  }
0x74: {  	_ =	shalt  }
0x75: {  	_ =	shalt  }
0x76: {  	_ =	shalt  }
0x77: {  	_ =	shalt  }
0x78: {  	_ =	shalt  }
0x79: {  	_ =	shalt  }
0x7a: {  	_ =	shalt  }
0x7b: {  	_ =	shalt  }
0x7c: {  	_ =	shalt  }
0x7d: {  	_ =	shalt  }
0x7e: {  	_ =	shalt  }
0x7f: {  	_ =	shalt  }
0x80: {  	_ =	shalt  }
0x81: {  	_ =	shalt  }
0x82: {  	_ =	shalt  }
0x83: {  	_ =	shalt  }
0x84: {  	_ =	shalt  }
0x85: {  	_ =	shalt  }
0x86: {  	_ =	shalt  }
0x87: {  	_ =	shalt  }
.Lfunc_end0:
.L_simem_size_0:
called_computation_lowered:
.L_overlay_start_0:
0x88: {  	s2 =	sld [smem:$0x3FD9]  }
0x89: {  	s3 =	sld [smem:$0x3FFE];
	_ =	sdelay $0x1  }
0x8a: {  	s1 =	srdreg.scid  }
0x8b: {  	s0 =	sand.u32 $0x1, s1  }
0x8c: {  	s17 =	sshll.u32 s0, $0xA;
	s2 =	sadd.s32 s3, s2  }
0x8d: {  	s2 =	sadd.s32 s2, s17  }
0x8e: {  	[smem:$0x3FC5] =	sst s2  }
0x8f: {  	_ = 	snop  }
0x90: {  	s2 =	sld [smem:$0x3FC7]  }
0x91: {  	s18 =	sld [smem:$0x3FD0];
	(tm) =	ssettm $0x1  }
0x92: {  	s4 =	sld [smem:$0x3FFB];
	_ =	sdelay $0x3  }
0x93: {  	_ =	strace s4  }
0x94: {  	s4 =	sld [smem:$0x3FFC];
	_ =	sdelay $0x3  }
0x95: {  	_ =	strace s4  }
0x96: {  	s4 =	sld [smem:$0x3FFD];
	_ =	sdelay $0x3  }
0x97: {  	_ =	strace s4  }
0x98: {  	_ =	strace $0x8FFFFFFF  }
0x99: {  	s19 =	sld [smem:$0x3FDB];
	_ =	sdelay $0x1  }
0x9a: {  	s5 =	simm.s32 $_scs_section_size  }
0x9b: {  	s6 =	simm.s32 $_size__tile_overlayer_lowered;
	s7 =	simm.s32 $_tile_overlayer_lowered  }
0x9c: {  	s22 =	simm.s32 $0x1BFF;
	s21 =	sshll.u32 s7, $0x1;
	s4 =	sadd.s32 s5, s19  }
0x9d: {  	s8 =	simm.s32 $0x0;
	s20 =	sshll.u32 s6, $0x1;
	s6 =	sadd.s32 s21, s4  }
0x9e: {  	[timem:s8], [sflag:s22] =	dma.local [hbm:s6], s20  }
0x9f: {  	_ =	swait.ge [sflag:s22], s20  }
0xa0: {  	s5 =	ssub.s32 $0x0, s20;
	[sflag:s22] =	ssyncset.done $0x0  }
0xa1: {  	[sflag:s22] =	ssyncadd.s32 s5;
	_ =	sdelay $0x1  }
0xa2: {  	s23 =	simm.s32 $0x1B8B  }
0xa3: {  	_ =	swait.ge [sflag:s23], $0x1  }
0xa4: {  	[sflag:s23] =	ssyncset.done $0x0  }
0xa5: {  	s25 =	simm.s32 $0x1B8E;
	s24 =	sld [smem:$0x3FFE];
	[sflag:s23] =	ssyncadd.s32 $0xFFFFFFFF  }
0xa6: {  	s26 =	simm.s32 $execute0_lowered;
	[smem:$0x3FD2] =	sst s25  }
0xa7: {  	s6 =	sshll.u32 s26, $0x1;
	_ =	strace $0x80000046;
	[dreg:$0x1] =	wrdreg $0xFFFFFFFF  }
0xa8: {  	s28 =	simm.s32 $_size_execute0_lowered;
	s4 =	sadd.s32 s4, s6;
	[dreg:$0x0] =	wrdreg $0x0  }
0xa9: {  	s6 =	sshll.u32 s28, $0x1;
	[dreg:$0x2] =	wrdreg s4  }
0xaa: {  	[dreg:$0x3] =	wrdreg s6  }
0xab: {  	[dreg:$0x4] =	wrdreg $0xC0  }
0xac: {  	_ =	task [dreg:s8], $0x5FFFF  }
0xad: {  	[dreg:$0x1] =	wrdreg $0xFFFFFFFF  }
0xae: {  	[dreg:$0x0] =	wrdreg $0x60  }
0xaf: {  	[dreg:$0x2] =	wrdreg s2  }
0xb0: {  	[dreg:$0x3] =	wrdreg s24  }
0xb1: {  	[dreg:$0x4] =	wrdreg s18  }
0xb2: {  	[dreg:$0x5] =	wrdreg $0x0  }
0xb3: {  	[dreg:$0x6] =	wrdreg $0x4F00  }
0xb4: {  	[dreg:$0x7] =	wrdreg $0x9  }
0xb5: {  	_ =	task.clear_ibuf [dreg:s8], $0x8FFFF;
	_ =	strace $0x90000046  }
0xb6: {  	s29 =	simm.s32 $0x9;
	_ =	strace $0x80000048  }
0xb7: {  	_ =	swait.ge [sflag:s29], $0x1  }
0xb8: {  	[sflag:s29] =	ssyncadd.s32 $0xFFFFFFFF  }
0xb9: {  	_ =	strace $0x90000048  }
0xba: {  	_ =	sfence  }
0xbb: {  	s30 =	sld [smem:$0x0];
	_ =	sdelay $0x2  }
0xbc: {  	s31 =	sshll.u32 s1, $0xD;
	s1 =	sshrl.u32 s1, $0x2  }
0xbd: {  	s3 =	sand.u32 $0x4000, s31;
	s1 =	sadd.s32 s1, s30  }
0xbe: {  	s0 =	sor.u32 s3, s0;
	s1 =	sshll.u32 s1, $0x11  }
0xbf: {  	s0 =	sor.u32 s1, s0  }
0xc0: {  	s0 =	sadd.s32 $0x8F2B, s0  }
0xc1: {  	[sflag:s0] =	ssyncadd.remote.s32 $0x1  }
0xc2: {  	_ =	sfence.sel $0xFFFF  }
0xc3: {  	[dreg:$0x0] =	wrdreg $0xFFFFFFFF;
	(pc) =	sbr.abs _section_cstart, $3  }
0xc4: {  	[dreg:$0x1] =	wrdreg $0xFFFFFFFF  }
0xc5: {  	_ =	task.clear_ibuf [dreg:s8], $0x2FFFF;
	_ =	strace $0x9FFFFFFF  }
0xc6: {  	(tm) =	ssettm $0x7FFFFFFF  }
0xc7: {  	_ =	shalt  }
tec
execute0_lowered:
.L_overlay_start_1:
0x0: {  	(tag) =	ssettag $0x1  }
0x1: {  	s0 =	rddreg [dreg:$0x0]  }
0x2: {  	s8 =	rddreg [dreg:$0x1]  }
0x3: {  	s12 =	rddreg [dreg:$0x2]  }
0x4: {  	s2 =	rddreg [dreg:$0x3]  }
0x5: {  	s3 =	rddreg [dreg:$0x4]  }
0x6: {  	s4 =	srdreg.scid;
	s1 =	stileid.u32;
	s28 =	simm.s32 $0x0  }
0x7: {  	s16 =	simm.s32 $0x10460;
	s17 =	simm.s32 $0x1;
	s18 =	simm.s32 $0x9E0  }
0x8: {  	s19 =	simm.s32 $0x84E0;
	s20 =	simm.s32 $0x10960;
	s21 =	simm.s32 $0x80  }
0x9: {  	v0 =	vimm.f32 $0.0e+00;
	v1 =	vlaneseq.u32;
	s22 =	simm.s32 $0x184E0;
	s23 =	simm.s32 $0x185E0;
	s24 =	simm.s32 $0x18560  }
0xa: {  	v2 =	vimm.s32 $0x0;
	v15 =	vimm.s32 $0x7C7B7A79;
	v16 =	vimm.s32 $0x74737271;
	s5 =	sand.u32 $0x1, s4;
	s6 =	sshll.u32 s1, $0x1;
	s11 =	smul.u32 $0x4F0, s1  }
0xb: {  	v3 =	vimm.s32 $0x4E20;
	v17 =	vimm.s32 $0x78777675;
	vm0 =	vcmask $0x1F10;
	s25 =	simm.s32 $0x0;
	s13 =	sor.u32 s5, s6;
	s29 =	smul.u32 $0x4F00, s5  }
0xc: {  	[smem:$0x7FF] =	sst s28;
	v4 =	vadd.s32 $0xFFFFFFFF, v1;
	v5 =	vadd.s32 $0x1, v1;
	v6 =	vor.u32 $0x10, v1;
	s5 =	ssub.s32 $0x2, s5;
	s7 =	smul.u32 $0xF50, s13  }
0xd: {  	v7 =	vadd.s32 $0x11, v1;
	v8 =	vor.u32 $0x20, v1;
	v9 =	vadd.s32 $0x21, v1;
	_ =	strace $0x80000047;
	s30 =	sshrl.u32 s5, $0x1;
	p0 =	seq.s32 s13, $0x1F  }
0xe: {  	v10 =	vor.u32 $0x30, v1;
	v11 =	vadd.s32 $0x31, v1;
	v12 =	vor.u32 $0x40, v1;
	s6 =	sadd.s32 s11, s29;
	s15 =	ssub.s32 s5, s30;
	s9 =	sadd.s32 s7, s8  }
.Ltmp0:
0xf: {  	v13 =	vadd.s32 $0x41, v1;
	v18 =	vunpack.c.0.s8.s32 v15;
	v15 =	vimm.s32 $0x7F7E7D;
	s14 =	sshrl.u32 s6, $0x3;
	s6 =	sadd.s32 s0, s7;
	(pc) =	sbr.rel .LBB2_1-.Ltmp0, $4  }
0x10: {  	v20 =	vunpack.c.0.s8.s32 v16;
	v21 =	vunpack.c.0.s8.s32 v17;
	v19 =	vunpack.c.0.s8.s32 v15;
	s7 =	sadd.s32 $0x1DAB0, s0;
	s13 =	smax.u32 s15, $0x1;
	s15 =	simm.s32 $0x2  }
0x11: {  	v14 =	vor.u32 $0x50, v1;
	v16 =	vor.u32 $0x60, v1;
	v17 =	vadd.s32 $0x61, v1;
	s10 =	sadd.s32 s14, s8;
	s31 =	sadd.s32 $0x400, s9;
	s8 =	sadd.s32 $0x1DEB0, s8  }
0x12: {  	v15 =	vadd.s32 $0x51, v1;
	v20 =	vsel vm0, v21, v20;
	v22 =	vsel vm0, v19, v18;
	s9 =	sadd.s32 s11, s2;
	s11 =	sadd.s32 s11, s3;
	s12 =	sadd.s32 s12, s14  }
0x13: {  	v18 =	vor.u32 $0x70, v1;
	v19 =	vadd.s32 $0x71, v1;
	v20 =	vcombine.low v20, v22;
	s14 =	simm.s32 $0xFF60;
	[dreg:$0x6] =	wrdreg s31;
	s10 =	sadd.s32 $0x1EE00, s10  }
.LBB2_12:
0x14: {  	[bflag:$0x0] =	sbarrier.arrive $0xFFFF  }
0x15: {  	[tilespmem:s14], [sflag:$0x2] =	stream.linear.gather [spmem:s9], $0x4F0, $0x38;
	[tilespmem:$0x18660] =	vst v63  }
0x16: {  	_ =	swait.ge [sflag:s15], $0x4F0  }
0x17: {  	[sflag:s15] =	ssyncset.done $0x0  }
0x18: {  	s0 =	simm.s32 $0x0;
	[sflag:s15] =	ssyncadd.s32 $0xFFFFFB10  }
0x19: {  	[hbm4b:s12+s0] =	stream.linear.scatter [tilespmem:s14], [sflag:$0x2], $0x4F0, $0x38;
	[tilespmem:$0x18660] =	vst v63  }
0x1a: {  	_ =	swait.ge [sflag:s15], $0x4F0  }
0x1b: {  	[sflag:s15] =	ssyncset.done $0x0  }
0x1c: {  	[sflag:s15] =	ssyncadd.s32 $0xFFFFFB10  }
0x1d: {  	[tilespmem:s16], [sflag:$0x2] =	stream.linear.gather [spmem:s11], $0x4F0, $0x38;
	[tilespmem:$0x18660] =	vst v63  }
0x1e: {  	s25 =	sadd.s32 $0x1, s25;
	_ =	swait.ge [sflag:s15], $0x4F0  }
0x1f: {  	p1 =	sne.s32 s25, s13;
	[sflag:s15] =	ssyncset.done $0x0  }
.Ltmp1:
0x20: {  	[sflag:s15] =	ssyncadd.s32 $0xFFFFFB10;
	(pc) =	sbr.rel @!p1 .LBB2_13-.Ltmp1, $4  }
0x21: {  	[hbm4b:s10+s0] =	stream.linear.scatter [tilespmem:s16], [sflag:$0x2], $0x4F0, $0x38;
	[tilespmem:$0x18660] =	vst v63  }
0x22: {  	_ =	swait.ge [sflag:s15], $0x4F0  }
0x23: {  	[sflag:s15] =	ssyncset.done $0x0  }
0x24: {  	[sflag:s15] =	ssyncadd.s32 $0xFFFFFB10  }
.LBB2_1:
0x25: {  	s0 =	simm.s32 @p0 $0x0;
	s26 =	simm.s32 @p0 $0x9E0  }
0x26: {  	[tilespmem:s26], [sflag:$0x1] =	stream.linear.gather @p0 [hbm4b:s7+s0], $0x6CC0, $0x38;
	[tilespmem:$0x18660] =	vst v63  }
0x27: {  	s26 =	simm.s32 @p0 $0x84E0  }
0x28: {  	[tilespmem:s26], [sflag:$0x1] =	stream.linear.gather @p0 [hbm4b:s8+s0], $0x6CC0, $0x38;
	[tilespmem:$0x18660] =	vst v63  }
0x29: {  	s0 =	simm.s32 @!p0 $0x0;
	s26 =	simm.s32 @!p0 $0x9E0  }
0x2a: {  	[tilespmem:s26], [sflag:$0x1] =	stream.linear.gather @!p0 [hbm4b:s6+s0], $0x7A80, $0x38;
	[tilespmem:$0x18660] =	vst v63  }
0x2b: {  	s1 =	rddreg [dreg:$0x6];
	s26 =	simm.s32 @!p0 $0x84E0  }
0x2c: {  	[tilespmem:s26], [sflag:$0x1] =	stream.linear.gather @!p0 [hbm4b:s1+s0], $0x7A80, $0x38;
	[tilespmem:$0x18660] =	vst v63  }
0x2d: {  	s26 =	simm.s32 $0x40;
	s0 =	simm.s32 $0x0  }
.LBB2_2:
0x2e: {  	p1 =	sne.s32 s26, $0x1380;
	[tilespmem:s0+$0xFF60] =	vst v0;
	s28 =	smov.u32 s26;
	s26 =	sadd.s32 $0x40, s26  }
.Ltmp2:
0x2f: {  	[tilespmem:s0+$0x10460] =	vst v2;
	(pc) =	sbr.rel @p1 .LBB2_2-.Ltmp2, $2  }
0x30: {  	_ =	sdelay $0x2  }
0x31: {  	s0 =	sshra.s32 s28, $0x2  }
0x32: {  	[tilespmem:s0+$0xFF60] =	vst v0  }
0x33: {  	[tilespmem:s0+$0x10460] =	vst v2  }
0x34: {  	[spmem:s9] =	stream.linear.scatter [tilespmem:s14], [sflag:$0x2], $0x4F0, $0x38;
	[tilespmem:$0x18660] =	vst v63  }
0x35: {  	_ =	swait.ge [sflag:s15], $0x4F0  }
0x36: {  	[sflag:s15] =	ssyncset.done $0x0  }
0x37: {  	[sflag:s15] =	ssyncadd.s32 $0xFFFFFB10  }
0x38: {  	[spmem:s11] =	stream.linear.scatter [tilespmem:s16], [sflag:$0x2], $0x4F0, $0x38;
	[tilespmem:$0x18660] =	vst v63  }
.Ltmp3:
0x39: {  	_ =	swait.ge [sflag:s15], $0x4F0;
	(pc) =	sbr.rel @!p0 .LBB2_4-.Ltmp3, $3  }
0x3a: {  	[sflag:s15] =	ssyncset.done $0x0  }
0x3b: {  	[sflag:s15] =	ssyncadd.s32 $0xFFFFFB10  }
0x3c: {  	[bflag:$0x0] =	sbarrier.arrive $0xFFFF;
	_ =	sdelay $0x1  }
0x3d: {  	_ =	swait.ge [sflag:s17], $0x6CC0  }
0x3e: {  	s0 =	simm.s32 $0x0;
	[sflag:s17] =	ssyncset.done $0x0  }
0x3f: {  	v21 =	vmov s0;
	[sflag:s17] =	ssyncadd.s32 $0xFFFF9340  }
0x40: {  	v21 =	vadd.s32 $0x4E20, v21;
	_ =	swait.ge [sflag:s17], $0x6CC0  }
0x41: {  	v21 =	vbroadcast v21, $0x0;
	[sflag:s17] =	ssyncset.done $0x0  }
0x42: {  	s26 =	simm.s32 $0x76A0;
	[sflag:s17] =	ssyncadd.s32 $0xFFFF9340  }
0x43: {  	s28 =	simm.s32 $0xF1A0;
	[tilespmem:s26+$0x0] =	vst v21  }
0x44: {  	s29 =	simm.s32 $0x1;
	[tilespmem:s28+$0x0] =	vst v0  }
.LBB2_6:
0x45: {  	v21 =	vmov s29;
	p1 =	sne.s32 s29, $0xDB  }
.Ltmp4:
0x46: {  	s29 =	sadd.s32 $0x1, s29;
	v21 =	vadd.s32 $0x4E20, v21;
	(pc) =	sbr.rel @p1 .LBB2_6-.Ltmp4, $4  }
0x47: {  	v21 =	vbroadcast v21, $0x0  }
0x48: {  	s26 =	sadd.s32 $0x10, s26  }
0x49: {  	s28 =	sadd.s32 $0x10, s28;
	[tilespmem:s26+$0x0] =	vst v21  }
0x4a: {  	[tilespmem:s28+$0x0] =	vst v0  }
.Ltmp5:
0x4b: {  	(pc) =	sbr.rel .LBB2_8-.Ltmp5, $2  }
0x4c: {  	_ =	sdelay $0x2  }
0x4d: {  	s26 =	simm.s32 $0x6CC0  }
.LBB2_4:
0x4e: {  	_ =	swait.ge [sflag:s17], $0x7A80  }
0x4f: {  	[sflag:s17] =	ssyncset.done $0x0  }
0x50: {  	[sflag:s17] =	ssyncadd.s32 $0xFFFF8580  }
0x51: {  	_ =	swait.ge [sflag:s17], $0x7A80  }
0x52: {  	[sflag:s17] =	ssyncset.done $0x0  }
0x53: {  	s26 =	simm.s32 $0x7A80;
	[sflag:s17] =	ssyncadd.s32 $0xFFFF8580  }
.LBB2_8:
0x54: {  	[tilespmem:s26+$0x9E0] =	vst v3  }
0x55: {  	s29 =	simm.s32 $0x84E0;
	s31 =	simm.s32 $0x0;
	[tilespmem:$0x10960] =	vst v2  }
0x56: {  	v22 =	vadd.s32 s31, v4;
	v23 =	vld [tilespmem:s29+$0x0]  }
0x57: {  	vm0 =	vgt.s32 v22, $0x0  }
0x58: {  	v22 =	vnsel vm0, $0x0, v22;
	_ =	sdelay $0x2  }
0x59: {  	s0 =	simm.s32 $0x9E0;
	(xrf2) =	vadd.scan.msk.f32 $0xffff, v23  }
0x5a: {  	v23 =	vld [tilespmem:s0+$0x0]  }
0x5b: {  	v22 =	vld.idx.msk [tilespmem:v22+s18+$0x0], $0xffff;
	_ =	sdelay $0x4  }
0x5c: {  	vm0 =	vne.s32 v23, v22  }
0x5d: {  	s30 =	simm.s32 $0xF;
	v22 =	vmpcnt.ones.xlane vm0  }
0x5e: {  	v23 =	vmov s30  }
0x5f: {  	v21 =	vimm.f32 $0.0e+00;
	v22 =	vxor.u32 $0x80000000, v22;
	v24, _, _ =	vpop (xrf2)  }
0x60: {  	(xrf0) =	vmax.scan.msk.u32 $0xffff, v22;
	v21 =	vadd.f32 v24, v21;
	_ =	sdelay $0x1  }
0x61: {  	s28 =	simm.s32 $0x1;
	[tilespmem:s29+$0x0] =	vst v21;
	v21 =	vor.u32 s31, v1  }
0x62: {  	v22 =	vld.idx.msk [tilespmem:v23+s19+$0x0], $0xffff;
	[tilespmem:s28+$0x10960] =	vst.msk vm0, v21;
	s28 =	simm.s32 $0x84F0  }
0x63: {  	s5 =	simm.s32 $0x10;
	v21 =	vld [tilespmem:s28+$0x0]  }
0x64: {  	v23 =	vadd.s32 s5, v4  }
0x65: {  	vm0 =	vgt.s32 v23, $0x0;
	v62, _, _ =	vpop (xrf0)  }
0x66: {  	v23 =	vnsel vm0, $0x0, v23;
	(v2sf) =	vpush v62, $0xF;
	_ =	sdelay $0x1  }
0x67: {  	(xrf2) =	vadd.scan.msk.f32 $0xffff, v21;
	_ =	sdelay $0x2  }
0x68: {  	s29 =	simm.s32 $0x9F0;
	v21 =	vld.idx.msk [tilespmem:v23+s18+$0x0], $0xffff  }
0x69: {  	v23 =	vld [tilespmem:s29+$0x0];
	_ =	sdelay $0x4  }
0x6a: {  	vm0 =	vne.s32 v23, v21  }
0x6b: {  	s1 =	simm.s32 $0x1F;
	v21 =	vmpcnt.ones.xlane vm0;
	v23, _, _ =	vpop (xrf2)  }
0x6c: {  	v23 =	vadd.f32 v23, v22;
	v22 =	vmov s1  }
0x6d: {  	v63 =	vxor.u32 $0x80000000, v21  }
0x6e: {  	(xrf0) =	vmax.scan.msk.u32 $0xffff, v63;
	s4 =	spop (v2sf)  }
0x6f: {  	s30 =	simm.s32 $0x2F;
	s31 =	simm.s32 $0x3F;
	v21 =	vor.u32 s5, v1;
	[tilespmem:s28+$0x0] =	vst v23;
	s0 =	sadd.s32 $0x1, s4  }
.LBB2_9:
0x70: {  	s1 =	sadd.s32 $0xFFFFFFF1, s30  }
0x71: {  	v23 =	vld.idx.msk [tilespmem:v22+s19+$0x0], $0xffff;
	s0 =	sadd.s32 $0x80000000, s0;
	s4 =	smov.u32 s31;
	s5 =	sadd.s32 $0x10, s31  }
0x72: {  	p1 =	seq.s32 s31, $0x7A7F;
	s28 =	sadd.s32 $0x10, s28;
	v22 =	vadd.s32 s1, v4;
	[tilespmem:s0+$0x10960] =	vst.msk vm0, v21;
	v21 =	vor.u32 s1, v1  }
0x73: {  	vm0 =	vgt.s32 v22, $0x0;
	v24 =	vld [tilespmem:s28+$0x0]  }
0x74: {  	v22 =	vnsel vm0, $0x0, v22;
	v25, _, _ =	vpop (xrf0)  }
0x75: {  	(v2sf) =	vpush v25, $0xF;
	_ =	sdelay $0x2  }
0x76: {  	(xrf2) =	vadd.scan.msk.f32 $0xffff, v24  }
0x77: {  	s29 =	sadd.s32 $0x10, s29;
	v22 =	vld.idx.msk [tilespmem:v22+s18+$0x0], $0xffff  }
0x78: {  	v24 =	vld [tilespmem:s29+$0x0];
	_ =	sdelay $0x4  }
0x79: {  	vm0 =	vne.s32 v24, v22  }
0x7a: {  	v24 =	vmpcnt.ones.xlane vm0  }
.Ltmp6:
0x7b: {  	v22 =	vmov s30;
	s30 =	smov.u32 s4;
	(pc) =	sbr.rel @!p1 .LBB2_9-.Ltmp6, $4  }
0x7c: {  	v24 =	vxor.u32 $0x80000000, v24;
	v25, _, _ =	vpop (xrf2)  }
0x7d: {  	v23 =	vadd.f32 v25, v23;
	(xrf0) =	vmax.scan.msk.u32 $0xffff, v24  }
0x7e: {  	s1 =	spop (v2sf)  }
0x7f: {  	s31 =	smov.u32 s5;
	[tilespmem:s28+$0x0] =	vst v23;
	s0 =	sadd.s32 s1, s0  }
0x80: {  	s1 =	sadd.s32 $0xFFFFFFF1, s30  }
0x81: {  	v23 =	vadd.s32 s1, v4  }
0x82: {  	vm1 =	vgt.s32 v23, $0x0  }
0x83: {  	v23 =	vnsel vm1, $0x0, v23;
	_ =	sdelay $0x2  }
0x84: {  	s0 =	sadd.s32 $0x80000000, s0  }
0x85: {  	v22 =	vld.idx.msk [tilespmem:v22+s19+$0x0], $0xffff;
	[tilespmem:s0+$0x10960] =	vst.msk vm0, v21  }
0x86: {  	s4 =	sadd.s32 $0x10, s29;
	v21 =	vld.idx.msk [tilespmem:v23+s18+$0x0], $0xffff  }
0x87: {  	v23 =	vld [tilespmem:s4+$0x0];
	_ =	sdelay $0x4  }
0x88: {  	vm15 =	vne.s32 v23, v21  }
0x89: {  	v21 =	vmpcnt.ones.xlane vm15;
	_ =	sdelay $0x1  }
0x8a: {  	v21 =	vxor.u32 $0x80000000, v21  }
0x8b: {  	(xrf0) =	vmax.scan.msk.u32 $0xffff, v21;
	_ =	sdelay $0x3  }
0x8c: {  	v21, _, _ =	vpop (xrf0)  }
0x8d: {  	(v2sf) =	vpush v21, $0xF  }
0x8e: {  	v21, _, _ =	vpop (xrf0)  }
0x8f: {  	s30 =	sadd.s32 $0x10, s28;
	(v2sf) =	vpush v21, $0xF  }
0x90: {  	v23 =	vld [tilespmem:s30+$0x0];
	_ =	sdelay $0x4  }
0x91: {  	(xrf2) =	vadd.scan.msk.f32 $0xffff, v23;
	_ =	sdelay $0x6  }
0x92: {  	s5 =	spop (v2sf)  }
0x93: {  	s0 =	sadd.s32 s5, s0  }
0x94: {  	s0 =	sadd.s32 $0x80000000, s0;
	s31 =	spop (v2sf)  }
0x95: {  	v21, _, _ =	vpop (xrf2);
	s5 =	sadd.s32 s31, s0  }
0x96: {  	v21 =	vadd.f32 v21, v22;
	s28 =	sadd.s32 $0x80000000, s5  }
0x97: {  	s29 =	sadd.s32 $0x7F, s28  }
0x98: {  	v22 =	vor.u32 s1, v1;
	[tilespmem:s30+$0x0] =	vst v21;
	s30 =	sand.u32 $0x7F, s29  }
0x99: {  	v21 =	vmov s26;
	[tilespmem:s0+$0x10960] =	vst.msk vm15, v22;
	s31 =	sshra.s32 s29, $0x1F;
	p2 =	slt.s32 s29, $0x1;
	p1 =	sne.s32 s30, $0x0  }
0x9a: {  	[tilespmem:s28+$0x10960] =	vst v21;
	s26 =	sshrl.u32 s31, $0x19;
	p1 =	por !p2, !p1  }
0x9b: {  	[tilespmem:s28+$0x10970] =	vst v21;
	s0 =	sadd.s32 s26, s29;
	s26 =	simm.s32 $0x1;
	p1 =	por !p1, !p1  }
0x9c: {  	[tilespmem:s28+$0x10980] =	vst v21;
	s0 =	sshra.s32 s0, $0x7;
	s26 =	simm.s32 @!p1 $0x0  }
0x9d: {  	[tilespmem:s28+$0x10990] =	vst v21;
	s26 =	ssub.s32 s0, s26  }
0x9e: {  	[tilespmem:s28+$0x109A0] =	vst v21;
	p1 =	sgt.s32 s26, $0x0  }
.Ltmp7:
0x9f: {  	[tilespmem:s28+$0x109B0] =	vst v21;
	(pc) =	sbr.rel @!p1 .LBB2_12-.Ltmp7, $4  }
0xa0: {  	[tilespmem:s28+$0x109C0] =	vst v21  }
0xa1: {  	[tilespmem:s28+$0x109D0] =	vst v21  }
0xa2: {  	[tilespmem:s28+$0x109E0] =	vst v21  }
0xa3: {  	[tilespmem:s28+$0x109F0] =	vst v21;
	s28 =	simm.s32 $0x0  }
.LBB2_11:
0xa4: {  	v21 =	vor.u32 s28, v1;
	_ =	sdelay $0x2  }
0xa5: {  	v22 =	vor.u32 s28, v5;
	_ =	sdelay $0x1  }
0xa6: {  	v21 =	vld.idx.msk [tilespmem:v21+s20+$0x0], $0xffff;
	_ =	sdelay $0x2  }
0xa7: {  	v22 =	vld.idx.msk [tilespmem:v22+s20+$0x0], $0xffff;
	_ =	sdelay $0x3  }
0xa8: {  	v24 =	vadd.s32 $0xFFFFFFFF, v21  }
0xa9: {  	v25 =	vadd.s32 $0xFFFFFFFF, v22;
	vm0 =	vgt.s32 v24, $0x0;
	v23 =	vld.idx.msk [tilespmem:v21+s18+$0x0], $0xffff  }
0xaa: {  	vm5 =	vgt.s32 v25, $0x0;
	v24 =	vnsel vm0, $0x0, v24  }
0xab: {  	v25 =	vnsel vm5, $0x0, v25  }
0xac: {  	v22 =	vsub.s32 v22, v21  }
0xad: {  	[tilespmem:$0x18560] =	vst v22  }
0xae: {  	[tilespmem:$0x184E0] =	vst v23  }
0xaf: {  	v22 =	vld.idx.msk [tilespmem:v24+s19+$0x0], $0xffff  }
0xb0: {  	v23 =	vld.idx.msk [tilespmem:v25+s19+$0x0], $0xffff;
	_ =	sdelay $0x2  }
0xb1: {  	vm6 =	veq.s32 v21, $0x0  }
0xb2: {  	v21 =	vor.u32 s28, v6;
	v22 =	vsel vm6, $0x0, v22  }
0xb3: {  	v22 =	vsub.f32 v23, v22;
	_ =	sdelay $0x1  }
0xb4: {  	[tilespmem:$0x185E0] =	vst v22;
	v22 =	vor.u32 s28, v7;
	_ =	sdelay $0x1  }
0xb5: {  	v21 =	vld.idx.msk [tilespmem:v21+s20+$0x0], $0xffff;
	_ =	sdelay $0x2  }
0xb6: {  	v22 =	vld.idx.msk [tilespmem:v22+s20+$0x0], $0xffff;
	_ =	sdelay $0x3  }
0xb7: {  	v50 =	vadd.s32 $0xFFFFFFFF, v21  }
0xb8: {  	vm7 =	vgt.s32 v50, $0x0;
	v23 =	vld.idx.msk [tilespmem:v21+s18+$0x0], $0xffff;
	v51 =	vadd.s32 $0xFFFFFFFF, v22  }
0xb9: {  	v24 =	vnsel vm7, $0x0, v50;
	vm8 =	vgt.s32 v51, $0x0  }
0xba: {  	v25 =	vnsel vm8, $0x0, v51  }
0xbb: {  	v22 =	vsub.s32 v22, v21  }
0xbc: {  	[tilespmem:$0x18570] =	vst v22  }
0xbd: {  	[tilespmem:$0x184F0] =	vst v23  }
0xbe: {  	v22 =	vld.idx.msk [tilespmem:v24+s19+$0x0], $0xffff  }
0xbf: {  	v23 =	vld.idx.msk [tilespmem:v25+s19+$0x0], $0xffff;
	_ =	sdelay $0x2  }
0xc0: {  	vm9 =	veq.s32 v21, $0x0  }
0xc1: {  	v21 =	vor.u32 s28, v8;
	v22 =	vsel vm9, $0x0, v22  }
0xc2: {  	v22 =	vsub.f32 v23, v22;
	_ =	sdelay $0x1  }
0xc3: {  	[tilespmem:$0x185F0] =	vst v22;
	v22 =	vor.u32 s28, v9;
	_ =	sdelay $0x1  }
0xc4: {  	v21 =	vld.idx.msk [tilespmem:v21+s20+$0x0], $0xffff;
	_ =	sdelay $0x2  }
0xc5: {  	v22 =	vld.idx.msk [tilespmem:v22+s20+$0x0], $0xffff;
	_ =	sdelay $0x3  }
0xc6: {  	v52 =	vadd.s32 $0xFFFFFFFF, v21  }
0xc7: {  	vm10 =	vgt.s32 v52, $0x0;
	v23 =	vld.idx.msk [tilespmem:v21+s18+$0x0], $0xffff;
	v53 =	vadd.s32 $0xFFFFFFFF, v22  }
0xc8: {  	v24 =	vnsel vm10, $0x0, v52;
	vm11 =	vgt.s32 v53, $0x0  }
0xc9: {  	v25 =	vnsel vm11, $0x0, v53  }
0xca: {  	v22 =	vsub.s32 v22, v21  }
0xcb: {  	[tilespmem:$0x18580] =	vst v22  }
0xcc: {  	[tilespmem:$0x18500] =	vst v23  }
0xcd: {  	v22 =	vld.idx.msk [tilespmem:v24+s19+$0x0], $0xffff  }
0xce: {  	v23 =	vld.idx.msk [tilespmem:v25+s19+$0x0], $0xffff;
	_ =	sdelay $0x2  }
0xcf: {  	vm12 =	veq.s32 v21, $0x0  }
0xd0: {  	v21 =	vor.u32 s28, v10;
	v22 =	vsel vm12, $0x0, v22  }
0xd1: {  	v22 =	vsub.f32 v23, v22;
	_ =	sdelay $0x1  }
0xd2: {  	[tilespmem:$0x18600] =	vst v22;
	v22 =	vor.u32 s28, v11;
	_ =	sdelay $0x1  }
0xd3: {  	v21 =	vld.idx.msk [tilespmem:v21+s20+$0x0], $0xffff;
	_ =	sdelay $0x2  }
0xd4: {  	v22 =	vld.idx.msk [tilespmem:v22+s20+$0x0], $0xffff;
	_ =	sdelay $0x3  }
0xd5: {  	v54 =	vadd.s32 $0xFFFFFFFF, v21  }
0xd6: {  	vm13 =	vgt.s32 v54, $0x0;
	v23 =	vld.idx.msk [tilespmem:v21+s18+$0x0], $0xffff;
	v55 =	vadd.s32 $0xFFFFFFFF, v22  }
0xd7: {  	v24 =	vnsel vm13, $0x0, v54;
	vm14 =	vgt.s32 v55, $0x0  }
0xd8: {  	v25 =	vnsel vm14, $0x0, v55  }
0xd9: {  	v22 =	vsub.s32 v22, v21  }
0xda: {  	[tilespmem:$0x18590] =	vst v22  }
0xdb: {  	[tilespmem:$0x18510] =	vst v23  }
0xdc: {  	v22 =	vld.idx.msk [tilespmem:v24+s19+$0x0], $0xffff  }
0xdd: {  	v23 =	vld.idx.msk [tilespmem:v25+s19+$0x0], $0xffff;
	_ =	sdelay $0x2  }
0xde: {  	vm15 =	veq.s32 v21, $0x0  }
0xdf: {  	v21 =	vor.u32 s28, v12;
	v22 =	vsel vm15, $0x0, v22  }
0xe0: {  	v22 =	vsub.f32 v23, v22;
	_ =	sdelay $0x1  }
0xe1: {  	[tilespmem:$0x18610] =	vst v22;
	v22 =	vor.u32 s28, v13;
	_ =	sdelay $0x1  }
0xe2: {  	v21 =	vld.idx.msk [tilespmem:v21+s20+$0x0], $0xffff;
	_ =	sdelay $0x2  }
0xe3: {  	v22 =	vld.idx.msk [tilespmem:v22+s20+$0x0], $0xffff;
	_ =	sdelay $0x3  }
0xe4: {  	v56 =	vadd.s32 $0xFFFFFFFF, v21  }
0xe5: {  	vm4 =	vgt.s32 v56, $0x0;
	v23 =	vld.idx.msk [tilespmem:v21+s18+$0x0], $0xffff;
	v57 =	vadd.s32 $0xFFFFFFFF, v22  }
0xe6: {  	v24 =	vnsel vm4, $0x0, v56;
	vm5 =	vgt.s32 v57, $0x0  }
0xe7: {  	v25 =	vnsel vm5, $0x0, v57  }
0xe8: {  	v22 =	vsub.s32 v22, v21  }
0xe9: {  	[tilespmem:$0x185A0] =	vst v22  }
0xea: {  	[tilespmem:$0x18520] =	vst v23  }
0xeb: {  	v22 =	vld.idx.msk [tilespmem:v24+s19+$0x0], $0xffff  }
0xec: {  	v23 =	vld.idx.msk [tilespmem:v25+s19+$0x0], $0xffff;
	_ =	sdelay $0x2  }
0xed: {  	vm6 =	veq.s32 v21, $0x0  }
0xee: {  	v21 =	vor.u32 s28, v14;
	v22 =	vsel vm6, $0x0, v22  }
0xef: {  	v22 =	vsub.f32 v23, v22;
	_ =	sdelay $0x1  }
0xf0: {  	[tilespmem:$0x18620] =	vst v22;
	v22 =	vor.u32 s28, v15;
	_ =	sdelay $0x1  }
0xf1: {  	v21 =	vld.idx.msk [tilespmem:v21+s20+$0x0], $0xffff;
	_ =	sdelay $0x2  }
0xf2: {  	v22 =	vld.idx.msk [tilespmem:v22+s20+$0x0], $0xffff;
	_ =	sdelay $0x3  }
0xf3: {  	v58 =	vadd.s32 $0xFFFFFFFF, v21  }
0xf4: {  	vm7 =	vgt.s32 v58, $0x0;
	v23 =	vld.idx.msk [tilespmem:v21+s18+$0x0], $0xffff;
	v59 =	vadd.s32 $0xFFFFFFFF, v22  }
0xf5: {  	v24 =	vnsel vm7, $0x0, v58;
	vm8 =	vgt.s32 v59, $0x0  }
0xf6: {  	v25 =	vnsel vm8, $0x0, v59  }
0xf7: {  	v22 =	vsub.s32 v22, v21  }
0xf8: {  	[tilespmem:$0x185B0] =	vst v22  }
0xf9: {  	[tilespmem:$0x18530] =	vst v23  }
0xfa: {  	v22 =	vld.idx.msk [tilespmem:v24+s19+$0x0], $0xffff  }
0xfb: {  	v23 =	vld.idx.msk [tilespmem:v25+s19+$0x0], $0xffff;
	_ =	sdelay $0x2  }
0xfc: {  	vm9 =	veq.s32 v21, $0x0  }
0xfd: {  	v21 =	vor.u32 s28, v16;
	v22 =	vsel vm9, $0x0, v22  }
0xfe: {  	v22 =	vsub.f32 v23, v22;
	_ =	sdelay $0x1  }
0xff: {  	[tilespmem:$0x18630] =	vst v22;
	v22 =	vor.u32 s28, v17;
	_ =	sdelay $0x1  }
0x100: {  	v21 =	vld.idx.msk [tilespmem:v21+s20+$0x0], $0xffff;
	_ =	sdelay $0x2  }
0x101: {  	v22 =	vld.idx.msk [tilespmem:v22+s20+$0x0], $0xffff;
	_ =	sdelay $0x3  }
0x102: {  	v60 =	vadd.s32 $0xFFFFFFFF, v21  }
0x103: {  	vm10 =	vgt.s32 v60, $0x0;
	v23 =	vld.idx.msk [tilespmem:v21+s18+$0x0], $0xffff;
	v61 =	vadd.s32 $0xFFFFFFFF, v22  }
0x104: {  	v24 =	vnsel vm10, $0x0, v60;
	vm11 =	vgt.s32 v61, $0x0  }
0x105: {  	v25 =	vnsel vm11, $0x0, v61  }
0x106: {  	v22 =	vsub.s32 v22, v21  }
0x107: {  	[tilespmem:$0x185C0] =	vst v22  }
0x108: {  	[tilespmem:$0x18540] =	vst v23  }
0x109: {  	v22 =	vld.idx.msk [tilespmem:v24+s19+$0x0], $0xffff  }
0x10a: {  	v23 =	vld.idx.msk [tilespmem:v25+s19+$0x0], $0xffff;
	_ =	sdelay $0x2  }
0x10b: {  	vm12 =	veq.s32 v21, $0x0  }
0x10c: {  	v21 =	vor.u32 s28, v18;
	v22 =	vsel vm12, $0x0, v22  }
0x10d: {  	v22 =	vsub.f32 v23, v22;
	v23 =	vadd.s32 s28, v19  }
0x10e: {  	v23 =	vand.u32 $0xFFFFFF80, v23  }
0x10f: {  	[tilespmem:$0x18640] =	vst v22;
	v22 =	vor.u32 v20, v23;
	_ =	sdelay $0x1  }
0x110: {  	v21 =	vld.idx.msk [tilespmem:v21+s20+$0x0], $0xffff;
	_ =	sdelay $0x2  }
0x111: {  	v22 =	vld.idx.msk [tilespmem:v22+s20+$0x0], $0xffff;
	_ =	sdelay $0x3  }
0x112: {  	v62 =	vadd.s32 $0xFFFFFFFF, v21  }
0x113: {  	vm13 =	vgt.s32 v62, $0x0;
	v23 =	vld.idx.msk [tilespmem:v21+s18+$0x0], $0xffff;
	v63 =	vadd.s32 $0xFFFFFFFF, v22  }
0x114: {  	v24 =	vnsel vm13, $0x0, v62;
	vm14 =	vgt.s32 v63, $0x0  }
0x115: {  	v25 =	vnsel vm14, $0x0, v63  }
0x116: {  	v22 =	vsub.s32 v22, v21  }
0x117: {  	[tilespmem:$0x185D0] =	vst v22  }
0x118: {  	[tilespmem:$0x18550] =	vst v23  }
0x119: {  	v22 =	vld.idx.msk [tilespmem:v24+s19+$0x0], $0xffff  }
0x11a: {  	v23 =	vld.idx.msk [tilespmem:v25+s19+$0x0], $0xffff;
	_ =	sdelay $0x2  }
0x11b: {  	vm15 =	veq.s32 v21, $0x0  }
0x11c: {  	v21 =	vsel vm15, $0x0, v22  }
0x11d: {  	v21 =	vsub.f32 v23, v21;
	_ =	sdelay $0x1  }
0x11e: {  	[tilespmem:$0x18650] =	vst v21  }
0x11f: {  	[spmem:s2] =	stream.indirect.scatter.add.f32 [tilespmem:s23], [sflag:$0x2], $0x1, s22, s21, $0xb8;
	[tilespmem:$0x18660] =	vst v63  }
0x120: {  	_ =	swait.ge [sflag:s15], $0x80  }
0x121: {  	p1 =	sne.s32 s26, $0x1;
	[sflag:s15] =	ssyncset.done $0x0  }
.Ltmp8:
0x122: {  	[sflag:s15] =	ssyncadd.s32 $0xFFFFFF80;
	(pc) =	sbr.rel @p1 .LBB2_11-.Ltmp8, $4  }
0x123: {  	[spmem:s3] =	stream.indirect.scatter.add.s32 [tilespmem:s24], [sflag:$0x2], $0x1, s22, s21, $0xb8;
	[tilespmem:$0x18660] =	vst v63  }
0x124: {  	_ =	swait.ge [sflag:s15], $0x80  }
0x125: {  	[sflag:s15] =	ssyncset.done $0x0  }
0x126: {  	s26 =	sadd.s32 $0xFFFFFFFF, s26;
	s28 =	sadd.s32 $0x80, s28;
	[sflag:s15] =	ssyncadd.s32 $0xFFFFFF80  }
.Ltmp9:
0x127: {  	_ = 	snop;
	(pc) =	sbr.rel .LBB2_12-.Ltmp9, $1  }
0x128: {  	_ =	sdelay $0x3  }
.LBB2_13:
0x129: {  	_ =	sfence.sel $0x180000  }
0x12a: {  	[bflag:$0x0] =	sbarrier.arrive $0xFFFF  }
0x12b: {  	_ =	strace $0x90000047  }
0x12c: {  	s0 =	stileid.u32;
	[bflag:$0x2] =	sbarrier.arrive $0xFFFF  }
0x12d: {  	p0 =	sne.s32 s0, $0x0;
	s0 =	rddreg [dreg:$0x5]  }
0x12e: {  	s0 =	sadd.s32 @!p0 $0x100000, s0  }
0x12f: {  	[sflag:s0] =	ssyncadd.tile.s32 @!p0 $0x1;
	_ =	shalt  }
.Lfunc_end2:
_tile_overlayer_lowered:
.L_overlay_start_2:
0x130: {  	(tag) =	ssettag $0x2  }
0x131: {  	s0 =	rddreg [dreg:$0x0];
	s2 =	stileid.u32  }
0x132: {  	s1 =	rddreg [dreg:$0x1];
	p0 =	sne.s32 s2, $0x0  }
0x133: {  	s3 =	rddreg [dreg:$0x2];
	[bflag:$0x3] =	sbarrier.arrive $0xFFFF;
	s2 =	simm.s32 @!p0 $0x1C02  }
0x134: {  	[timem:s3], [sflag:s2] =	dma.local @!p0 [hbm:s0], s1  }
0x135: {  	s0 =	simm.s32 @!p0 $0x2  }
0x136: {  	_ =	swait.ge @!p0 [sflag:s0], s1  }
0x137: {  	s1 =	ssub.s32 @!p0 $0x0, s1;
	[sflag:s0] =	ssyncset.done @!p0 $0x0  }
0x138: {  	[sflag:s0] =	ssyncadd.s32 @!p0 s1  }
0x139: {  	[bflag:$0x3] =	sbarrier.arrive $0xFFFF  }
0x13a: {  	_ =	shalt  }

// kernel: kernel.7.cloned.1.call-start
scs
__scs_entry_jumppad:
0x0: {  	(pc) =	sbr.rel $0x88, $3  }
0x1: {  	(tag) =	ssettag $0x0;
	lr =	simm.s32 $0x1  }
0x2: {  	[smem:$0x3F9E] =	sst lr;
	_ =	strace $0xD0000000  }
0x3: {  	_ = 	snop  }
0x4: {  	_ = 	snop  }
0x5: {  	_ = 	snop  }
0x6: {  	_ = 	snop  }
0x7: {  	_ = 	snop  }
__scs_overlays_trampoline_lowered:
0x8: {  	[smem:$0x3FAD] =	sst s0  }
0x9: {  	[smem:$0x3FAE] =	sst s1  }
0xa: {  	[smem:$0x3FAF] =	sst s2  }
0xb: {  	[smem:$0x3FB0] =	sst s3  }
0xc: {  	[smem:$0x3FB1] =	sst s4  }
0xd: {  	[smem:$0x3FB2] =	sst s5  }
0xe: {  	[smem:$0x3FB3] =	sst s6  }
0xf: {  	[smem:$0x3FB4] =	sst s7  }
0x10: {  	[smem:$0x3FB5] =	sst s8  }
0x11: {  	[smem:$0x3FB6] =	sst s9;
	s0 =	simm.s32 @!p0 $0x0  }
0x12: {  	s1 =	sld [smem:$0x3F9C];
	s0 =	simm.s32 @p0 $0x1  }
0x13: {  	[smem:$0x3FB7] =	sst s0;
	s0 =	simm.s32 @!p1 $0x0  }
0x14: {  	s2 =	sld [smem:$0x3F9B];
	s0 =	simm.s32 @p1 $0x1  }
0x15: {  	[smem:$0x3FB8] =	sst s0;
	s0 =	simm.s32 @!p2 $0x0  }
0x16: {  	s3 =	sld [smem:$0x3FDB];
	s0 =	simm.s32 @p2 $0x1  }
0x17: {  	s4 =	simm.s32 $0x1BF5;
	[smem:$0x3FBA] =	sst s0  }
0x18: {  	s0 =	sld [smem:$0x3F9D];
	_ =	swait.ge [sflag:s4], $0x0  }
0x19: {  	s7 =	sld [smem:$0x3F9E]  }
0x1a: {  	s8 =	sadd.s32 $0xFFFFE003, lr  }
0x1b: {  	s9 =	sadd.s32 $0xFFFFFEF7, lr;
	s5 =	simm.s32 $0xFFFFFFFF;
	p2 =	slt.u32 s8, $0xFFFFF086  }
0x1c: {  	p1 =	slt.u32 s9, $0xF7A;
	s5 =	simm.s32 @!p2 $0x0  }
0x1d: {  	s5 =	simm.s32 @p1 $0x1;
	p0 =	seq.s32 s7, s2  }
0x1e: {  	s7 =	smul.u32 @!p0 $0xF7A, s2;
	p2 =	seq.s32 @!p0 s5, $0x0  }
0x1f: {  	s9 =	smul.u32 $0xF7A, s1;
	s8 =	simm.s32 @!p0 $0x1BF5;
	p2 =	por !p2, p0  }
0x20: {  	[sflag:s8] =	ssyncset.s32 @!p0 $0xFFFFF086;
	s6 =	sadd.s32 @!p0 s3, s7;
	s7 =	simm.s32 @!p0 $0x108  }
0x21: {  	s3 =	sadd.s32 s3, s9;
	s6 =	sadd.s32 @!p0 $0x88, s6;
	s7 =	simm.s32 @p2 $0x1082  }
0x22: {  	[simem:s7], [sflag:s8] =	dma.local @!p0 [hbm:s6], $0xF7A  }
0x23: {  	s9 =	sor.u32 $0xD0000000, s2;
	s6 =	simm.s32 $0x108;
	_ =	swait.ge @!p0 [sflag:s8], $0x0  }
0x24: {  	s3 =	sadd.s32 $0x88, s3;
	s6 =	simm.s32 @!p1 $0x1082;
	[sflag:s4] =	ssyncset.s32 $0xFFFFF086  }
0x25: {  	[simem:s6], [sflag:s4] =	dma.local [hbm:s3], $0xF7A  }
0x26: {  	[smem:$0x3F9E] =	sst s1;
	(tag) =	ssettag s2;
	_ =	strace s9  }
0x27: {  	s1 =	sld [smem:$0x3FAE]  }
0x28: {  	s2 =	sld [smem:$0x3FAF]  }
0x29: {  	s4 =	sld [smem:$0x3FB1]  }
0x2a: {  	p0 =	seq.s32 s5, $0x0;
	s5 =	sld [smem:$0x3FB2]  }
0x2b: {  	s6 =	sld [smem:$0x3FB3]  }
0x2c: {  	s7 =	sld [smem:$0x3FB4]  }
0x2d: {  	s3 =	simm.s32 $0x108;
	s8 =	sld [smem:$0x3FB5]  }
0x2e: {  	s3 =	simm.s32 @!p0 $0x1082;
	s9 =	sld [smem:$0x3FB6]  }
0x2f: {  	lr =	sadd.s32 s0, s3;
	s0 =	sld [smem:$0x3FAD]  }
0x30: {  	s3 =	sld [smem:$0x3FB0]  }
0x31: {  	[smem:$0x3FB9] =	sst s10  }
0x32: {  	s10 =	sld [smem:$0x3FB7];
	_ =	sdelay $0x3  }
0x33: {  	p0 =	seq.s32 s10, $0x1;
	s10 =	sld [smem:$0x3FB9];
	_ =	sdelay $0x3  }
0x34: {  	[smem:$0x3FB9] =	sst s10  }
0x35: {  	s10 =	sld [smem:$0x3FB8];
	_ =	sdelay $0x3  }
0x36: {  	p1 =	seq.s32 s10, $0x1;
	s10 =	sld [smem:$0x3FB9];
	_ =	sdelay $0x3  }
0x37: {  	[smem:$0x3FB9] =	sst s10  }
0x38: {  	s10 =	sld [smem:$0x3FBA]  }
0x39: {  	_ = 	snop;
	(pc) =	sbr.ind lr, $3  }
0x3a: {  	_ = 	snop  }
0x3b: {  	_ = 	snop  }
0x3c: {  	p2 =	seq.s32 s10, $0x1;
	s10 =	sld [smem:$0x3FB9]  }
0x3d: {  	_ =	shalt  }
0x3e: {  	_ =	shalt  }
0x3f: {  	_ =	shalt  }
0x40: {  	_ =	shalt  }
0x41: {  	_ =	shalt  }
0x42: {  	_ =	shalt  }
0x43: {  	_ =	shalt  }
0x44: {  	_ =	shalt  }
0x45: {  	_ =	shalt  }
0x46: {  	_ =	shalt  }
0x47: {  	_ =	shalt  }
0x48: {  	_ =	shalt  }
0x49: {  	_ =	shalt  }
0x4a: {  	_ =	shalt  }
0x4b: {  	_ =	shalt  }
0x4c: {  	_ =	shalt  }
0x4d: {  	_ =	shalt  }
0x4e: {  	_ =	shalt  }
0x4f: {  	_ =	shalt  }
0x50: {  	_ =	shalt  }
0x51: {  	_ =	shalt  }
0x52: {  	_ =	shalt  }
0x53: {  	_ =	shalt  }
0x54: {  	_ =	shalt  }
0x55: {  	_ =	shalt  }
0x56: {  	_ =	shalt  }
0x57: {  	_ =	shalt  }
0x58: {  	_ =	shalt  }
0x59: {  	_ =	shalt  }
0x5a: {  	_ =	shalt  }
0x5b: {  	_ =	shalt  }
0x5c: {  	_ =	shalt  }
0x5d: {  	_ =	shalt  }
0x5e: {  	_ =	shalt  }
0x5f: {  	_ =	shalt  }
0x60: {  	_ =	shalt  }
0x61: {  	_ =	shalt  }
0x62: {  	_ =	shalt  }
0x63: {  	_ =	shalt  }
0x64: {  	_ =	shalt  }
0x65: {  	_ =	shalt  }
0x66: {  	_ =	shalt  }
0x67: {  	_ =	shalt  }
0x68: {  	_ =	shalt  }
0x69: {  	_ =	shalt  }
0x6a: {  	_ =	shalt  }
0x6b: {  	_ =	shalt  }
0x6c: {  	_ =	shalt  }
0x6d: {  	_ =	shalt  }
0x6e: {  	_ =	shalt  }
0x6f: {  	_ =	shalt  }
0x70: {  	_ =	shalt  }
0x71: {  	_ =	shalt  }
0x72: {  	_ =	shalt  }
0x73: {  	_ =	shalt  }
0x74: {  	_ =	shalt  }
0x75: {  	_ =	shalt  }
0x76: {  	_ =	shalt  }
0x77: {  	_ =	shalt  }
0x78: {  	_ =	shalt  }
0x79: {  	_ =	shalt  }
0x7a: {  	_ =	shalt  }
0x7b: {  	_ =	shalt  }
0x7c: {  	_ =	shalt  }
0x7d: {  	_ =	shalt  }
0x7e: {  	_ =	shalt  }
0x7f: {  	_ =	shalt  }
0x80: {  	_ =	shalt  }
0x81: {  	_ =	shalt  }
0x82: {  	_ =	shalt  }
0x83: {  	_ =	shalt  }
0x84: {  	_ =	shalt  }
0x85: {  	_ =	shalt  }
0x86: {  	_ =	shalt  }
0x87: {  	_ =	shalt  }
.Lfunc_end0:
.L_simem_size_0:
called_computation.1_lowered:
.L_overlay_start_0:
0x88: {  	s2 =	sld [smem:$0x3FD9]  }
0x89: {  	s3 =	sld [smem:$0x3FFE];
	_ =	sdelay $0x1  }
0x8a: {  	s1 =	srdreg.scid  }
0x8b: {  	s0 =	sand.u32 $0x1, s1  }
0x8c: {  	s17 =	sshll.u32 s0, $0xA;
	s2 =	sadd.s32 s3, s2  }
0x8d: {  	s2 =	sadd.s32 s2, s17  }
0x8e: {  	[smem:$0x3FC5] =	sst s2  }
0x8f: {  	_ = 	snop  }
0x90: {  	s2 =	sld [smem:$0x3FC7]  }
0x91: {  	s18 =	sld [smem:$0x3FD0];
	(tm) =	ssettm $0x1  }
0x92: {  	s4 =	sld [smem:$0x3FFB];
	_ =	sdelay $0x3  }
0x93: {  	_ =	strace s4  }
0x94: {  	s4 =	sld [smem:$0x3FFC];
	_ =	sdelay $0x3  }
0x95: {  	_ =	strace s4  }
0x96: {  	s4 =	sld [smem:$0x3FFD];
	_ =	sdelay $0x3  }
0x97: {  	_ =	strace s4  }
0x98: {  	_ =	strace $0x8FFFFFFF  }
0x99: {  	s19 =	sld [smem:$0x3FDB];
	_ =	sdelay $0x1  }
0x9a: {  	s5 =	simm.s32 $_scs_section_size  }
0x9b: {  	s6 =	simm.s32 $_size__tile_overlayer_lowered;
	s7 =	simm.s32 $_tile_overlayer_lowered  }
0x9c: {  	s22 =	simm.s32 $0x1BFF;
	s21 =	sshll.u32 s7, $0x1;
	s4 =	sadd.s32 s5, s19  }
0x9d: {  	s8 =	simm.s32 $0x0;
	s20 =	sshll.u32 s6, $0x1;
	s6 =	sadd.s32 s21, s4  }
0x9e: {  	[timem:s8], [sflag:s22] =	dma.local [hbm:s6], s20  }
0x9f: {  	_ =	swait.ge [sflag:s22], s20  }
0xa0: {  	s5 =	ssub.s32 $0x0, s20;
	[sflag:s22] =	ssyncset.done $0x0  }
0xa1: {  	[sflag:s22] =	ssyncadd.s32 s5;
	_ =	sdelay $0x1  }
0xa2: {  	s23 =	simm.s32 $0x1B8B  }
0xa3: {  	_ =	swait.ge [sflag:s23], $0x1  }
0xa4: {  	[sflag:s23] =	ssyncset.done $0x0  }
0xa5: {  	s25 =	simm.s32 $0x1B8E;
	s24 =	sld [smem:$0x3FFE];
	[sflag:s23] =	ssyncadd.s32 $0xFFFFFFFF  }
0xa6: {  	s26 =	simm.s32 $execute0_lowered;
	[smem:$0x3FD2] =	sst s25  }
0xa7: {  	s6 =	sshll.u32 s26, $0x1;
	_ =	strace $0x80000049;
	[dreg:$0x1] =	wrdreg $0xFFFFFFFF  }
0xa8: {  	s28 =	simm.s32 $_size_execute0_lowered;
	s4 =	sadd.s32 s4, s6;
	[dreg:$0x0] =	wrdreg $0x0  }
0xa9: {  	s6 =	sshll.u32 s28, $0x1;
	[dreg:$0x2] =	wrdreg s4  }
0xaa: {  	[dreg:$0x3] =	wrdreg s6  }
0xab: {  	[dreg:$0x4] =	wrdreg $0xC0  }
0xac: {  	_ =	task [dreg:s8], $0x5FFFF  }
0xad: {  	[dreg:$0x1] =	wrdreg $0xFFFFFFFF  }
0xae: {  	[dreg:$0x0] =	wrdreg $0x60  }
0xaf: {  	[dreg:$0x2] =	wrdreg s2  }
0xb0: {  	[dreg:$0x3] =	wrdreg s24  }
0xb1: {  	[dreg:$0x4] =	wrdreg s18  }
0xb2: {  	[dreg:$0x5] =	wrdreg $0x0  }
0xb3: {  	[dreg:$0x6] =	wrdreg $0x9  }
0xb4: {  	_ =	task.clear_ibuf [dreg:s8], $0x7FFFF;
	_ =	strace $0x90000049  }
0xb5: {  	s29 =	simm.s32 $0x9;
	_ =	strace $0x8000004B  }
0xb6: {  	_ =	swait.ge [sflag:s29], $0x1  }
0xb7: {  	[sflag:s29] =	ssyncadd.s32 $0xFFFFFFFF  }
0xb8: {  	_ =	strace $0x9000004B  }
0xb9: {  	_ =	sfence  }
0xba: {  	s30 =	sld [smem:$0x0];
	_ =	sdelay $0x2  }
0xbb: {  	s31 =	sshll.u32 s1, $0xD;
	s1 =	sshrl.u32 s1, $0x2  }
0xbc: {  	s3 =	sand.u32 $0x4000, s31;
	s1 =	sadd.s32 s1, s30  }
0xbd: {  	s0 =	sor.u32 s3, s0;
	s1 =	sshll.u32 s1, $0x11  }
0xbe: {  	s0 =	sor.u32 s1, s0  }
0xbf: {  	s0 =	sadd.s32 $0x8F2B, s0  }
0xc0: {  	[sflag:s0] =	ssyncadd.remote.s32 $0x1  }
0xc1: {  	_ =	sfence.sel $0xFFFF  }
0xc2: {  	[dreg:$0x0] =	wrdreg $0xFFFFFFFF;
	(pc) =	sbr.abs _section_cstart, $3  }
0xc3: {  	[dreg:$0x1] =	wrdreg $0xFFFFFFFF  }
0xc4: {  	_ =	task.clear_ibuf [dreg:s8], $0x2FFFF;
	_ =	strace $0x9FFFFFFF  }
0xc5: {  	(tm) =	ssettm $0x7FFFFFFF  }
tec
execute0_lowered:
.L_overlay_start_1:
0x0: {  	(tag) =	ssettag $0x1  }
0x1: {  	s6 =	rddreg [dreg:$0x0]  }
0x2: {  	s15 =	rddreg [dreg:$0x1]  }
0x3: {  	s9 =	rddreg [dreg:$0x2]  }
0x4: {  	s2 =	rddreg [dreg:$0x3]  }
0x5: {  	s0 =	rddreg [dreg:$0x4]  }
0x6: {  	s3 =	simm.s32 $0x0;
	s1 =	stileid.u32;
	s4 =	srdreg.scid  }
0x7: {  	s19 =	simm.s32 $0x14DF0;
	s20 =	simm.s32 $0x152F0;
	s21 =	simm.s32 $0x157F0  }
0x8: {  	s22 =	simm.s32 $0x161F0;
	s23 =	simm.s32 $0x1;
	s24 =	simm.s32 $0xF9F0  }
0x9: {  	s25 =	simm.s32 $0x0;
	[smem:$0x7FF] =	sst s3;
	s13 =	smul.u32 $0x4F0, s1  }
0xa: {  	s4 =	sand.u32 $0x1, s4;
	s5 =	sshll.u32 s1, $0x1;
	s11 =	sadd.s32 $0x1EE00, s15  }
0xb: {  	p1 =	seq.s32 s1, $0xF;
	_ =	strace $0x8000004A;
	s17 =	sor.u32 s4, s5  }
0xc: {  	s4 =	ssub.s32 $0x2, s4;
	s10 =	sshrl.u32 s13, $0x3;
	s5 =	smul.u32 $0xF50, s17  }
0xd: {  	s7 =	sshrl.u32 s4, $0x1;
	s13 =	sadd.s32 s13, s2;
	p0 =	seq.s32 s17, $0x1F  }
0xe: {  	s17 =	simm.s32 $0x148F0;
	s12 =	sadd.s32 s10, s15;
	s16 =	ssub.s32 s4, s7  }
0xf: {  	s18 =	sadd.s32 $0x9E0, s10;
	s7 =	sadd.s32 $0x1DEB0, s15;
	s8 =	sadd.s32 s9, s10  }
0x10: {  	s10 =	sadd.s32 s11, s10;
	s14 =	sadd.s32 s5, s15;
	s4 =	sadd.s32 s6, s5  }
0x11: {  	s6 =	sadd.s32 $0x1DAB0, s6;
	s9 =	sadd.s32 s9, s18;
	s11 =	sadd.s32 s11, s18  }
0x12: {  	s12 =	sadd.s32 $0x20200, s12;
	s15 =	sadd.s32 $0x3E6B0, s15;
	s16 =	smax.u32 s16, $0x1  }
0x13: {  	v0 =	vimm.f32 $0.0e+00;
	s18 =	simm.s32 $0x2;
	s5 =	sadd.s32 $0x400, s14;
	s14 =	sadd.s32 $0x20C00, s14  }
.LBB2_1:
0x14: {  	s26 =	simm.s32 @p0 $0x0;
	s28 =	simm.s32 @p0 $0x4F0  }
0x15: {  	[tilespmem:s28], [sflag:$0x1] =	stream.linear.gather @p0 [hbm4b:s6+s26], $0x6CC0, $0x38;
	[tilespmem:$0x166F0] =	vst v63  }
0x16: {  	s28 =	simm.s32 @p0 $0x7F70  }
0x17: {  	[tilespmem:s28], [sflag:$0x1] =	stream.linear.gather @p0 [hbm4b:s7+s26], $0x6CC0, $0x38;
	[tilespmem:$0x166F0] =	vst v63  }
0x18: {  	s26 =	simm.s32 @!p0 $0x0;
	s28 =	simm.s32 @!p0 $0x4F0  }
0x19: {  	[tilespmem:s28], [sflag:$0x1] =	stream.linear.gather @!p0 [hbm4b:s4+s26], $0x7A80, $0x38;
	[tilespmem:$0x166F0] =	vst v63  }
0x1a: {  	s28 =	simm.s32 @!p0 $0x7F70  }
0x1b: {  	[tilespmem:s28], [sflag:$0x1] =	stream.linear.gather @!p0 [hbm4b:s5+s26], $0x7A80, $0x38;
	[tilespmem:$0x166F0] =	vst v63  }
0x1c: {  	_ = 	snop  }
0x1d: {  	[tilespmem:s17], [sflag:$0x2] =	stream.linear.gather [hbm4b:s8+s3], $0x4F0, $0x38;
	[tilespmem:$0x166F0] =	vst v63  }
0x1e: {  	_ =	swait.ge [sflag:s18], $0x4F0  }
0x1f: {  	[sflag:s18] =	ssyncset.done $0x0  }
0x20: {  	[sflag:s18] =	ssyncadd.s32 $0xFFFFFB10  }
0x21: {  	[tilespmem:s19], [sflag:$0x2] =	stream.linear.gather [hbm4b:s9+s3], $0x4F0, $0x38;
	[tilespmem:$0x166F0] =	vst v63  }
0x22: {  	_ =	swait.ge [sflag:s18], $0x4F0  }
0x23: {  	[sflag:s18] =	ssyncset.done $0x0  }
0x24: {  	[sflag:s18] =	ssyncadd.s32 $0xFFFFFB10  }
0x25: {  	[tilespmem:s20], [sflag:$0x2] =	stream.linear.gather [hbm4b:s10+s3], $0x4F0, $0x38;
	[tilespmem:$0x166F0] =	vst v63  }
0x26: {  	_ =	swait.ge [sflag:s18], $0x4F0  }
0x27: {  	[sflag:s18] =	ssyncset.done $0x0  }
0x28: {  	[sflag:s18] =	ssyncadd.s32 $0xFFFFFB10  }
0x29: {  	[tilespmem:s21], [sflag:$0x2] =	stream.linear.gather [hbm4b:s11+s3], $0x4F0, $0x38;
	[tilespmem:$0x166F0] =	vst v63  }
0x2a: {  	_ =	swait.ge [sflag:s18], $0x4F0  }
0x2b: {  	[sflag:s18] =	ssyncset.done $0x0  }
0x2c: {  	s26 =	simm.s32 @p1 $0x0;
	s28 =	simm.s32 @p1 $0x15CF0;
	[sflag:s18] =	ssyncadd.s32 $0xFFFFFB10  }
0x2d: {  	[tilespmem:s28], [sflag:$0x2] =	stream.linear.gather @p1 [hbm4b:s12+s26], $0x410, $0x38;
	[tilespmem:$0x166F0] =	vst v63  }
0x2e: {  	s26 =	simm.s32 @p1 $0x2  }
0x2f: {  	_ =	swait.ge @p1 [sflag:s26], $0x410  }
0x30: {  	[sflag:s26] =	ssyncset.done @p1 $0x0  }
0x31: {  	s28 =	simm.s32 @!p1 $0x15CF0;
	[sflag:s26] =	ssyncadd.s32 @p1 $0xFFFFFBF0;
	s26 =	simm.s32 @!p1 $0x0  }
0x32: {  	[tilespmem:s28], [sflag:$0x2] =	stream.linear.gather @!p1 [hbm4b:s12+s26], $0x4F0, $0x38;
	[tilespmem:$0x166F0] =	vst v63  }
0x33: {  	s26 =	simm.s32 @!p1 $0x2  }
0x34: {  	_ =	swait.ge @!p1 [sflag:s26], $0x4F0  }
0x35: {  	[sflag:s26] =	ssyncset.done @!p1 $0x0  }
0x36: {  	s29 =	simm.s32 $0x0;
	[sflag:s26] =	ssyncadd.s32 @!p1 $0xFFFFFB10  }
0x37: {  	v1 =	vld [tilespmem:s29+$0x152F0]  }
0x38: {  	v2 =	vld [tilespmem:s29+$0x157F0];
	_ =	sdelay $0x1  }
0x39: {  	s26 =	simm.s32 $0x10  }
0x3a: {  	v4 =	vld [tilespmem:s26+$0x152F0]  }
0x3b: {  	v5 =	vld [tilespmem:s26+$0x157F0]  }
0x3c: {  	v1 =	vadd.s32 v1, v2  }
0x3d: {  	v1 =	vcvt.s32.f32 v1;
	_ =	sdelay $0x1  }
0x3e: {  	v6 =	vld [tilespmem:s29+$0x148F0];
	(erf) = vrcp.f32 v1  }
0x3f: {  	s28 =	simm.s32 $0x20;
	v7 =	vld [tilespmem:s29+$0x14DF0];
	v5 =	vadd.s32 v4, v5  }
0x40: {  	v3 =	vld [tilespmem:s28+$0x152F0];
	v5 =	vcvt.s32.f32 v5  }
0x41: {  	v2 =	vld [tilespmem:s29+$0x15CF0]  }
0x42: {  	v4 =	vld [tilespmem:s28+$0x157F0];
	(erf) = vrcp.f32 v5;
	_ =	sdelay $0x1  }
0x43: {  	v6 =	vadd.f32 v7, v6;
	v1 =	vld [tilespmem:s26+$0x148F0]  }
0x44: {  	s30 =	simm.s32 $0xC0;
	v5 =	vld [tilespmem:s26+$0x14DF0]  }
.LBB2_2:
0x45: {  	s31 =	sshra.s32 s30, $0x2;
	v6 =	vsub.f32 v2, v6;
	v2 =	vld [tilespmem:s26+$0x15CF0];
	p2 =	sne.s32 s30, $0x1380  }
.Ltmp0:
0x46: {  	s30 =	sadd.s32 $0x40, s30;
	v7 =	vadd.s32 v3, v4;
	v3 =	vld [tilespmem:s31+$0x152F0];
	v8 =	vpop (erf);
	(pc) =	sbr.rel @p2 .LBB2_2-.Ltmp0, $3  }
0x47: {  	v4 =	vld [tilespmem:s31+$0x157F0];
	v7 =	vcvt.s32.f32 v7;
	v8 =	vmul.f32 v8, v6;
	_ =	sdelay $0x1  }
0x48: {  	(erf) = vrcp.f32 v7;
	v6 =	vadd.f32 v5, v1;
	v1 =	vld [tilespmem:s28+$0x148F0];
	[tilespmem:s29+$0x161F0] =	vst v8;
	s29 =	smov.u32 s26;
	s26 =	smov.u32 s28;
	s28 =	smov.u32 s31  }
0x49: {  	v5 =	vld [tilespmem:s26+$0x14DF0]  }
0x4a: {  	v2 =	vsub.f32 v2, v6  }
0x4b: {  	v60 =	vpop (erf);
	v3 =	vadd.s32 v3, v4  }
0x4c: {  	v3 =	vcvt.s32.f32 v3;
	v2 =	vmul.f32 v60, v2  }
0x4d: {  	v61 =	vld [tilespmem:s26+$0x15CF0]  }
0x4e: {  	v62 =	vld [tilespmem:s28+$0x148F0];
	(erf) = vrcp.f32 v3;
	[tilespmem:s29+$0x161F0] =	vst v2  }
0x4f: {  	v2 =	vld [tilespmem:s28+$0x14DF0];
	_ =	sdelay $0x1  }
0x50: {  	v3 =	vld [tilespmem:s28+$0x15CF0];
	_ =	sdelay $0x1  }
0x51: {  	v1 =	vadd.f32 v5, v1  }
0x52: {  	v2 =	vadd.f32 v2, v62  }
0x53: {  	v1 =	vsub.f32 v61, v1  }
0x54: {  	v63 =	vpop (erf);
	v2 =	vsub.f32 v3, v2  }
0x55: {  	v1 =	vmul.f32 v63, v1;
	v3 =	vpop (erf)  }
0x56: {  	v2 =	vmul.f32 v3, v2  }
0x57: {  	[tilespmem:s26+$0x161F0] =	vst v1  }
0x58: {  	[tilespmem:s28+$0x161F0] =	vst v2  }
0x59: {  	[spmem:s13] =	stream.linear.scatter [tilespmem:s22], [sflag:$0x2], $0x4F0, $0x38;
	[tilespmem:$0x166F0] =	vst v63  }
.Ltmp1:
0x5a: {  	_ =	swait.ge [sflag:s18], $0x4F0;
	(pc) =	sbr.rel @!p0 .LBB2_4-.Ltmp1, $3  }
0x5b: {  	[sflag:s18] =	ssyncset.done $0x0  }
0x5c: {  	[sflag:s18] =	ssyncadd.s32 $0xFFFFFB10  }
0x5d: {  	[bflag:$0x0] =	sbarrier.arrive $0xFFFF;
	_ =	sdelay $0x1  }
0x5e: {  	_ =	swait.ge [sflag:s23], $0x6CC0  }
0x5f: {  	s26 =	simm.s32 $0x0;
	[sflag:s23] =	ssyncset.done $0x0  }
0x60: {  	v1 =	vmov s26;
	[sflag:s23] =	ssyncadd.s32 $0xFFFF9340  }
0x61: {  	v1 =	vadd.s32 $0x4E20, v1;
	_ =	swait.ge [sflag:s23], $0x6CC0  }
0x62: {  	v1 =	vbroadcast v1, $0x0;
	[sflag:s23] =	ssyncset.done $0x0  }
0x63: {  	s26 =	simm.s32 $0x71B0;
	[sflag:s23] =	ssyncadd.s32 $0xFFFF9340  }
0x64: {  	s28 =	simm.s32 $0xEC30;
	[tilespmem:s26+$0x0] =	vst v1  }
0x65: {  	s29 =	simm.s32 $0x1;
	[tilespmem:s28+$0x0] =	vst v0  }
.LBB2_6:
0x66: {  	v1 =	vmov s29;
	p2 =	sne.s32 s29, $0xDB  }
.Ltmp2:
0x67: {  	s29 =	sadd.s32 $0x1, s29;
	v1 =	vadd.s32 $0x4E20, v1;
	(pc) =	sbr.rel @p2 .LBB2_6-.Ltmp2, $4  }
0x68: {  	v1 =	vbroadcast v1, $0x0  }
0x69: {  	s26 =	sadd.s32 $0x10, s26  }
0x6a: {  	s28 =	sadd.s32 $0x10, s28;
	[tilespmem:s26+$0x0] =	vst v1  }
0x6b: {  	[tilespmem:s28+$0x0] =	vst v0  }
.Ltmp3:
0x6c: {  	(pc) =	sbr.rel .LBB2_8-.Ltmp3, $2  }
0x6d: {  	_ =	sdelay $0x2  }
0x6e: {  	s26 =	simm.s32 $0x6CB0  }
.LBB2_4:
0x6f: {  	_ =	swait.ge [sflag:s23], $0x7A80  }
0x70: {  	[sflag:s23] =	ssyncset.done $0x0  }
0x71: {  	[sflag:s23] =	ssyncadd.s32 $0xFFFF8580  }
0x72: {  	_ =	swait.ge [sflag:s23], $0x7A80  }
0x73: {  	[sflag:s23] =	ssyncset.done $0x0  }
0x74: {  	s26 =	simm.s32 $0x7A70;
	[sflag:s23] =	ssyncadd.s32 $0xFFFF8580  }
.LBB2_8:
0x75: {  	v1 =	vld [tilespmem:$0x4F0];
	_ =	sdelay $0x4  }
0x76: {  	(v2sf) =	vpush v1, $0x0;
	_ =	sdelay $0x1  }
0x77: {  	v1 =	vld [tilespmem:s26+$0x4F0];
	_ =	sdelay $0x4  }
0x78: {  	(v2sf) =	vpush v1, $0xF;
	_ =	sdelay $0x7  }
0x79: {  	s31 =	spop (v2sf)  }
0x7a: {  	s28 =	sand.u32 $0x7, s31  }
0x7b: {  	s29 =	sshra.s32 s31, $0x1F;
	p2 =	slt.s32 s31, $0x1;
	p3 =	sne.s32 s28, $0x0  }
0x7c: {  	s28 =	sshrl.u32 s29, $0x1D;
	p2 =	por !p2, !p3  }
0x7d: {  	s26 =	sadd.s32 s28, s31;
	s28 =	simm.s32 $0x1;
	p2 =	por !p2, !p2  }
0x7e: {  	s26 =	sshrl.u32 s26, $0x3;
	s28 =	simm.s32 @!p2 $0x0  }
0x7f: {  	s26 =	ssub.s32 s26, s28  }
0x80: {  	s30 =	spop (v2sf);
	s28 =	sshll.u32 s26, $0x3  }
0x81: {  	s26 =	ssub.s32 s30, s28  }
0x82: {  	s29 =	sadd.s32 $0x400, s26;
	s26 =	sand.u32 $0x3FF, s26  }
0x83: {  	s30 =	sshra.s32 s29, $0x1F;
	p5 =	slt.s32 s29, $0x1;
	p6 =	sne.s32 s26, $0x0  }
0x84: {  	s31 =	sshrl.u32 s30, $0x16;
	p2 =	por !p5, !p6  }
0x85: {  	s26 =	sadd.s32 s31, s29;
	p2 =	por !p2, !p2;
	s29 =	simm.s32 $0x1  }
0x86: {  	s26 =	sshra.s32 s26, $0xA;
	s29 =	simm.s32 @!p2 $0x0  }
0x87: {  	s29 =	ssub.s32 s26, s29  }
0x88: {  	p2 =	slt.s32 s29, $0x1  }
.Ltmp4:
0x89: {  	_ = 	snop;
	(pc) =	sbr.rel @p2 .LBB2_12-.Ltmp4, $1  }
0x8a: {  	_ =	sdelay $0x3  }
0x8b: {  	p2 =	slt.s32 s28, $0x4B00;
	s26 =	smov.u32 s28  }
0x8c: {  	s26 =	simm.s32 @!p2 $0x4B00;
	p2 =	sne.s32 s29, $0x1  }
.Ltmp5:
0x8d: {  	_ = 	snop;
	(pc) =	sbr.rel @!p2 .LBB2_11-.Ltmp5, $4  }
0x8e: {  	s30 =	ssub.s32 s26, s28  }
0x8f: {  	s26 =	sadd.s32 s26, s2;
	s30 =	sadd.s32 $0xF9F0, s30  }
0x90: {  	[tilespmem:s30], [sflag:$0x2] =	stream.linear.gather [spmem:s26], $0x400, $0x38;
	[tilespmem:$0x166F0] =	vst v63  }
0x91: {  	s29 =	sadd.s32 $0xFFFFFFFF, s29;
	s26 =	sadd.s32 $0x400, s28  }
.LBB2_10:
0x92: {  	p2 =	slt.s32 s26, $0x4B00;
	s30 =	smov.u32 s26  }
0x93: {  	s30 =	simm.s32 @!p2 $0x4B00;
	p2 =	sne.s32 s29, $0x1  }
.Ltmp6:
0x94: {  	(pc) =	sbr.rel @p2 .LBB2_10-.Ltmp6, $4  }
0x95: {  	s26 =	sadd.s32 $0x400, s26;
	s31 =	ssub.s32 s30, s28;
	_ =	swait.ge [sflag:s18], $0x400  }
0x96: {  	s30 =	sadd.s32 s30, s2;
	s31 =	sadd.s32 $0xF9F0, s31;
	[sflag:s18] =	ssyncset.done $0x0  }
0x97: {  	s29 =	sadd.s32 $0xFFFFFFFF, s29;
	[sflag:s18] =	ssyncadd.s32 $0xFFFFFC00  }
0x98: {  	[tilespmem:s31], [sflag:$0x2] =	stream.linear.gather [spmem:s30], $0x400, $0x38;
	[tilespmem:$0x166F0] =	vst v63  }
.LBB2_11:
0x99: {  	_ =	swait.ge [sflag:s18], $0x400  }
0x9a: {  	[sflag:s18] =	ssyncset.done $0x0  }
0x9b: {  	[sflag:s18] =	ssyncadd.s32 $0xFFFFFC00  }
.LBB2_12:
0x9c: {  	s26 =	simm.s32 $0x0  }
0x9d: {  	v2 =	vld [tilespmem:s26+$0x4F0];
	_ =	sdelay $0x3  }
0x9e: {  	v1 =	vmov s28  }
0x9f: {  	v2 =	vsub.s32 v2, v1;
	_ =	sdelay $0x2  }
0xa0: {  	v3 =	vld [tilespmem:s26+$0x500]  }
0xa1: {  	v4 =	vld [tilespmem:s26+$0x7F70]  }
0xa2: {  	v2 =	vld.idx.msk [tilespmem:v2+s24+$0x0], $0xffff;
	_ =	sdelay $0x2  }
0xa3: {  	v3 =	vsub.s32 v3, v1;
	_ =	sdelay $0x1  }
0xa4: {  	v2 =	vadd.f32 v4, v2  }
0xa5: {  	v4 =	vld [tilespmem:s26+$0x7F80]  }
0xa6: {  	[tilespmem:s26+$0x7F70] =	vst v2;
	v2 =	vld [tilespmem:s26+$0x510]  }
0xa7: {  	v3 =	vld.idx.msk [tilespmem:v3+s24+$0x0], $0xffff;
	_ =	sdelay $0x3  }
0xa8: {  	v2 =	vsub.s32 v2, v1  }
0xa9: {  	v3 =	vadd.f32 v4, v3;
	_ =	sdelay $0x1  }
0xaa: {  	[tilespmem:s26+$0x7F80] =	vst v3;
	v3 =	vld [tilespmem:s26+$0x520]  }
0xab: {  	v4 =	vld [tilespmem:s26+$0x7F90]  }
0xac: {  	v2 =	vld.idx.msk [tilespmem:v2+s24+$0x0], $0xffff;
	_ =	sdelay $0x2  }
0xad: {  	v3 =	vsub.s32 v3, v1;
	_ =	sdelay $0x1  }
0xae: {  	v2 =	vadd.f32 v4, v2  }
0xaf: {  	v4 =	vld [tilespmem:s26+$0x7FA0]  }
0xb0: {  	[tilespmem:s26+$0x7F90] =	vst v2;
	v2 =	vld [tilespmem:s26+$0x530]  }
0xb1: {  	v3 =	vld.idx.msk [tilespmem:v3+s24+$0x0], $0xffff;
	_ =	sdelay $0x3  }
0xb2: {  	v2 =	vsub.s32 v2, v1  }
0xb3: {  	v3 =	vadd.f32 v4, v3;
	_ =	sdelay $0x1  }
0xb4: {  	[tilespmem:s26+$0x7FA0] =	vst v3;
	v3 =	vld [tilespmem:s26+$0x540]  }
0xb5: {  	v4 =	vld [tilespmem:s26+$0x7FB0]  }
0xb6: {  	v2 =	vld.idx.msk [tilespmem:v2+s24+$0x0], $0xffff;
	_ =	sdelay $0x2  }
0xb7: {  	v3 =	vsub.s32 v3, v1;
	_ =	sdelay $0x1  }
0xb8: {  	v2 =	vadd.f32 v4, v2  }
0xb9: {  	v4 =	vld [tilespmem:s26+$0x7FC0]  }
0xba: {  	[tilespmem:s26+$0x7FB0] =	vst v2;
	v2 =	vld [tilespmem:s26+$0x550]  }
0xbb: {  	v3 =	vld.idx.msk [tilespmem:v3+s24+$0x0], $0xffff;
	_ =	sdelay $0x3  }
0xbc: {  	v2 =	vsub.s32 v2, v1  }
0xbd: {  	v3 =	vadd.f32 v4, v3;
	_ =	sdelay $0x1  }
0xbe: {  	[tilespmem:s26+$0x7FC0] =	vst v3;
	v3 =	vld [tilespmem:s26+$0x560]  }
0xbf: {  	v5 =	vld [tilespmem:s26+$0x7FD0]  }
0xc0: {  	v4 =	vld.idx.msk [tilespmem:v2+s24+$0x0], $0xffff;
	_ =	sdelay $0x2  }
0xc1: {  	v2 =	vsub.s32 v3, v1;
	_ =	sdelay $0x1  }
0xc2: {  	v3 =	vadd.f32 v5, v4  }
0xc3: {  	s29 =	simm.s32 $0x80;
	s28 =	simm.s32 $0x400  }
.LBB2_13:
0xc4: {  	p2 =	sne.s32 s28, $0x1E800;
	v4 =	vld [tilespmem:s29+$0x4F0];
	[tilespmem:s26+$0x7FD0] =	vst v3  }
0xc5: {  	v2 =	vld.idx.msk [tilespmem:v2+s24+$0x0], $0xffff  }
0xc6: {  	v3 =	vld [tilespmem:s26+$0x7FE0];
	_ =	sdelay $0x2  }
0xc7: {  	v4 =	vsub.s32 v4, v1;
	_ =	sdelay $0x1  }
0xc8: {  	v2 =	vadd.f32 v3, v2;
	_ =	sdelay $0x1  }
0xc9: {  	v3 =	vld [tilespmem:s29+$0x500];
	[tilespmem:s26+$0x7FE0] =	vst v2;
	s26 =	smov.u32 s29  }
0xca: {  	v2 =	vld.idx.msk [tilespmem:v4+s24+$0x0], $0xffff  }
0xcb: {  	v4 =	vld [tilespmem:s26+$0x7F70];
	_ =	sdelay $0x2  }
0xcc: {  	v3 =	vsub.s32 v3, v1;
	_ =	sdelay $0x1  }
0xcd: {  	v2 =	vadd.f32 v4, v2;
	_ =	sdelay $0x1  }
0xce: {  	[tilespmem:s26+$0x7F70] =	vst v2;
	v2 =	vld [tilespmem:s26+$0x510]  }
0xcf: {  	v3 =	vld.idx.msk [tilespmem:v3+s24+$0x0], $0xffff  }
0xd0: {  	v4 =	vld [tilespmem:s26+$0x7F80];
	_ =	sdelay $0x2  }
0xd1: {  	v2 =	vsub.s32 v2, v1;
	_ =	sdelay $0x1  }
0xd2: {  	v3 =	vadd.f32 v4, v3;
	_ =	sdelay $0x1  }
0xd3: {  	[tilespmem:s26+$0x7F80] =	vst v3;
	v3 =	vld [tilespmem:s26+$0x520]  }
0xd4: {  	v2 =	vld.idx.msk [tilespmem:v2+s24+$0x0], $0xffff  }
0xd5: {  	v4 =	vld [tilespmem:s26+$0x7F90];
	_ =	sdelay $0x2  }
0xd6: {  	v3 =	vsub.s32 v3, v1;
	_ =	sdelay $0x1  }
0xd7: {  	v2 =	vadd.f32 v4, v2;
	_ =	sdelay $0x1  }
0xd8: {  	[tilespmem:s26+$0x7F90] =	vst v2;
	v2 =	vld [tilespmem:s26+$0x530]  }
0xd9: {  	v3 =	vld.idx.msk [tilespmem:v3+s24+$0x0], $0xffff  }
0xda: {  	v4 =	vld [tilespmem:s26+$0x7FA0];
	_ =	sdelay $0x2  }
0xdb: {  	v2 =	vsub.s32 v2, v1;
	_ =	sdelay $0x1  }
0xdc: {  	v3 =	vadd.f32 v4, v3;
	_ =	sdelay $0x1  }
0xdd: {  	[tilespmem:s26+$0x7FA0] =	vst v3;
	v3 =	vld [tilespmem:s26+$0x540]  }
0xde: {  	v2 =	vld.idx.msk [tilespmem:v2+s24+$0x0], $0xffff  }
0xdf: {  	v4 =	vld [tilespmem:s26+$0x7FB0];
	_ =	sdelay $0x2  }
0xe0: {  	v3 =	vsub.s32 v3, v1;
	_ =	sdelay $0x1  }
0xe1: {  	v2 =	vadd.f32 v4, v2;
	_ =	sdelay $0x1  }
0xe2: {  	[tilespmem:s26+$0x7FB0] =	vst v2;
	v2 =	vld [tilespmem:s26+$0x550]  }
0xe3: {  	v3 =	vld.idx.msk [tilespmem:v3+s24+$0x0], $0xffff  }
0xe4: {  	v4 =	vld [tilespmem:s26+$0x7FC0];
	_ =	sdelay $0x2  }
0xe5: {  	v2 =	vsub.s32 v2, v1;
	_ =	sdelay $0x1  }
0xe6: {  	v3 =	vadd.f32 v4, v3;
	_ =	sdelay $0x1  }
0xe7: {  	[tilespmem:s26+$0x7FC0] =	vst v3;
	v3 =	vld [tilespmem:s26+$0x560]  }
0xe8: {  	v4 =	vld.idx.msk [tilespmem:v2+s24+$0x0], $0xffff  }
0xe9: {  	v5 =	vld [tilespmem:s26+$0x7FD0];
	_ =	sdelay $0x1  }
.Ltmp7:
0xea: {  	(pc) =	sbr.rel @p2 .LBB2_13-.Ltmp7, $3  }
0xeb: {  	v2 =	vsub.s32 v3, v1;
	_ =	sdelay $0x1  }
0xec: {  	v3 =	vadd.f32 v5, v4  }
0xed: {  	s29 =	sshra.s32 s28, $0x2;
	s28 =	sadd.s32 $0x200, s28  }
0xee: {  	_ =	sdelay $0x1  }
0xef: {  	v4 =	vld [tilespmem:s29+$0x4F0]  }
0xf0: {  	[tilespmem:s26+$0x7FD0] =	vst v3;
	v3 =	vld [tilespmem:s26+$0x7FE0]  }
0xf1: {  	v2 =	vld.idx.msk [tilespmem:v2+s24+$0x0], $0xffff;
	_ =	sdelay $0x3  }
0xf2: {  	v4 =	vsub.s32 v4, v1  }
0xf3: {  	v2 =	vadd.f32 v3, v2;
	_ =	sdelay $0x1  }
0xf4: {  	v3 =	vld [tilespmem:s29+$0x500];
	[tilespmem:s26+$0x7FE0] =	vst v2  }
0xf5: {  	v57 =	vld [tilespmem:s29+$0x7F70]  }
0xf6: {  	v2 =	vld.idx.msk [tilespmem:v4+s24+$0x0], $0xffff;
	_ =	sdelay $0x2  }
0xf7: {  	v3 =	vsub.s32 v3, v1;
	_ =	sdelay $0x1  }
0xf8: {  	v2 =	vadd.f32 v57, v2  }
0xf9: {  	v58 =	vld [tilespmem:s29+$0x7F80]  }
0xfa: {  	[tilespmem:s29+$0x7F70] =	vst v2;
	v2 =	vld [tilespmem:s29+$0x510]  }
0xfb: {  	v3 =	vld.idx.msk [tilespmem:v3+s24+$0x0], $0xffff;
	_ =	sdelay $0x3  }
0xfc: {  	v2 =	vsub.s32 v2, v1  }
0xfd: {  	v3 =	vadd.f32 v58, v3;
	_ =	sdelay $0x1  }
0xfe: {  	[tilespmem:s29+$0x7F80] =	vst v3;
	v3 =	vld [tilespmem:s29+$0x520]  }
0xff: {  	v59 =	vld [tilespmem:s29+$0x7F90]  }
0x100: {  	v2 =	vld.idx.msk [tilespmem:v2+s24+$0x0], $0xffff;
	_ =	sdelay $0x2  }
0x101: {  	v3 =	vsub.s32 v3, v1;
	_ =	sdelay $0x1  }
0x102: {  	v2 =	vadd.f32 v59, v2  }
0x103: {  	v60 =	vld [tilespmem:s29+$0x7FA0]  }
0x104: {  	[tilespmem:s29+$0x7F90] =	vst v2;
	v2 =	vld [tilespmem:s29+$0x530]  }
0x105: {  	v3 =	vld.idx.msk [tilespmem:v3+s24+$0x0], $0xffff;
	_ =	sdelay $0x3  }
0x106: {  	v2 =	vsub.s32 v2, v1  }
0x107: {  	v3 =	vadd.f32 v60, v3;
	_ =	sdelay $0x1  }
0x108: {  	[tilespmem:s29+$0x7FA0] =	vst v3;
	v3 =	vld [tilespmem:s29+$0x540]  }
0x109: {  	v61 =	vld [tilespmem:s29+$0x7FB0]  }
0x10a: {  	v2 =	vld.idx.msk [tilespmem:v2+s24+$0x0], $0xffff;
	_ =	sdelay $0x2  }
0x10b: {  	v3 =	vsub.s32 v3, v1;
	_ =	sdelay $0x1  }
0x10c: {  	v2 =	vadd.f32 v61, v2  }
0x10d: {  	v62 =	vld [tilespmem:s29+$0x7FC0]  }
0x10e: {  	[tilespmem:s29+$0x7FB0] =	vst v2;
	v2 =	vld [tilespmem:s29+$0x550]  }
0x10f: {  	v3 =	vld.idx.msk [tilespmem:v3+s24+$0x0], $0xffff;
	_ =	sdelay $0x3  }
0x110: {  	v2 =	vsub.s32 v2, v1  }
0x111: {  	v3 =	vadd.f32 v62, v3;
	_ =	sdelay $0x1  }
0x112: {  	[tilespmem:s29+$0x7FC0] =	vst v3;
	v3 =	vld [tilespmem:s29+$0x560]  }
0x113: {  	v63 =	vld [tilespmem:s29+$0x7FD0]  }
0x114: {  	v2 =	vld.idx.msk [tilespmem:v2+s24+$0x0], $0xffff;
	_ =	sdelay $0x2  }
0x115: {  	v1 =	vsub.s32 v3, v1;
	_ =	sdelay $0x1  }
0x116: {  	v2 =	vadd.f32 v63, v2;
	_ =	sdelay $0x1  }
0x117: {  	[tilespmem:s29+$0x7FD0] =	vst v2;
	v2 =	vld [tilespmem:s29+$0x7FE0]  }
0x118: {  	v1 =	vld.idx.msk [tilespmem:v1+s24+$0x0], $0xffff;
	_ =	sdelay $0x4  }
0x119: {  	v1 =	vadd.f32 v2, v1;
	_ =	sdelay $0x1  }
0x11a: {  	s28 =	simm.s32 @p0 $0x7F70;
	s26 =	simm.s32 @p0 $0x0;
	[tilespmem:s29+$0x7FE0] =	vst v1  }
0x11b: {  	[hbm4b:s15+s26] =	stream.linear.scatter @p0 [tilespmem:s28], [sflag:$0x2], $0x6CC0, $0x38;
	[tilespmem:$0x166F0] =	vst v63  }
0x11c: {  	s26 =	simm.s32 @p0 $0x2  }
0x11d: {  	s25 =	sadd.s32 $0x1, s25;
	_ =	swait.ge @p0 [sflag:s26], $0x6CC0  }
0x11e: {  	p2 =	sne.s32 s25, s16;
	[sflag:s26] =	ssyncset.done @p0 $0x0  }
0x11f: {  	s28 =	simm.s32 @!p0 $0x7F70;
	[sflag:s26] =	ssyncadd.s32 @p0 $0xFFFF9340;
	s26 =	simm.s32 @!p0 $0x0  }
0x120: {  	[hbm4b:s14+s26] =	stream.linear.scatter @!p0 [tilespmem:s28], [sflag:$0x2], $0x7A80, $0x38;
	[tilespmem:$0x166F0] =	vst v63  }
.Ltmp8:
0x121: {  	_ = 	snop;
	(pc) =	sbr.rel @p2 .LBB2_1-.Ltmp8, $4  }
0x122: {  	s26 =	simm.s32 @!p0 $0x2  }
0x123: {  	_ =	swait.ge @!p0 [sflag:s26], $0x7A80  }
0x124: {  	[sflag:s26] =	ssyncset.done @!p0 $0x0  }
0x125: {  	[sflag:s26] =	ssyncadd.s32 @!p0 $0xFFFF8580  }
0x126: {  	_ =	sfence.sel $0x180000  }
0x127: {  	[bflag:$0x0] =	sbarrier.arrive $0xFFFF  }
0x128: {  	p0 =	sne.s32 s1, $0x0;
	_ =	strace $0x9000004A  }
0x129: {  	s0 =	sadd.s32 @!p0 $0x100000, s0;
	[bflag:$0x2] =	sbarrier.arrive $0xFFFF  }
0x12a: {  	[sflag:s0] =	ssyncadd.tile.s32 @!p0 $0x1;
	_ =	shalt  }
.Lfunc_end2:
_tile_overlayer_lowered:
.L_overlay_start_2:
0x12b: {  	(tag) =	ssettag $0x2  }
0x12c: {  	s0 =	rddreg [dreg:$0x0];
	s2 =	stileid.u32  }
0x12d: {  	s1 =	rddreg [dreg:$0x1];
	p0 =	sne.s32 s2, $0x0  }
0x12e: {  	s3 =	rddreg [dreg:$0x2];
	[bflag:$0x3] =	sbarrier.arrive $0xFFFF;
	s2 =	simm.s32 @!p0 $0x1C02  }
0x12f: {  	[timem:s3], [sflag:s2] =	dma.local @!p0 [hbm:s0], s1  }
0x130: {  	s0 =	simm.s32 @!p0 $0x2  }
0x131: {  	_ =	swait.ge @!p0 [sflag:s0], s1  }
0x132: {  	s1 =	ssub.s32 @!p0 $0x0, s1;
	[sflag:s0] =	ssyncset.done @!p0 $0x0  }
0x133: {  	[sflag:s0] =	ssyncadd.s32 @!p0 s1  }
0x134: {  	[bflag:$0x3] =	sbarrier.arrive $0xFFFF  }
0x135: {  	_ =	shalt  }

</sc_bundles>
